<compile_context>
chip_gen: v7x
topology: tpu7x:2x2x1
jax: 0.10.2.dev20260603
libtpu: 0.0.44.dev20260713+nightly
codegen_flags: <defaults>
</compile_context>

<pallas_src>
import functools

import jax
import jax.numpy as jnp
from jax import lax
from jax.experimental import pallas as pl
from jax.experimental.pallas import tpu as pltpu
from jax.experimental.pallas import tpu_sc as plsc

B = 16384
K = 64
NC = 2
NS = 16
NW = NC * NS
BPW = B // NW
CHUNK = 128
NCHUNK = BPW // CHUNK
GROUPS = BPW // 16

_mesh = plsc.VectorSubcoreMesh(core_axis_name="c", subcore_axis_name="s")

_GATHER_DNUMS = lax.GatherDimensionNumbers(
    offset_dims=(), collapsed_slice_dims=(0,), start_index_map=(0,))

TBLK = 4096


def _tp_body(x_ref, o_ref):
    i = lax.broadcasted_iota(jnp.int32, (K, K), 0)
    j = lax.broadcasted_iota(jnp.int32, (K, K), 1)
    eye = (i == j).astype(jnp.float32)
    o_ref[...] = lax.dot_general(
        x_ref[...], eye, (((0,), (0,)), ((), ())),
        preferred_element_type=jnp.float32,
        precision=lax.Precision.HIGHEST)


def _transpose_table(t_fm):
    nrows = t_fm.shape[1]
    grid = (nrows + TBLK - 1) // TBLK
    return pl.pallas_call(
        _tp_body,
        grid=(grid,),
        in_specs=[pl.BlockSpec((K, TBLK), lambda i: (0, i))],
        out_specs=pl.BlockSpec((TBLK, K), lambda i: (i, 0)),
        out_shape=jax.ShapeDtypeStruct((nrows, K), jnp.float32),
    )(t_fm)


def _permute(x, idx):
    return lax.gather(x, idx[:, None], _GATHER_DNUMS, (1,),
                      mode=lax.GatherScatterMode.PROMISE_IN_BOUNDS)


@functools.partial(
    pl.kernel,
    out_type=(jax.ShapeDtypeStruct((NW, BPW, K), jnp.float32),
              jax.ShapeDtypeStruct((NW, NCHUNK, CHUNK), jnp.float32)),
    mesh=_mesh,
    compiler_params=pltpu.CompilerParams(
        use_tc_tiling_on_sc=False, skip_device_barrier=True),
    scratch_types=[
        pltpu.VMEM((NCHUNK, CHUNK), jnp.int32),
        pltpu.VMEM((BPW, K), jnp.float32),
        pltpu.VMEM((NCHUNK, CHUNK), jnp.float32),
        pltpu.SemaphoreType.DMA,
    ],
)
def _mf_user(user_hbm, ue_hbm, ub_hbm, rows_hbm, ubias_hbm,
             idx_u, u_rows, bias_u, sem):
    wid = lax.axis_index("s") * NC + lax.axis_index("c")

    pltpu.sync_copy(user_hbm.at[wid], idx_u)
    copies = []
    for c in range(NCHUNK):
        copies.append(pltpu.async_copy(
            ue_hbm.at[idx_u.at[c]], u_rows.at[pl.ds(c * CHUNK, CHUNK)], sem))
        copies.append(pltpu.async_copy(
            ub_hbm.at[idx_u.at[c]], bias_u.at[c], sem))
    for cp in copies:
        cp.wait()

    pltpu.sync_copy(u_rows, rows_hbm.at[wid])
    pltpu.sync_copy(bias_u, ubias_hbm.at[wid])


@functools.partial(
    pl.kernel,
    out_type=jax.ShapeDtypeStruct((NW, NCHUNK, CHUNK), jnp.float32),
    mesh=_mesh,
    compiler_params=pltpu.CompilerParams(
        use_tc_tiling_on_sc=False, skip_device_barrier=True),
    scratch_types=[
        pltpu.VMEM((NCHUNK, CHUNK), jnp.int32),
        pltpu.VMEM((BPW, K), jnp.float32),
        pltpu.VMEM((BPW, K), jnp.float32),
        pltpu.VMEM((NCHUNK, CHUNK), jnp.float32),
        pltpu.VMEM((NCHUNK, CHUNK), jnp.float32),
        pltpu.VMEM((NCHUNK, CHUNK), jnp.float32),
        pltpu.SemaphoreType.DMA,
    ],
)
def _mf_item(item_hbm, ie_hbm, ib_hbm, rows_hbm, ubias_hbm, out_hbm,
             idx_i, i_rows, u_rows, bias_u, bias_i, out_v, sem):
    wid = lax.axis_index("s") * NC + lax.axis_index("c")

    pltpu.sync_copy(item_hbm.at[wid], idx_i)
    copies = [
        pltpu.async_copy(rows_hbm.at[wid], u_rows, sem),
        pltpu.async_copy(ubias_hbm.at[wid], bias_u, sem),
    ]
    for c in range(NCHUNK):
        copies.append(pltpu.async_copy(
            ie_hbm.at[idx_i.at[c]], i_rows.at[pl.ds(c * CHUNK, CHUNK)], sem))
        copies.append(pltpu.async_copy(
            ib_hbm.at[idx_i.at[c]], bias_i.at[c], sem))
    for cp in copies:
        cp.wait()

    lane = lax.iota(jnp.int32, 16)

    def group_body(g, _):
        res = jnp.zeros((16,), jnp.float32)
        for j in range(16):
            e = g * 16 + j
            acc = jnp.zeros((16,), jnp.float32)
            for t in range(K // 16):
                acc = acc + (u_rows[e, pl.ds(t * 16, 16)]
                             * i_rows[e, pl.ds(t * 16, 16)])
            for sh in (1, 2, 4, 8):
                acc = acc + _permute(acc, lane ^ sh)
            res = jnp.where(lane == j, acc, res)
        c = g // (CHUNK // 16)
        sl = pl.ds((g % (CHUNK // 16)) * 16, 16)
        out_v[c, sl] = res + bias_u[c, sl] + bias_i[c, sl]
        return _

    lax.fori_loop(0, GROUPS, group_body, 0)

    pltpu.sync_copy(out_v, out_hbm.at[wid])


def kernel(user, item, user_embedding, item_embedding, user_bias, item_bias):
    user = user.astype(jnp.int32).reshape(NW, NCHUNK, CHUNK)
    item = item.astype(jnp.int32).reshape(NW, NCHUNK, CHUNK)
    ub = user_bias.reshape(-1)
    ib = item_bias.reshape(-1)
    u_rows, u_bias = _mf_user(user, user_embedding, ub)
    out = _mf_item(item, item_embedding, ib, u_rows, u_bias)
    return out.reshape(B)

# --- scband reference (transcript-rebuilt; emitter-appended) ---
"""Pipeline reference for scband-mfmodel-76553497084048 (READ-ONLY COPY).

The authoritative reference and input builder live on the scoring server;
editing this copy changes nothing except your own understanding.
"""

import jax, jax.numpy as jnp
import numpy as np

N_USERS = 1000000
N_ITEMS = 1000000
K = 64
BATCH = 16384

def setup_inputs(seed: int = 0) -> dict:
    key = jax.random.key(seed)
    k1, k2, k3, k4 = jax.random.split(key, 4)
    user = jax.random.randint(k1, (BATCH,), 0, N_USERS, dtype=jnp.int64) if jax.config.jax_enable_x64 else jax.random.randint(k1, (BATCH,), 0, N_USERS, dtype=jnp.int32)
    item = jax.random.randint(k2, (BATCH,), 0, N_ITEMS, dtype=jnp.int32)
    user_embedding = jax.random.normal(k3, (N_USERS, K), dtype=jnp.float32) * 0.01
    item_embedding = jax.random.normal(k4, (N_ITEMS, K), dtype=jnp.float32) * 0.01
    user_bias = jnp.zeros((N_USERS, 1), dtype=jnp.float32)
    item_bias = jnp.zeros((N_ITEMS, 1), dtype=jnp.float32)
    return {
        "user": user,
        "item": item,
        "user_embedding": user_embedding,
        "item_embedding": item_embedding,
        "user_bias": user_bias,
        "item_bias": item_bias,
    }

def reference(user, item, user_embedding, item_embedding, user_bias, item_bias):
    pu = jnp.take(user_embedding, user, axis=0)            # [B, K]
    qi = jnp.take(item_embedding, item, axis=0)            # [B, K]
    bi = jnp.take(item_bias, item, axis=0).squeeze()       # [B]
    bu = jnp.take(user_bias, user, axis=0).squeeze()       # [B]
    dot = (pu * qi).sum(axis=1)                            # [B]
    return dot + bu + bi

if __name__ == "__main__":
    import jax
    _d = setup_inputs()
    print(jax.jit(kernel)(*tuple(_d.values())))

</pallas_src>

<mosaic_0001>
#map = affine_map<(d0, d1) -> (0, 0, 0)>
#map1 = affine_map<(d0, d1) -> (0, 0)>
#map2 = affine_map<(d0, d1) -> (0)>
module attributes {stable_mosaic.version = 14 : i64} {
  func.func @_mf_user(%arg0: i32, %arg1: i32, %arg2: memref<32x4x128xi32, #tpu.memory_space<hbm>>, %arg3: memref<1000000x64xf32, #tpu.memory_space<hbm>>, %arg4: memref<1000000xf32, #tpu.memory_space<hbm>>, %arg5: memref<32x512x64xf32, #tpu.memory_space<hbm>>, %arg6: memref<32x4x128xf32, #tpu.memory_space<hbm>>, %arg7: memref<4x128xi32, #tpu.memory_space<vmem>>, %arg8: memref<512x64xf32, #tpu.memory_space<vmem>>, %arg9: memref<4x128xf32, #tpu.memory_space<vmem>>, %arg10: memref<!tpu.dma_semaphore, #tpu.memory_space<semaphore_mem>>) attributes {dimension_semantics = [#tpu.dimension_semantics<core_parallel>, #tpu.dimension_semantics<subcore_parallel>], iteration_bounds = array<i64: 2, 16>, scalar_prefetch = 0 : i64, scratch_operands = 4 : i64, tpu.core_type = #tpu.core_type<sc_vector_subcore>, window_params = [{transform_indices = #map}, {transform_indices = #map1}, {transform_indices = #map2}, {transform_indices = #map}, {transform_indices = #map}]} {
    %mul3A = arith.constant 2 : i32
    %mul3A_0 = arith.muli %arg1, %mul3A : i32
    %add3A = arith.addi %mul3A_0, %arg0 : i32
    "tpu.region"() ({
      %run_scoped3A = tpu.sem_alloc : memref<!tpu.dma_semaphore, #tpu.memory_space<semaphore_mem>>
      %dma_start3A_159 = arith.constant 0 : i32
      %dma_start3A_160 = arith.constant 0 : i32
      %dma_start3A_161 = tpu.memref_slice %arg2[%add3A, %dma_start3A_159, %dma_start3A_160] : memref<32x4x128xi32, #tpu.memory_space<hbm>> -> memref<1x4x128xi32, #tpu.memory_space<hbm>>
      %dma_start3A_162 = tpu.memref_squeeze %dma_start3A_161 : memref<1x4x128xi32, #tpu.memory_space<hbm>> -> memref<4x128xi32, #tpu.memory_space<hbm>>
      %dma_start3A_163 = arith.constant 0 : i32
      %dma_start3A_164 = arith.constant 0 : i32
      %dma_start3A_165 = tpu.memref_slice %arg2[%add3A, %dma_start3A_163, %dma_start3A_164] : memref<32x4x128xi32, #tpu.memory_space<hbm>> -> memref<1x4x128xi32, #tpu.memory_space<hbm>>
      %dma_start3A_166 = tpu.memref_squeeze %dma_start3A_165 : memref<1x4x128xi32, #tpu.memory_space<hbm>> -> memref<4x128xi32, #tpu.memory_space<hbm>>
      tpu.enqueue_dma source(%dma_start3A_166 : memref<4x128xi32, #tpu.memory_space<hbm>>) target(%arg7 : memref<4x128xi32, #tpu.memory_space<vmem>>) target_semaphore(%run_scoped3A : memref<!tpu.dma_semaphore, #tpu.memory_space<semaphore_mem>>)
      %dma_wait3A_167 = arith.constant 0 : i32
      %dma_wait3A_168 = arith.constant 0 : i32
      %dma_wait3A_169 = tpu.memref_slice %arg2[%add3A, %dma_wait3A_167, %dma_wait3A_168] : memref<32x4x128xi32, #tpu.memory_space<hbm>> -> memref<1x4x128xi32, #tpu.memory_space<hbm>>
      %dma_wait3A_170 = tpu.memref_squeeze %dma_wait3A_169 : memref<1x4x128xi32, #tpu.memory_space<hbm>> -> memref<4x128xi32, #tpu.memory_space<hbm>>
      %dma_wait3A_171 = arith.constant 0 : i32
      %dma_wait3A_172 = arith.constant 0 : i32
      %dma_wait3A_173 = tpu.memref_slice %arg2[%add3A, %dma_wait3A_171, %dma_wait3A_172] : memref<32x4x128xi32, #tpu.memory_space<hbm>> -> memref<1x4x128xi32, #tpu.memory_space<hbm>>
      %dma_wait3A_174 = tpu.memref_squeeze %dma_wait3A_173 : memref<1x4x128xi32, #tpu.memory_space<hbm>> -> memref<4x128xi32, #tpu.memory_space<hbm>>
      tpu.wait_dma2 semaphore(%run_scoped3A : memref<!tpu.dma_semaphore, #tpu.memory_space<semaphore_mem>>) src(%dma_wait3A_174 : memref<4x128xi32, #tpu.memory_space<hbm>>) dst(%arg7 : memref<4x128xi32, #tpu.memory_space<vmem>>)
      tpu.yield
    }) : () -> ()
    %dma_start3A = arith.constant 0 : i32
    %dma_start3A_1 = arith.constant 0 : i32
    %dma_start3A_2 = arith.constant 0 : i32
    %dma_start3A_3 = tpu.memref_slice %arg8[%dma_start3A_1, %dma_start3A_2] : memref<512x64xf32, #tpu.memory_space<vmem>> -> memref<128x64xf32, #tpu.memory_space<vmem>>
    %dma_start3A_4 = arith.constant 0 : i32
    %dma_start3A_5 = tpu.memref_slice %arg7[%dma_start3A, %dma_start3A_4] : memref<4x128xi32, #tpu.memory_space<vmem>> -> memref<1x128xi32, #tpu.memory_space<vmem>>
    %dma_start3A_6 = tpu.memref_squeeze %dma_start3A_5 : memref<1x128xi32, #tpu.memory_space<vmem>> -> memref<128xi32, #tpu.memory_space<vmem>>
    %dma_start3A_7 = arith.constant 0 : i32
    %dma_start3A_8 = arith.constant 0 : i32
    %dma_start3A_9 = tpu.memref_slice %arg3[%dma_start3A_7, %dma_start3A_8] : memref<1000000x64xf32, #tpu.memory_space<hbm>> -> memref<1000000x64xf32, #tpu.memory_space<hbm>>
    tpu.enqueue_indirect_dma source(%dma_start3A_9 : memref<1000000x64xf32, #tpu.memory_space<hbm>>) target(%dma_start3A_3 : memref<128x64xf32, #tpu.memory_space<vmem>>) offsets(%dma_start3A_6 : memref<128xi32, #tpu.memory_space<vmem>>) semaphore(%arg10 : memref<!tpu.dma_semaphore, #tpu.memory_space<semaphore_mem>>)
    %dma_start3A_10 = arith.constant 0 : i32
    %dma_start3A_11 = arith.constant 0 : i32
    %dma_start3A_12 = arith.constant 0 : i32
    %dma_start3A_13 = tpu.memref_slice %arg9[%dma_start3A_11, %dma_start3A_12] : memref<4x128xf32, #tpu.memory_space<vmem>> -> memref<1x128xf32, #tpu.memory_space<vmem>>
    %dma_start3A_14 = tpu.memref_squeeze %dma_start3A_13 : memref<1x128xf32, #tpu.memory_space<vmem>> -> memref<128xf32, #tpu.memory_space<vmem>>
    %dma_start3A_15 = arith.constant 0 : i32
    %dma_start3A_16 = tpu.memref_slice %arg7[%dma_start3A_10, %dma_start3A_15] : memref<4x128xi32, #tpu.memory_space<vmem>> -> memref<1x128xi32, #tpu.memory_space<vmem>>
    %dma_start3A_17 = tpu.memref_squeeze %dma_start3A_16 : memref<1x128xi32, #tpu.memory_space<vmem>> -> memref<128xi32, #tpu.memory_space<vmem>>
    %dma_start3A_18 = arith.constant 0 : i32
    %dma_start3A_19 = tpu.memref_slice %arg4[%dma_start3A_18] : memref<1000000xf32, #tpu.memory_space<hbm>> -> memref<1000000xf32, #tpu.memory_space<hbm>>
    tpu.enqueue_indirect_dma source(%dma_start3A_19 : memref<1000000xf32, #tpu.memory_space<hbm>>) target(%dma_start3A_14 : memref<128xf32, #tpu.memory_space<vmem>>) offsets(%dma_start3A_17 : memref<128xi32, #tpu.memory_space<vmem>>) semaphore(%arg10 : memref<!tpu.dma_semaphore, #tpu.memory_space<semaphore_mem>>)
    %dma_start3A_20 = arith.constant 1 : i32
    %dma_start3A_21 = arith.constant 128 : i32
    %dma_start3A_22 = arith.constant 0 : i32
    %dma_start3A_23 = tpu.memref_slice %arg8[%dma_start3A_21, %dma_start3A_22] : memref<512x64xf32, #tpu.memory_space<vmem>> -> memref<128x64xf32, #tpu.memory_space<vmem>>
    %dma_start3A_24 = arith.constant 0 : i32
    %dma_start3A_25 = tpu.memref_slice %arg7[%dma_start3A_20, %dma_start3A_24] : memref<4x128xi32, #tpu.memory_space<vmem>> -> memref<1x128xi32, #tpu.memory_space<vmem>>
    %dma_start3A_26 = tpu.memref_squeeze %dma_start3A_25 : memref<1x128xi32, #tpu.memory_space<vmem>> -> memref<128xi32, #tpu.memory_space<vmem>>
    %dma_start3A_27 = arith.constant 0 : i32
    %dma_start3A_28 = arith.constant 0 : i32
    %dma_start3A_29 = tpu.memref_slice %arg3[%dma_start3A_27, %dma_start3A_28] : memref<1000000x64xf32, #tpu.memory_space<hbm>> -> memref<1000000x64xf32, #tpu.memory_space<hbm>>
    tpu.enqueue_indirect_dma source(%dma_start3A_29 : memref<1000000x64xf32, #tpu.memory_space<hbm>>) target(%dma_start3A_23 : memref<128x64xf32, #tpu.memory_space<vmem>>) offsets(%dma_start3A_26 : memref<128xi32, #tpu.memory_space<vmem>>) semaphore(%arg10 : memref<!tpu.dma_semaphore, #tpu.memory_space<semaphore_mem>>)
    %dma_start3A_30 = arith.constant 1 : i32
    %dma_start3A_31 = arith.constant 1 : i32
    %dma_start3A_32 = arith.constant 0 : i32
    %dma_start3A_33 = tpu.memref_slice %arg9[%dma_start3A_31, %dma_start3A_32] : memref<4x128xf32, #tpu.memory_space<vmem>> -> memref<1x128xf32, #tpu.memory_space<vmem>>
    %dma_start3A_34 = tpu.memref_squeeze %dma_start3A_33 : memref<1x128xf32, #tpu.memory_space<vmem>> -> memref<128xf32, #tpu.memory_space<vmem>>
    %dma_start3A_35 = arith.constant 0 : i32
    %dma_start3A_36 = tpu.memref_slice %arg7[%dma_start3A_30, %dma_start3A_35] : memref<4x128xi32, #tpu.memory_space<vmem>> -> memref<1x128xi32, #tpu.memory_space<vmem>>
    %dma_start3A_37 = tpu.memref_squeeze %dma_start3A_36 : memref<1x128xi32, #tpu.memory_space<vmem>> -> memref<128xi32, #tpu.memory_space<vmem>>
    %dma_start3A_38 = arith.constant 0 : i32
    %dma_start3A_39 = tpu.memref_slice %arg4[%dma_start3A_38] : memref<1000000xf32, #tpu.memory_space<hbm>> -> memref<1000000xf32, #tpu.memory_space<hbm>>
    tpu.enqueue_indirect_dma source(%dma_start3A_39 : memref<1000000xf32, #tpu.memory_space<hbm>>) target(%dma_start3A_34 : memref<128xf32, #tpu.memory_space<vmem>>) offsets(%dma_start3A_37 : memref<128xi32, #tpu.memory_space<vmem>>) semaphore(%arg10 : memref<!tpu.dma_semaphore, #tpu.memory_space<semaphore_mem>>)
    %dma_start3A_40 = arith.constant 2 : i32
    %dma_start3A_41 = arith.constant 256 : i32
    %dma_start3A_42 = arith.constant 0 : i32
    %dma_start3A_43 = tpu.memref_slice %arg8[%dma_start3A_41, %dma_start3A_42] : memref<512x64xf32, #tpu.memory_space<vmem>> -> memref<128x64xf32, #tpu.memory_space<vmem>>
    %dma_start3A_44 = arith.constant 0 : i32
    %dma_start3A_45 = tpu.memref_slice %arg7[%dma_start3A_40, %dma_start3A_44] : memref<4x128xi32, #tpu.memory_space<vmem>> -> memref<1x128xi32, #tpu.memory_space<vmem>>
    %dma_start3A_46 = tpu.memref_squeeze %dma_start3A_45 : memref<1x128xi32, #tpu.memory_space<vmem>> -> memref<128xi32, #tpu.memory_space<vmem>>
    %dma_start3A_47 = arith.constant 0 : i32
    %dma_start3A_48 = arith.constant 0 : i32
    %dma_start3A_49 = tpu.memref_slice %arg3[%dma_start3A_47, %dma_start3A_48] : memref<1000000x64xf32, #tpu.memory_space<hbm>> -> memref<1000000x64xf32, #tpu.memory_space<hbm>>
    tpu.enqueue_indirect_dma source(%dma_start3A_49 : memref<1000000x64xf32, #tpu.memory_space<hbm>>) target(%dma_start3A_43 : memref<128x64xf32, #tpu.memory_space<vmem>>) offsets(%dma_start3A_46 : memref<128xi32, #tpu.memory_space<vmem>>) semaphore(%arg10 : memref<!tpu.dma_semaphore, #tpu.memory_space<semaphore_mem>>)
    %dma_start3A_50 = arith.constant 2 : i32
    %dma_start3A_51 = arith.constant 2 : i32
    %dma_start3A_52 = arith.constant 0 : i32
    %dma_start3A_53 = tpu.memref_slice %arg9[%dma_start3A_51, %dma_start3A_52] : memref<4x128xf32, #tpu.memory_space<vmem>> -> memref<1x128xf32, #tpu.memory_space<vmem>>
    %dma_start3A_54 = tpu.memref_squeeze %dma_start3A_53 : memref<1x128xf32, #tpu.memory_space<vmem>> -> memref<128xf32, #tpu.memory_space<vmem>>
    %dma_start3A_55 = arith.constant 0 : i32
    %dma_start3A_56 = tpu.memref_slice %arg7[%dma_start3A_50, %dma_start3A_55] : memref<4x128xi32, #tpu.memory_space<vmem>> -> memref<1x128xi32, #tpu.memory_space<vmem>>
    %dma_start3A_57 = tpu.memref_squeeze %dma_start3A_56 : memref<1x128xi32, #tpu.memory_space<vmem>> -> memref<128xi32, #tpu.memory_space<vmem>>
    %dma_start3A_58 = arith.constant 0 : i32
    %dma_start3A_59 = tpu.memref_slice %arg4[%dma_start3A_58] : memref<1000000xf32, #tpu.memory_space<hbm>> -> memref<1000000xf32, #tpu.memory_space<hbm>>
    tpu.enqueue_indirect_dma source(%dma_start3A_59 : memref<1000000xf32, #tpu.memory_space<hbm>>) target(%dma_start3A_54 : memref<128xf32, #tpu.memory_space<vmem>>) offsets(%dma_start3A_57 : memref<128xi32, #tpu.memory_space<vmem>>) semaphore(%arg10 : memref<!tpu.dma_semaphore, #tpu.memory_space<semaphore_mem>>)
    %dma_start3A_60 = arith.constant 3 : i32
    %dma_start3A_61 = arith.constant 384 : i32
    %dma_start3A_62 = arith.constant 0 : i32
    %dma_start3A_63 = tpu.memref_slice %arg8[%dma_start3A_61, %dma_start3A_62] : memref<512x64xf32, #tpu.memory_space<vmem>> -> memref<128x64xf32, #tpu.memory_space<vmem>>
    %dma_start3A_64 = arith.constant 0 : i32
    %dma_start3A_65 = tpu.memref_slice %arg7[%dma_start3A_60, %dma_start3A_64] : memref<4x128xi32, #tpu.memory_space<vmem>> -> memref<1x128xi32, #tpu.memory_space<vmem>>
    %dma_start3A_66 = tpu.memref_squeeze %dma_start3A_65 : memref<1x128xi32, #tpu.memory_space<vmem>> -> memref<128xi32, #tpu.memory_space<vmem>>
    %dma_start3A_67 = arith.constant 0 : i32
    %dma_start3A_68 = arith.constant 0 : i32
    %dma_start3A_69 = tpu.memref_slice %arg3[%dma_start3A_67, %dma_start3A_68] : memref<1000000x64xf32, #tpu.memory_space<hbm>> -> memref<1000000x64xf32, #tpu.memory_space<hbm>>
    tpu.enqueue_indirect_dma source(%dma_start3A_69 : memref<1000000x64xf32, #tpu.memory_space<hbm>>) target(%dma_start3A_63 : memref<128x64xf32, #tpu.memory_space<vmem>>) offsets(%dma_start3A_66 : memref<128xi32, #tpu.memory_space<vmem>>) semaphore(%arg10 : memref<!tpu.dma_semaphore, #tpu.memory_space<semaphore_mem>>)
    %dma_start3A_70 = arith.constant 3 : i32
    %dma_start3A_71 = arith.constant 3 : i32
    %dma_start3A_72 = arith.constant 0 : i32
    %dma_start3A_73 = tpu.memref_slice %arg9[%dma_start3A_71, %dma_start3A_72] : memref<4x128xf32, #tpu.memory_space<vmem>> -> memref<1x128xf32, #tpu.memory_space<vmem>>
    %dma_start3A_74 = tpu.memref_squeeze %dma_start3A_73 : memref<1x128xf32, #tpu.memory_space<vmem>> -> memref<128xf32, #tpu.memory_space<vmem>>
    %dma_start3A_75 = arith.constant 0 : i32
    %dma_start3A_76 = tpu.memref_slice %arg7[%dma_start3A_70, %dma_start3A_75] : memref<4x128xi32, #tpu.memory_space<vmem>> -> memref<1x128xi32, #tpu.memory_space<vmem>>
    %dma_start3A_77 = tpu.memref_squeeze %dma_start3A_76 : memref<1x128xi32, #tpu.memory_space<vmem>> -> memref<128xi32, #tpu.memory_space<vmem>>
    %dma_start3A_78 = arith.constant 0 : i32
    %dma_start3A_79 = tpu.memref_slice %arg4[%dma_start3A_78] : memref<1000000xf32, #tpu.memory_space<hbm>> -> memref<1000000xf32, #tpu.memory_space<hbm>>
    tpu.enqueue_indirect_dma source(%dma_start3A_79 : memref<1000000xf32, #tpu.memory_space<hbm>>) target(%dma_start3A_74 : memref<128xf32, #tpu.memory_space<vmem>>) offsets(%dma_start3A_77 : memref<128xi32, #tpu.memory_space<vmem>>) semaphore(%arg10 : memref<!tpu.dma_semaphore, #tpu.memory_space<semaphore_mem>>)
    %dma_wait3A = arith.constant 0 : i32
    %dma_wait3A_80 = arith.constant 0 : i32
    %dma_wait3A_81 = arith.constant 0 : i32
    %dma_wait3A_82 = tpu.memref_slice %arg8[%dma_wait3A_80, %dma_wait3A_81] : memref<512x64xf32, #tpu.memory_space<vmem>> -> memref<128x64xf32, #tpu.memory_space<vmem>>
    %dma_wait3A_83 = arith.constant 0 : i32
    %dma_wait3A_84 = tpu.memref_slice %arg7[%dma_wait3A, %dma_wait3A_83] : memref<4x128xi32, #tpu.memory_space<vmem>> -> memref<1x128xi32, #tpu.memory_space<vmem>>
    %dma_wait3A_85 = tpu.memref_squeeze %dma_wait3A_84 : memref<1x128xi32, #tpu.memory_space<vmem>> -> memref<128xi32, #tpu.memory_space<vmem>>
    %dma_wait3A_86 = arith.constant 0 : i32
    %dma_wait3A_87 = arith.constant 0 : i32
    %dma_wait3A_88 = tpu.memref_slice %arg3[%dma_wait3A_86, %dma_wait3A_87] : memref<1000000x64xf32, #tpu.memory_space<hbm>> -> memref<1000000x64xf32, #tpu.memory_space<hbm>>
    tpu.wait_indirect_dma semaphore(%arg10 : memref<!tpu.dma_semaphore, #tpu.memory_space<semaphore_mem>>) src(%dma_wait3A_88 : memref<1000000x64xf32, #tpu.memory_space<hbm>>) dst(%dma_wait3A_82 : memref<128x64xf32, #tpu.memory_space<vmem>>)
    %dma_wait3A_89 = arith.constant 0 : i32
    %dma_wait3A_90 = arith.constant 0 : i32
    %dma_wait3A_91 = arith.constant 0 : i32
    %dma_wait3A_92 = tpu.memref_slice %arg9[%dma_wait3A_90, %dma_wait3A_91] : memref<4x128xf32, #tpu.memory_space<vmem>> -> memref<1x128xf32, #tpu.memory_space<vmem>>
    %dma_wait3A_93 = tpu.memref_squeeze %dma_wait3A_92 : memref<1x128xf32, #tpu.memory_space<vmem>> -> memref<128xf32, #tpu.memory_space<vmem>>
    %dma_wait3A_94 = arith.constant 0 : i32
    %dma_wait3A_95 = tpu.memref_slice %arg7[%dma_wait3A_89, %dma_wait3A_94] : memref<4x128xi32, #tpu.memory_space<vmem>> -> memref<1x128xi32, #tpu.memory_space<vmem>>
    %dma_wait3A_96 = tpu.memref_squeeze %dma_wait3A_95 : memref<1x128xi32, #tpu.memory_space<vmem>> -> memref<128xi32, #tpu.memory_space<vmem>>
    %dma_wait3A_97 = arith.constant 0 : i32
    %dma_wait3A_98 = tpu.memref_slice %arg4[%dma_wait3A_97] : memref<1000000xf32, #tpu.memory_space<hbm>> -> memref<1000000xf32, #tpu.memory_space<hbm>>
    tpu.wait_indirect_dma semaphore(%arg10 : memref<!tpu.dma_semaphore, #tpu.memory_space<semaphore_mem>>) src(%dma_wait3A_98 : memref<1000000xf32, #tpu.memory_space<hbm>>) dst(%dma_wait3A_93 : memref<128xf32, #tpu.memory_space<vmem>>)
    %dma_wait3A_99 = arith.constant 1 : i32
    %dma_wait3A_100 = arith.constant 128 : i32
    %dma_wait3A_101 = arith.constant 0 : i32
    %dma_wait3A_102 = tpu.memref_slice %arg8[%dma_wait3A_100, %dma_wait3A_101] : memref<512x64xf32, #tpu.memory_space<vmem>> -> memref<128x64xf32, #tpu.memory_space<vmem>>
    %dma_wait3A_103 = arith.constant 0 : i32
    %dma_wait3A_104 = tpu.memref_slice %arg7[%dma_wait3A_99, %dma_wait3A_103] : memref<4x128xi32, #tpu.memory_space<vmem>> -> memref<1x128xi32, #tpu.memory_space<vmem>>
    %dma_wait3A_105 = tpu.memref_squeeze %dma_wait3A_104 : memref<1x128xi32, #tpu.memory_space<vmem>> -> memref<128xi32, #tpu.memory_space<vmem>>
    %dma_wait3A_106 = arith.constant 0 : i32
    %dma_wait3A_107 = arith.constant 0 : i32
    %dma_wait3A_108 = tpu.memref_slice %arg3[%dma_wait3A_106, %dma_wait3A_107] : memref<1000000x64xf32, #tpu.memory_space<hbm>> -> memref<1000000x64xf32, #tpu.memory_space<hbm>>
    tpu.wait_indirect_dma semaphore(%arg10 : memref<!tpu.dma_semaphore, #tpu.memory_space<semaphore_mem>>) src(%dma_wait3A_108 : memref<1000000x64xf32, #tpu.memory_space<hbm>>) dst(%dma_wait3A_102 : memref<128x64xf32, #tpu.memory_space<vmem>>)
    %dma_wait3A_109 = arith.constant 1 : i32
    %dma_wait3A_110 = arith.constant 1 : i32
    %dma_wait3A_111 = arith.constant 0 : i32
    %dma_wait3A_112 = tpu.memref_slice %arg9[%dma_wait3A_110, %dma_wait3A_111] : memref<4x128xf32, #tpu.memory_space<vmem>> -> memref<1x128xf32, #tpu.memory_space<vmem>>
    %dma_wait3A_113 = tpu.memref_squeeze %dma_wait3A_112 : memref<1x128xf32, #tpu.memory_space<vmem>> -> memref<128xf32, #tpu.memory_space<vmem>>
    %dma_wait3A_114 = arith.constant 0 : i32
    %dma_wait3A_115 = tpu.memref_slice %arg7[%dma_wait3A_109, %dma_wait3A_114] : memref<4x128xi32, #tpu.memory_space<vmem>> -> memref<1x128xi32, #tpu.memory_space<vmem>>
    %dma_wait3A_116 = tpu.memref_squeeze %dma_wait3A_115 : memref<1x128xi32, #tpu.memory_space<vmem>> -> memref<128xi32, #tpu.memory_space<vmem>>
    %dma_wait3A_117 = arith.constant 0 : i32
    %dma_wait3A_118 = tpu.memref_slice %arg4[%dma_wait3A_117] : memref<1000000xf32, #tpu.memory_space<hbm>> -> memref<1000000xf32, #tpu.memory_space<hbm>>
    tpu.wait_indirect_dma semaphore(%arg10 : memref<!tpu.dma_semaphore, #tpu.memory_space<semaphore_mem>>) src(%dma_wait3A_118 : memref<1000000xf32, #tpu.memory_space<hbm>>) dst(%dma_wait3A_113 : memref<128xf32, #tpu.memory_space<vmem>>)
    %dma_wait3A_119 = arith.constant 2 : i32
    %dma_wait3A_120 = arith.constant 256 : i32
    %dma_wait3A_121 = arith.constant 0 : i32
    %dma_wait3A_122 = tpu.memref_slice %arg8[%dma_wait3A_120, %dma_wait3A_121] : memref<512x64xf32, #tpu.memory_space<vmem>> -> memref<128x64xf32, #tpu.memory_space<vmem>>
    %dma_wait3A_123 = arith.constant 0 : i32
    %dma_wait3A_124 = tpu.memref_slice %arg7[%dma_wait3A_119, %dma_wait3A_123] : memref<4x128xi32, #tpu.memory_space<vmem>> -> memref<1x128xi32, #tpu.memory_space<vmem>>
    %dma_wait3A_125 = tpu.memref_squeeze %dma_wait3A_124 : memref<1x128xi32, #tpu.memory_space<vmem>> -> memref<128xi32, #tpu.memory_space<vmem>>
    %dma_wait3A_126 = arith.constant 0 : i32
    %dma_wait3A_127 = arith.constant 0 : i32
    %dma_wait3A_128 = tpu.memref_slice %arg3[%dma_wait3A_126, %dma_wait3A_127] : memref<1000000x64xf32, #tpu.memory_space<hbm>> -> memref<1000000x64xf32, #tpu.memory_space<hbm>>
    tpu.wait_indirect_dma semaphore(%arg10 : memref<!tpu.dma_semaphore, #tpu.memory_space<semaphore_mem>>) src(%dma_wait3A_128 : memref<1000000x64xf32, #tpu.memory_space<hbm>>) dst(%dma_wait3A_122 : memref<128x64xf32, #tpu.memory_space<vmem>>)
    %dma_wait3A_129 = arith.constant 2 : i32
    %dma_wait3A_130 = arith.constant 2 : i32
    %dma_wait3A_131 = arith.constant 0 : i32
    %dma_wait3A_132 = tpu.memref_slice %arg9[%dma_wait3A_130, %dma_wait3A_131] : memref<4x128xf32, #tpu.memory_space<vmem>> -> memref<1x128xf32, #tpu.memory_space<vmem>>
    %dma_wait3A_133 = tpu.memref_squeeze %dma_wait3A_132 : memref<1x128xf32, #tpu.memory_space<vmem>> -> memref<128xf32, #tpu.memory_space<vmem>>
    %dma_wait3A_134 = arith.constant 0 : i32
    %dma_wait3A_135 = tpu.memref_slice %arg7[%dma_wait3A_129, %dma_wait3A_134] : memref<4x128xi32, #tpu.memory_space<vmem>> -> memref<1x128xi32, #tpu.memory_space<vmem>>
    %dma_wait3A_136 = tpu.memref_squeeze %dma_wait3A_135 : memref<1x128xi32, #tpu.memory_space<vmem>> -> memref<128xi32, #tpu.memory_space<vmem>>
    %dma_wait3A_137 = arith.constant 0 : i32
    %dma_wait3A_138 = tpu.memref_slice %arg4[%dma_wait3A_137] : memref<1000000xf32, #tpu.memory_space<hbm>> -> memref<1000000xf32, #tpu.memory_space<hbm>>
    tpu.wait_indirect_dma semaphore(%arg10 : memref<!tpu.dma_semaphore, #tpu.memory_space<semaphore_mem>>) src(%dma_wait3A_138 : memref<1000000xf32, #tpu.memory_space<hbm>>) dst(%dma_wait3A_133 : memref<128xf32, #tpu.memory_space<vmem>>)
    %dma_wait3A_139 = arith.constant 3 : i32
    %dma_wait3A_140 = arith.constant 384 : i32
    %dma_wait3A_141 = arith.constant 0 : i32
    %dma_wait3A_142 = tpu.memref_slice %arg8[%dma_wait3A_140, %dma_wait3A_141] : memref<512x64xf32, #tpu.memory_space<vmem>> -> memref<128x64xf32, #tpu.memory_space<vmem>>
    %dma_wait3A_143 = arith.constant 0 : i32
    %dma_wait3A_144 = tpu.memref_slice %arg7[%dma_wait3A_139, %dma_wait3A_143] : memref<4x128xi32, #tpu.memory_space<vmem>> -> memref<1x128xi32, #tpu.memory_space<vmem>>
    %dma_wait3A_145 = tpu.memref_squeeze %dma_wait3A_144 : memref<1x128xi32, #tpu.memory_space<vmem>> -> memref<128xi32, #tpu.memory_space<vmem>>
    %dma_wait3A_146 = arith.constant 0 : i32
    %dma_wait3A_147 = arith.constant 0 : i32
    %dma_wait3A_148 = tpu.memref_slice %arg3[%dma_wait3A_146, %dma_wait3A_147] : memref<1000000x64xf32, #tpu.memory_space<hbm>> -> memref<1000000x64xf32, #tpu.memory_space<hbm>>
    tpu.wait_indirect_dma semaphore(%arg10 : memref<!tpu.dma_semaphore, #tpu.memory_space<semaphore_mem>>) src(%dma_wait3A_148 : memref<1000000x64xf32, #tpu.memory_space<hbm>>) dst(%dma_wait3A_142 : memref<128x64xf32, #tpu.memory_space<vmem>>)
    %dma_wait3A_149 = arith.constant 3 : i32
    %dma_wait3A_150 = arith.constant 3 : i32
    %dma_wait3A_151 = arith.constant 0 : i32
    %dma_wait3A_152 = tpu.memref_slice %arg9[%dma_wait3A_150, %dma_wait3A_151] : memref<4x128xf32, #tpu.memory_space<vmem>> -> memref<1x128xf32, #tpu.memory_space<vmem>>
    %dma_wait3A_153 = tpu.memref_squeeze %dma_wait3A_152 : memref<1x128xf32, #tpu.memory_space<vmem>> -> memref<128xf32, #tpu.memory_space<vmem>>
    %dma_wait3A_154 = arith.constant 0 : i32
    %dma_wait3A_155 = tpu.memref_slice %arg7[%dma_wait3A_149, %dma_wait3A_154] : memref<4x128xi32, #tpu.memory_space<vmem>> -> memref<1x128xi32, #tpu.memory_space<vmem>>
    %dma_wait3A_156 = tpu.memref_squeeze %dma_wait3A_155 : memref<1x128xi32, #tpu.memory_space<vmem>> -> memref<128xi32, #tpu.memory_space<vmem>>
    %dma_wait3A_157 = arith.constant 0 : i32
    %dma_wait3A_158 = tpu.memref_slice %arg4[%dma_wait3A_157] : memref<1000000xf32, #tpu.memory_space<hbm>> -> memref<1000000xf32, #tpu.memory_space<hbm>>
    tpu.wait_indirect_dma semaphore(%arg10 : memref<!tpu.dma_semaphore, #tpu.memory_space<semaphore_mem>>) src(%dma_wait3A_158 : memref<1000000xf32, #tpu.memory_space<hbm>>) dst(%dma_wait3A_153 : memref<128xf32, #tpu.memory_space<vmem>>)
    "tpu.region"() ({
      %run_scoped3A = tpu.sem_alloc : memref<!tpu.dma_semaphore, #tpu.memory_space<semaphore_mem>>
      %dma_start3A_159 = arith.constant 0 : i32
      %dma_start3A_160 = arith.constant 0 : i32
      %dma_start3A_161 = tpu.memref_slice %arg5[%add3A, %dma_start3A_159, %dma_start3A_160] : memref<32x512x64xf32, #tpu.memory_space<hbm>> -> memref<1x512x64xf32, #tpu.memory_space<hbm>>
      %dma_start3A_162 = tpu.memref_squeeze %dma_start3A_161 : memref<1x512x64xf32, #tpu.memory_space<hbm>> -> memref<512x64xf32, #tpu.memory_space<hbm>>
      %dma_start3A_163 = arith.constant 0 : i32
      %dma_start3A_164 = arith.constant 0 : i32
      %dma_start3A_165 = tpu.memref_slice %arg5[%add3A, %dma_start3A_163, %dma_start3A_164] : memref<32x512x64xf32, #tpu.memory_space<hbm>> -> memref<1x512x64xf32, #tpu.memory_space<hbm>>
      %dma_start3A_166 = tpu.memref_squeeze %dma_start3A_165 : memref<1x512x64xf32, #tpu.memory_space<hbm>> -> memref<512x64xf32, #tpu.memory_space<hbm>>
      tpu.enqueue_dma source(%arg8 : memref<512x64xf32, #tpu.memory_space<vmem>>) target(%dma_start3A_166 : memref<512x64xf32, #tpu.memory_space<hbm>>) target_semaphore(%run_scoped3A : memref<!tpu.dma_semaphore, #tpu.memory_space<semaphore_mem>>)
      %dma_wait3A_167 = arith.constant 0 : i32
      %dma_wait3A_168 = arith.constant 0 : i32
      %dma_wait3A_169 = tpu.memref_slice %arg5[%add3A, %dma_wait3A_167, %dma_wait3A_168] : memref<32x512x64xf32, #tpu.memory_space<hbm>> -> memref<1x512x64xf32, #tpu.memory_space<hbm>>
      %dma_wait3A_170 = tpu.memref_squeeze %dma_wait3A_169 : memref<1x512x64xf32, #tpu.memory_space<hbm>> -> memref<512x64xf32, #tpu.memory_space<hbm>>
      %dma_wait3A_171 = arith.constant 0 : i32
      %dma_wait3A_172 = arith.constant 0 : i32
      %dma_wait3A_173 = tpu.memref_slice %arg5[%add3A, %dma_wait3A_171, %dma_wait3A_172] : memref<32x512x64xf32, #tpu.memory_space<hbm>> -> memref<1x512x64xf32, #tpu.memory_space<hbm>>
      %dma_wait3A_174 = tpu.memref_squeeze %dma_wait3A_173 : memref<1x512x64xf32, #tpu.memory_space<hbm>> -> memref<512x64xf32, #tpu.memory_space<hbm>>
      tpu.wait_dma2 semaphore(%run_scoped3A : memref<!tpu.dma_semaphore, #tpu.memory_space<semaphore_mem>>) src(%arg8 : memref<512x64xf32, #tpu.memory_space<vmem>>) dst(%dma_wait3A_174 : memref<512x64xf32, #tpu.memory_space<hbm>>)
      tpu.yield
    }) : () -> ()
    "tpu.region"() ({
      %run_scoped3A = tpu.sem_alloc : memref<!tpu.dma_semaphore, #tpu.memory_space<semaphore_mem>>
      %dma_start3A_159 = arith.constant 0 : i32
      %dma_start3A_160 = arith.constant 0 : i32
      %dma_start3A_161 = tpu.memref_slice %arg6[%add3A, %dma_start3A_159, %dma_start3A_160] : memref<32x4x128xf32, #tpu.memory_space<hbm>> -> memref<1x4x128xf32, #tpu.memory_space<hbm>>
      %dma_start3A_162 = tpu.memref_squeeze %dma_start3A_161 : memref<1x4x128xf32, #tpu.memory_space<hbm>> -> memref<4x128xf32, #tpu.memory_space<hbm>>
      %dma_start3A_163 = arith.constant 0 : i32
      %dma_start3A_164 = arith.constant 0 : i32
      %dma_start3A_165 = tpu.memref_slice %arg6[%add3A, %dma_start3A_163, %dma_start3A_164] : memref<32x4x128xf32, #tpu.memory_space<hbm>> -> memref<1x4x128xf32, #tpu.memory_space<hbm>>
      %dma_start3A_166 = tpu.memref_squeeze %dma_start3A_165 : memref<1x4x128xf32, #tpu.memory_space<hbm>> -> memref<4x128xf32, #tpu.memory_space<hbm>>
      tpu.enqueue_dma source(%arg9 : memref<4x128xf32, #tpu.memory_space<vmem>>) target(%dma_start3A_166 : memref<4x128xf32, #tpu.memory_space<hbm>>) target_semaphore(%run_scoped3A : memref<!tpu.dma_semaphore, #tpu.memory_space<semaphore_mem>>)
      %dma_wait3A_167 = arith.constant 0 : i32
      %dma_wait3A_168 = arith.constant 0 : i32
      %dma_wait3A_169 = tpu.memref_slice %arg6[%add3A, %dma_wait3A_167, %dma_wait3A_168] : memref<32x4x128xf32, #tpu.memory_space<hbm>> -> memref<1x4x128xf32, #tpu.memory_space<hbm>>
      %dma_wait3A_170 = tpu.memref_squeeze %dma_wait3A_169 : memref<1x4x128xf32, #tpu.memory_space<hbm>> -> memref<4x128xf32, #tpu.memory_space<hbm>>
      %dma_wait3A_171 = arith.constant 0 : i32
      %dma_wait3A_172 = arith.constant 0 : i32
      %dma_wait3A_173 = tpu.memref_slice %arg6[%add3A, %dma_wait3A_171, %dma_wait3A_172] : memref<32x4x128xf32, #tpu.memory_space<hbm>> -> memref<1x4x128xf32, #tpu.memory_space<hbm>>
      %dma_wait3A_174 = tpu.memref_squeeze %dma_wait3A_173 : memref<1x4x128xf32, #tpu.memory_space<hbm>> -> memref<4x128xf32, #tpu.memory_space<hbm>>
      tpu.wait_dma2 semaphore(%run_scoped3A : memref<!tpu.dma_semaphore, #tpu.memory_space<semaphore_mem>>) src(%arg9 : memref<4x128xf32, #tpu.memory_space<vmem>>) dst(%dma_wait3A_174 : memref<4x128xf32, #tpu.memory_space<hbm>>)
      tpu.yield
    }) : () -> ()
    return
  }
}

#map = affine_map<(d0, d1) -> (0, 0, 0)>
#map1 = affine_map<(d0, d1) -> (0, 0)>
#map2 = affine_map<(d0, d1) -> (0)>
module attributes {stable_mosaic.version = 14 : i64} {
  func.func @_mf_item(%arg0: i32, %arg1: i32, %arg2: memref<32x4x128xi32, #tpu.memory_space<hbm>>, %arg3: memref<1000000x64xf32, #tpu.memory_space<hbm>>, %arg4: memref<1000000xf32, #tpu.memory_space<hbm>>, %arg5: memref<32x512x64xf32, #tpu.memory_space<hbm>>, %arg6: memref<32x4x128xf32, #tpu.memory_space<hbm>>, %arg7: memref<32x4x128xf32, #tpu.memory_space<hbm>>, %arg8: memref<4x128xi32, #tpu.memory_space<vmem>>, %arg9: memref<512x64xf32, #tpu.memory_space<vmem>>, %arg10: memref<512x64xf32, #tpu.memory_space<vmem>>, %arg11: memref<4x128xf32, #tpu.memory_space<vmem>>, %arg12: memref<4x128xf32, #tpu.memory_space<vmem>>, %arg13: memref<4x128xf32, #tpu.memory_space<vmem>>, %arg14: memref<!tpu.dma_semaphore, #tpu.memory_space<semaphore_mem>>) attributes {dimension_semantics = [#tpu.dimension_semantics<core_parallel>, #tpu.dimension_semantics<subcore_parallel>], iteration_bounds = array<i64: 2, 16>, scalar_prefetch = 0 : i64, scratch_operands = 7 : i64, tpu.core_type = #tpu.core_type<sc_vector_subcore>, window_params = [{transform_indices = #map}, {transform_indices = #map1}, {transform_indices = #map2}, {transform_indices = #map}, {transform_indices = #map}, {transform_indices = #map}]} {
    %mul3A = arith.constant 2 : i32
    %mul3A_0 = arith.muli %arg1, %mul3A : i32
    %add3A = arith.addi %mul3A_0, %arg0 : i32
    "tpu.region"() ({
      %run_scoped3A = tpu.sem_alloc : memref<!tpu.dma_semaphore, #tpu.memory_space<semaphore_mem>>
      %dma_start3A_196 = arith.constant 0 : i32
      %dma_start3A_197 = arith.constant 0 : i32
      %dma_start3A_198 = tpu.memref_slice %arg2[%add3A, %dma_start3A_196, %dma_start3A_197] : memref<32x4x128xi32, #tpu.memory_space<hbm>> -> memref<1x4x128xi32, #tpu.memory_space<hbm>>
      %dma_start3A_199 = tpu.memref_squeeze %dma_start3A_198 : memref<1x4x128xi32, #tpu.memory_space<hbm>> -> memref<4x128xi32, #tpu.memory_space<hbm>>
      %dma_start3A_200 = arith.constant 0 : i32
      %dma_start3A_201 = arith.constant 0 : i32
      %dma_start3A_202 = tpu.memref_slice %arg2[%add3A, %dma_start3A_200, %dma_start3A_201] : memref<32x4x128xi32, #tpu.memory_space<hbm>> -> memref<1x4x128xi32, #tpu.memory_space<hbm>>
      %dma_start3A_203 = tpu.memref_squeeze %dma_start3A_202 : memref<1x4x128xi32, #tpu.memory_space<hbm>> -> memref<4x128xi32, #tpu.memory_space<hbm>>
      tpu.enqueue_dma source(%dma_start3A_203 : memref<4x128xi32, #tpu.memory_space<hbm>>) target(%arg8 : memref<4x128xi32, #tpu.memory_space<vmem>>) target_semaphore(%run_scoped3A : memref<!tpu.dma_semaphore, #tpu.memory_space<semaphore_mem>>)
      %dma_wait3A_204 = arith.constant 0 : i32
      %dma_wait3A_205 = arith.constant 0 : i32
      %dma_wait3A_206 = tpu.memref_slice %arg2[%add3A, %dma_wait3A_204, %dma_wait3A_205] : memref<32x4x128xi32, #tpu.memory_space<hbm>> -> memref<1x4x128xi32, #tpu.memory_space<hbm>>
      %dma_wait3A_207 = tpu.memref_squeeze %dma_wait3A_206 : memref<1x4x128xi32, #tpu.memory_space<hbm>> -> memref<4x128xi32, #tpu.memory_space<hbm>>
      %dma_wait3A_208 = arith.constant 0 : i32
      %dma_wait3A_209 = arith.constant 0 : i32
      %dma_wait3A_210 = tpu.memref_slice %arg2[%add3A, %dma_wait3A_208, %dma_wait3A_209] : memref<32x4x128xi32, #tpu.memory_space<hbm>> -> memref<1x4x128xi32, #tpu.memory_space<hbm>>
      %dma_wait3A_211 = tpu.memref_squeeze %dma_wait3A_210 : memref<1x4x128xi32, #tpu.memory_space<hbm>> -> memref<4x128xi32, #tpu.memory_space<hbm>>
      tpu.wait_dma2 semaphore(%run_scoped3A : memref<!tpu.dma_semaphore, #tpu.memory_space<semaphore_mem>>) src(%dma_wait3A_211 : memref<4x128xi32, #tpu.memory_space<hbm>>) dst(%arg8 : memref<4x128xi32, #tpu.memory_space<vmem>>)
      tpu.yield
    }) : () -> ()
    %dma_start3A = arith.constant 0 : i32
    %dma_start3A_1 = arith.constant 0 : i32
    %dma_start3A_2 = tpu.memref_slice %arg5[%add3A, %dma_start3A, %dma_start3A_1] : memref<32x512x64xf32, #tpu.memory_space<hbm>> -> memref<1x512x64xf32, #tpu.memory_space<hbm>>
    %dma_start3A_3 = tpu.memref_squeeze %dma_start3A_2 : memref<1x512x64xf32, #tpu.memory_space<hbm>> -> memref<512x64xf32, #tpu.memory_space<hbm>>
    %dma_start3A_4 = arith.constant 0 : i32
    %dma_start3A_5 = arith.constant 0 : i32
    %dma_start3A_6 = tpu.memref_slice %arg5[%add3A, %dma_start3A_4, %dma_start3A_5] : memref<32x512x64xf32, #tpu.memory_space<hbm>> -> memref<1x512x64xf32, #tpu.memory_space<hbm>>
    %dma_start3A_7 = tpu.memref_squeeze %dma_start3A_6 : memref<1x512x64xf32, #tpu.memory_space<hbm>> -> memref<512x64xf32, #tpu.memory_space<hbm>>
    tpu.enqueue_dma source(%dma_start3A_7 : memref<512x64xf32, #tpu.memory_space<hbm>>) target(%arg10 : memref<512x64xf32, #tpu.memory_space<vmem>>) target_semaphore(%arg14 : memref<!tpu.dma_semaphore, #tpu.memory_space<semaphore_mem>>)
    %dma_start3A_8 = arith.constant 0 : i32
    %dma_start3A_9 = arith.constant 0 : i32
    %dma_start3A_10 = tpu.memref_slice %arg6[%add3A, %dma_start3A_8, %dma_start3A_9] : memref<32x4x128xf32, #tpu.memory_space<hbm>> -> memref<1x4x128xf32, #tpu.memory_space<hbm>>
    %dma_start3A_11 = tpu.memref_squeeze %dma_start3A_10 : memref<1x4x128xf32, #tpu.memory_space<hbm>> -> memref<4x128xf32, #tpu.memory_space<hbm>>
    %dma_start3A_12 = arith.constant 0 : i32
    %dma_start3A_13 = arith.constant 0 : i32
    %dma_start3A_14 = tpu.memref_slice %arg6[%add3A, %dma_start3A_12, %dma_start3A_13] : memref<32x4x128xf32, #tpu.memory_space<hbm>> -> memref<1x4x128xf32, #tpu.memory_space<hbm>>
    %dma_start3A_15 = tpu.memref_squeeze %dma_start3A_14 : memref<1x4x128xf32, #tpu.memory_space<hbm>> -> memref<4x128xf32, #tpu.memory_space<hbm>>
    tpu.enqueue_dma source(%dma_start3A_15 : memref<4x128xf32, #tpu.memory_space<hbm>>) target(%arg11 : memref<4x128xf32, #tpu.memory_space<vmem>>) target_semaphore(%arg14 : memref<!tpu.dma_semaphore, #tpu.memory_space<semaphore_mem>>)
    %dma_start3A_16 = arith.constant 0 : i32
    %dma_start3A_17 = arith.constant 0 : i32
    %dma_start3A_18 = arith.constant 0 : i32
    %dma_start3A_19 = tpu.memref_slice %arg9[%dma_start3A_17, %dma_start3A_18] : memref<512x64xf32, #tpu.memory_space<vmem>> -> memref<128x64xf32, #tpu.memory_space<vmem>>
    %dma_start3A_20 = arith.constant 0 : i32
    %dma_start3A_21 = tpu.memref_slice %arg8[%dma_start3A_16, %dma_start3A_20] : memref<4x128xi32, #tpu.memory_space<vmem>> -> memref<1x128xi32, #tpu.memory_space<vmem>>
    %dma_start3A_22 = tpu.memref_squeeze %dma_start3A_21 : memref<1x128xi32, #tpu.memory_space<vmem>> -> memref<128xi32, #tpu.memory_space<vmem>>
    %dma_start3A_23 = arith.constant 0 : i32
    %dma_start3A_24 = arith.constant 0 : i32
    %dma_start3A_25 = tpu.memref_slice %arg3[%dma_start3A_23, %dma_start3A_24] : memref<1000000x64xf32, #tpu.memory_space<hbm>> -> memref<1000000x64xf32, #tpu.memory_space<hbm>>
    tpu.enqueue_indirect_dma source(%dma_start3A_25 : memref<1000000x64xf32, #tpu.memory_space<hbm>>) target(%dma_start3A_19 : memref<128x64xf32, #tpu.memory_space<vmem>>) offsets(%dma_start3A_22 : memref<128xi32, #tpu.memory_space<vmem>>) semaphore(%arg14 : memref<!tpu.dma_semaphore, #tpu.memory_space<semaphore_mem>>)
    %dma_start3A_26 = arith.constant 0 : i32
    %dma_start3A_27 = arith.constant 0 : i32
    %dma_start3A_28 = arith.constant 0 : i32
    %dma_start3A_29 = tpu.memref_slice %arg12[%dma_start3A_27, %dma_start3A_28] : memref<4x128xf32, #tpu.memory_space<vmem>> -> memref<1x128xf32, #tpu.memory_space<vmem>>
    %dma_start3A_30 = tpu.memref_squeeze %dma_start3A_29 : memref<1x128xf32, #tpu.memory_space<vmem>> -> memref<128xf32, #tpu.memory_space<vmem>>
    %dma_start3A_31 = arith.constant 0 : i32
    %dma_start3A_32 = tpu.memref_slice %arg8[%dma_start3A_26, %dma_start3A_31] : memref<4x128xi32, #tpu.memory_space<vmem>> -> memref<1x128xi32, #tpu.memory_space<vmem>>
    %dma_start3A_33 = tpu.memref_squeeze %dma_start3A_32 : memref<1x128xi32, #tpu.memory_space<vmem>> -> memref<128xi32, #tpu.memory_space<vmem>>
    %dma_start3A_34 = arith.constant 0 : i32
    %dma_start3A_35 = tpu.memref_slice %arg4[%dma_start3A_34] : memref<1000000xf32, #tpu.memory_space<hbm>> -> memref<1000000xf32, #tpu.memory_space<hbm>>
    tpu.enqueue_indirect_dma source(%dma_start3A_35 : memref<1000000xf32, #tpu.memory_space<hbm>>) target(%dma_start3A_30 : memref<128xf32, #tpu.memory_space<vmem>>) offsets(%dma_start3A_33 : memref<128xi32, #tpu.memory_space<vmem>>) semaphore(%arg14 : memref<!tpu.dma_semaphore, #tpu.memory_space<semaphore_mem>>)
    %dma_start3A_36 = arith.constant 1 : i32
    %dma_start3A_37 = arith.constant 128 : i32
    %dma_start3A_38 = arith.constant 0 : i32
    %dma_start3A_39 = tpu.memref_slice %arg9[%dma_start3A_37, %dma_start3A_38] : memref<512x64xf32, #tpu.memory_space<vmem>> -> memref<128x64xf32, #tpu.memory_space<vmem>>
    %dma_start3A_40 = arith.constant 0 : i32
    %dma_start3A_41 = tpu.memref_slice %arg8[%dma_start3A_36, %dma_start3A_40] : memref<4x128xi32, #tpu.memory_space<vmem>> -> memref<1x128xi32, #tpu.memory_space<vmem>>
    %dma_start3A_42 = tpu.memref_squeeze %dma_start3A_41 : memref<1x128xi32, #tpu.memory_space<vmem>> -> memref<128xi32, #tpu.memory_space<vmem>>
    %dma_start3A_43 = arith.constant 0 : i32
    %dma_start3A_44 = arith.constant 0 : i32
    %dma_start3A_45 = tpu.memref_slice %arg3[%dma_start3A_43, %dma_start3A_44] : memref<1000000x64xf32, #tpu.memory_space<hbm>> -> memref<1000000x64xf32, #tpu.memory_space<hbm>>
    tpu.enqueue_indirect_dma source(%dma_start3A_45 : memref<1000000x64xf32, #tpu.memory_space<hbm>>) target(%dma_start3A_39 : memref<128x64xf32, #tpu.memory_space<vmem>>) offsets(%dma_start3A_42 : memref<128xi32, #tpu.memory_space<vmem>>) semaphore(%arg14 : memref<!tpu.dma_semaphore, #tpu.memory_space<semaphore_mem>>)
    %dma_start3A_46 = arith.constant 1 : i32
    %dma_start3A_47 = arith.constant 1 : i32
    %dma_start3A_48 = arith.constant 0 : i32
    %dma_start3A_49 = tpu.memref_slice %arg12[%dma_start3A_47, %dma_start3A_48] : memref<4x128xf32, #tpu.memory_space<vmem>> -> memref<1x128xf32, #tpu.memory_space<vmem>>
    %dma_start3A_50 = tpu.memref_squeeze %dma_start3A_49 : memref<1x128xf32, #tpu.memory_space<vmem>> -> memref<128xf32, #tpu.memory_space<vmem>>
    %dma_start3A_51 = arith.constant 0 : i32
    %dma_start3A_52 = tpu.memref_slice %arg8[%dma_start3A_46, %dma_start3A_51] : memref<4x128xi32, #tpu.memory_space<vmem>> -> memref<1x128xi32, #tpu.memory_space<vmem>>
    %dma_start3A_53 = tpu.memref_squeeze %dma_start3A_52 : memref<1x128xi32, #tpu.memory_space<vmem>> -> memref<128xi32, #tpu.memory_space<vmem>>
    %dma_start3A_54 = arith.constant 0 : i32
    %dma_start3A_55 = tpu.memref_slice %arg4[%dma_start3A_54] : memref<1000000xf32, #tpu.memory_space<hbm>> -> memref<1000000xf32, #tpu.memory_space<hbm>>
    tpu.enqueue_indirect_dma source(%dma_start3A_55 : memref<1000000xf32, #tpu.memory_space<hbm>>) target(%dma_start3A_50 : memref<128xf32, #tpu.memory_space<vmem>>) offsets(%dma_start3A_53 : memref<128xi32, #tpu.memory_space<vmem>>) semaphore(%arg14 : memref<!tpu.dma_semaphore, #tpu.memory_space<semaphore_mem>>)
    %dma_start3A_56 = arith.constant 2 : i32
    %dma_start3A_57 = arith.constant 256 : i32
    %dma_start3A_58 = arith.constant 0 : i32
    %dma_start3A_59 = tpu.memref_slice %arg9[%dma_start3A_57, %dma_start3A_58] : memref<512x64xf32, #tpu.memory_space<vmem>> -> memref<128x64xf32, #tpu.memory_space<vmem>>
    %dma_start3A_60 = arith.constant 0 : i32
    %dma_start3A_61 = tpu.memref_slice %arg8[%dma_start3A_56, %dma_start3A_60] : memref<4x128xi32, #tpu.memory_space<vmem>> -> memref<1x128xi32, #tpu.memory_space<vmem>>
    %dma_start3A_62 = tpu.memref_squeeze %dma_start3A_61 : memref<1x128xi32, #tpu.memory_space<vmem>> -> memref<128xi32, #tpu.memory_space<vmem>>
    %dma_start3A_63 = arith.constant 0 : i32
    %dma_start3A_64 = arith.constant 0 : i32
    %dma_start3A_65 = tpu.memref_slice %arg3[%dma_start3A_63, %dma_start3A_64] : memref<1000000x64xf32, #tpu.memory_space<hbm>> -> memref<1000000x64xf32, #tpu.memory_space<hbm>>
    tpu.enqueue_indirect_dma source(%dma_start3A_65 : memref<1000000x64xf32, #tpu.memory_space<hbm>>) target(%dma_start3A_59 : memref<128x64xf32, #tpu.memory_space<vmem>>) offsets(%dma_start3A_62 : memref<128xi32, #tpu.memory_space<vmem>>) semaphore(%arg14 : memref<!tpu.dma_semaphore, #tpu.memory_space<semaphore_mem>>)
    %dma_start3A_66 = arith.constant 2 : i32
    %dma_start3A_67 = arith.constant 2 : i32
    %dma_start3A_68 = arith.constant 0 : i32
    %dma_start3A_69 = tpu.memref_slice %arg12[%dma_start3A_67, %dma_start3A_68] : memref<4x128xf32, #tpu.memory_space<vmem>> -> memref<1x128xf32, #tpu.memory_space<vmem>>
    %dma_start3A_70 = tpu.memref_squeeze %dma_start3A_69 : memref<1x128xf32, #tpu.memory_space<vmem>> -> memref<128xf32, #tpu.memory_space<vmem>>
    %dma_start3A_71 = arith.constant 0 : i32
    %dma_start3A_72 = tpu.memref_slice %arg8[%dma_start3A_66, %dma_start3A_71] : memref<4x128xi32, #tpu.memory_space<vmem>> -> memref<1x128xi32, #tpu.memory_space<vmem>>
    %dma_start3A_73 = tpu.memref_squeeze %dma_start3A_72 : memref<1x128xi32, #tpu.memory_space<vmem>> -> memref<128xi32, #tpu.memory_space<vmem>>
    %dma_start3A_74 = arith.constant 0 : i32
    %dma_start3A_75 = tpu.memref_slice %arg4[%dma_start3A_74] : memref<1000000xf32, #tpu.memory_space<hbm>> -> memref<1000000xf32, #tpu.memory_space<hbm>>
    tpu.enqueue_indirect_dma source(%dma_start3A_75 : memref<1000000xf32, #tpu.memory_space<hbm>>) target(%dma_start3A_70 : memref<128xf32, #tpu.memory_space<vmem>>) offsets(%dma_start3A_73 : memref<128xi32, #tpu.memory_space<vmem>>) semaphore(%arg14 : memref<!tpu.dma_semaphore, #tpu.memory_space<semaphore_mem>>)
    %dma_start3A_76 = arith.constant 3 : i32
    %dma_start3A_77 = arith.constant 384 : i32
    %dma_start3A_78 = arith.constant 0 : i32
    %dma_start3A_79 = tpu.memref_slice %arg9[%dma_start3A_77, %dma_start3A_78] : memref<512x64xf32, #tpu.memory_space<vmem>> -> memref<128x64xf32, #tpu.memory_space<vmem>>
    %dma_start3A_80 = arith.constant 0 : i32
    %dma_start3A_81 = tpu.memref_slice %arg8[%dma_start3A_76, %dma_start3A_80] : memref<4x128xi32, #tpu.memory_space<vmem>> -> memref<1x128xi32, #tpu.memory_space<vmem>>
    %dma_start3A_82 = tpu.memref_squeeze %dma_start3A_81 : memref<1x128xi32, #tpu.memory_space<vmem>> -> memref<128xi32, #tpu.memory_space<vmem>>
    %dma_start3A_83 = arith.constant 0 : i32
    %dma_start3A_84 = arith.constant 0 : i32
    %dma_start3A_85 = tpu.memref_slice %arg3[%dma_start3A_83, %dma_start3A_84] : memref<1000000x64xf32, #tpu.memory_space<hbm>> -> memref<1000000x64xf32, #tpu.memory_space<hbm>>
    tpu.enqueue_indirect_dma source(%dma_start3A_85 : memref<1000000x64xf32, #tpu.memory_space<hbm>>) target(%dma_start3A_79 : memref<128x64xf32, #tpu.memory_space<vmem>>) offsets(%dma_start3A_82 : memref<128xi32, #tpu.memory_space<vmem>>) semaphore(%arg14 : memref<!tpu.dma_semaphore, #tpu.memory_space<semaphore_mem>>)
    %dma_start3A_86 = arith.constant 3 : i32
    %dma_start3A_87 = arith.constant 3 : i32
    %dma_start3A_88 = arith.constant 0 : i32
    %dma_start3A_89 = tpu.memref_slice %arg12[%dma_start3A_87, %dma_start3A_88] : memref<4x128xf32, #tpu.memory_space<vmem>> -> memref<1x128xf32, #tpu.memory_space<vmem>>
    %dma_start3A_90 = tpu.memref_squeeze %dma_start3A_89 : memref<1x128xf32, #tpu.memory_space<vmem>> -> memref<128xf32, #tpu.memory_space<vmem>>
    %dma_start3A_91 = arith.constant 0 : i32
    %dma_start3A_92 = tpu.memref_slice %arg8[%dma_start3A_86, %dma_start3A_91] : memref<4x128xi32, #tpu.memory_space<vmem>> -> memref<1x128xi32, #tpu.memory_space<vmem>>
    %dma_start3A_93 = tpu.memref_squeeze %dma_start3A_92 : memref<1x128xi32, #tpu.memory_space<vmem>> -> memref<128xi32, #tpu.memory_space<vmem>>
    %dma_start3A_94 = arith.constant 0 : i32
    %dma_start3A_95 = tpu.memref_slice %arg4[%dma_start3A_94] : memref<1000000xf32, #tpu.memory_space<hbm>> -> memref<1000000xf32, #tpu.memory_space<hbm>>
    tpu.enqueue_indirect_dma source(%dma_start3A_95 : memref<1000000xf32, #tpu.memory_space<hbm>>) target(%dma_start3A_90 : memref<128xf32, #tpu.memory_space<vmem>>) offsets(%dma_start3A_93 : memref<128xi32, #tpu.memory_space<vmem>>) semaphore(%arg14 : memref<!tpu.dma_semaphore, #tpu.memory_space<semaphore_mem>>)
    %dma_wait3A = arith.constant 0 : i32
    %dma_wait3A_96 = arith.constant 0 : i32
    %dma_wait3A_97 = tpu.memref_slice %arg5[%add3A, %dma_wait3A, %dma_wait3A_96] : memref<32x512x64xf32, #tpu.memory_space<hbm>> -> memref<1x512x64xf32, #tpu.memory_space<hbm>>
    %dma_wait3A_98 = tpu.memref_squeeze %dma_wait3A_97 : memref<1x512x64xf32, #tpu.memory_space<hbm>> -> memref<512x64xf32, #tpu.memory_space<hbm>>
    %dma_wait3A_99 = arith.constant 0 : i32
    %dma_wait3A_100 = arith.constant 0 : i32
    %dma_wait3A_101 = tpu.memref_slice %arg5[%add3A, %dma_wait3A_99, %dma_wait3A_100] : memref<32x512x64xf32, #tpu.memory_space<hbm>> -> memref<1x512x64xf32, #tpu.memory_space<hbm>>
    %dma_wait3A_102 = tpu.memref_squeeze %dma_wait3A_101 : memref<1x512x64xf32, #tpu.memory_space<hbm>> -> memref<512x64xf32, #tpu.memory_space<hbm>>
    tpu.wait_dma2 semaphore(%arg14 : memref<!tpu.dma_semaphore, #tpu.memory_space<semaphore_mem>>) src(%dma_wait3A_102 : memref<512x64xf32, #tpu.memory_space<hbm>>) dst(%arg10 : memref<512x64xf32, #tpu.memory_space<vmem>>)
    %dma_wait3A_103 = arith.constant 0 : i32
    %dma_wait3A_104 = arith.constant 0 : i32
    %dma_wait3A_105 = tpu.memref_slice %arg6[%add3A, %dma_wait3A_103, %dma_wait3A_104] : memref<32x4x128xf32, #tpu.memory_space<hbm>> -> memref<1x4x128xf32, #tpu.memory_space<hbm>>
    %dma_wait3A_106 = tpu.memref_squeeze %dma_wait3A_105 : memref<1x4x128xf32, #tpu.memory_space<hbm>> -> memref<4x128xf32, #tpu.memory_space<hbm>>
    %dma_wait3A_107 = arith.constant 0 : i32
    %dma_wait3A_108 = arith.constant 0 : i32
    %dma_wait3A_109 = tpu.memref_slice %arg6[%add3A, %dma_wait3A_107, %dma_wait3A_108] : memref<32x4x128xf32, #tpu.memory_space<hbm>> -> memref<1x4x128xf32, #tpu.memory_space<hbm>>
    %dma_wait3A_110 = tpu.memref_squeeze %dma_wait3A_109 : memref<1x4x128xf32, #tpu.memory_space<hbm>> -> memref<4x128xf32, #tpu.memory_space<hbm>>
    tpu.wait_dma2 semaphore(%arg14 : memref<!tpu.dma_semaphore, #tpu.memory_space<semaphore_mem>>) src(%dma_wait3A_110 : memref<4x128xf32, #tpu.memory_space<hbm>>) dst(%arg11 : memref<4x128xf32, #tpu.memory_space<vmem>>)
    %dma_wait3A_111 = arith.constant 0 : i32
    %dma_wait3A_112 = arith.constant 0 : i32
    %dma_wait3A_113 = arith.constant 0 : i32
    %dma_wait3A_114 = tpu.memref_slice %arg9[%dma_wait3A_112, %dma_wait3A_113] : memref<512x64xf32, #tpu.memory_space<vmem>> -> memref<128x64xf32, #tpu.memory_space<vmem>>
    %dma_wait3A_115 = arith.constant 0 : i32
    %dma_wait3A_116 = tpu.memref_slice %arg8[%dma_wait3A_111, %dma_wait3A_115] : memref<4x128xi32, #tpu.memory_space<vmem>> -> memref<1x128xi32, #tpu.memory_space<vmem>>
    %dma_wait3A_117 = tpu.memref_squeeze %dma_wait3A_116 : memref<1x128xi32, #tpu.memory_space<vmem>> -> memref<128xi32, #tpu.memory_space<vmem>>
    %dma_wait3A_118 = arith.constant 0 : i32
    %dma_wait3A_119 = arith.constant 0 : i32
    %dma_wait3A_120 = tpu.memref_slice %arg3[%dma_wait3A_118, %dma_wait3A_119] : memref<1000000x64xf32, #tpu.memory_space<hbm>> -> memref<1000000x64xf32, #tpu.memory_space<hbm>>
    tpu.wait_indirect_dma semaphore(%arg14 : memref<!tpu.dma_semaphore, #tpu.memory_space<semaphore_mem>>) src(%dma_wait3A_120 : memref<1000000x64xf32, #tpu.memory_space<hbm>>) dst(%dma_wait3A_114 : memref<128x64xf32, #tpu.memory_space<vmem>>)
    %dma_wait3A_121 = arith.constant 0 : i32
    %dma_wait3A_122 = arith.constant 0 : i32
    %dma_wait3A_123 = arith.constant 0 : i32
    %dma_wait3A_124 = tpu.memref_slice %arg12[%dma_wait3A_122, %dma_wait3A_123] : memref<4x128xf32, #tpu.memory_space<vmem>> -> memref<1x128xf32, #tpu.memory_space<vmem>>
    %dma_wait3A_125 = tpu.memref_squeeze %dma_wait3A_124 : memref<1x128xf32, #tpu.memory_space<vmem>> -> memref<128xf32, #tpu.memory_space<vmem>>
    %dma_wait3A_126 = arith.constant 0 : i32
    %dma_wait3A_127 = tpu.memref_slice %arg8[%dma_wait3A_121, %dma_wait3A_126] : memref<4x128xi32, #tpu.memory_space<vmem>> -> memref<1x128xi32, #tpu.memory_space<vmem>>
    %dma_wait3A_128 = tpu.memref_squeeze %dma_wait3A_127 : memref<1x128xi32, #tpu.memory_space<vmem>> -> memref<128xi32, #tpu.memory_space<vmem>>
    %dma_wait3A_129 = arith.constant 0 : i32
    %dma_wait3A_130 = tpu.memref_slice %arg4[%dma_wait3A_129] : memref<1000000xf32, #tpu.memory_space<hbm>> -> memref<1000000xf32, #tpu.memory_space<hbm>>
    tpu.wait_indirect_dma semaphore(%arg14 : memref<!tpu.dma_semaphore, #tpu.memory_space<semaphore_mem>>) src(%dma_wait3A_130 : memref<1000000xf32, #tpu.memory_space<hbm>>) dst(%dma_wait3A_125 : memref<128xf32, #tpu.memory_space<vmem>>)
    %dma_wait3A_131 = arith.constant 1 : i32
    %dma_wait3A_132 = arith.constant 128 : i32
    %dma_wait3A_133 = arith.constant 0 : i32
    %dma_wait3A_134 = tpu.memref_slice %arg9[%dma_wait3A_132, %dma_wait3A_133] : memref<512x64xf32, #tpu.memory_space<vmem>> -> memref<128x64xf32, #tpu.memory_space<vmem>>
    %dma_wait3A_135 = arith.constant 0 : i32
    %dma_wait3A_136 = tpu.memref_slice %arg8[%dma_wait3A_131, %dma_wait3A_135] : memref<4x128xi32, #tpu.memory_space<vmem>> -> memref<1x128xi32, #tpu.memory_space<vmem>>
    %dma_wait3A_137 = tpu.memref_squeeze %dma_wait3A_136 : memref<1x128xi32, #tpu.memory_space<vmem>> -> memref<128xi32, #tpu.memory_space<vmem>>
    %dma_wait3A_138 = arith.constant 0 : i32
    %dma_wait3A_139 = arith.constant 0 : i32
    %dma_wait3A_140 = tpu.memref_slice %arg3[%dma_wait3A_138, %dma_wait3A_139] : memref<1000000x64xf32, #tpu.memory_space<hbm>> -> memref<1000000x64xf32, #tpu.memory_space<hbm>>
    tpu.wait_indirect_dma semaphore(%arg14 : memref<!tpu.dma_semaphore, #tpu.memory_space<semaphore_mem>>) src(%dma_wait3A_140 : memref<1000000x64xf32, #tpu.memory_space<hbm>>) dst(%dma_wait3A_134 : memref<128x64xf32, #tpu.memory_space<vmem>>)
    %dma_wait3A_141 = arith.constant 1 : i32
    %dma_wait3A_142 = arith.constant 1 : i32
    %dma_wait3A_143 = arith.constant 0 : i32
    %dma_wait3A_144 = tpu.memref_slice %arg12[%dma_wait3A_142, %dma_wait3A_143] : memref<4x128xf32, #tpu.memory_space<vmem>> -> memref<1x128xf32, #tpu.memory_space<vmem>>
    %dma_wait3A_145 = tpu.memref_squeeze %dma_wait3A_144 : memref<1x128xf32, #tpu.memory_space<vmem>> -> memref<128xf32, #tpu.memory_space<vmem>>
    %dma_wait3A_146 = arith.constant 0 : i32
    %dma_wait3A_147 = tpu.memref_slice %arg8[%dma_wait3A_141, %dma_wait3A_146] : memref<4x128xi32, #tpu.memory_space<vmem>> -> memref<1x128xi32, #tpu.memory_space<vmem>>
    %dma_wait3A_148 = tpu.memref_squeeze %dma_wait3A_147 : memref<1x128xi32, #tpu.memory_space<vmem>> -> memref<128xi32, #tpu.memory_space<vmem>>
    %dma_wait3A_149 = arith.constant 0 : i32
    %dma_wait3A_150 = tpu.memref_slice %arg4[%dma_wait3A_149] : memref<1000000xf32, #tpu.memory_space<hbm>> -> memref<1000000xf32, #tpu.memory_space<hbm>>
    tpu.wait_indirect_dma semaphore(%arg14 : memref<!tpu.dma_semaphore, #tpu.memory_space<semaphore_mem>>) src(%dma_wait3A_150 : memref<1000000xf32, #tpu.memory_space<hbm>>) dst(%dma_wait3A_145 : memref<128xf32, #tpu.memory_space<vmem>>)
    %dma_wait3A_151 = arith.constant 2 : i32
    %dma_wait3A_152 = arith.constant 256 : i32
    %dma_wait3A_153 = arith.constant 0 : i32
    %dma_wait3A_154 = tpu.memref_slice %arg9[%dma_wait3A_152, %dma_wait3A_153] : memref<512x64xf32, #tpu.memory_space<vmem>> -> memref<128x64xf32, #tpu.memory_space<vmem>>
    %dma_wait3A_155 = arith.constant 0 : i32
    %dma_wait3A_156 = tpu.memref_slice %arg8[%dma_wait3A_151, %dma_wait3A_155] : memref<4x128xi32, #tpu.memory_space<vmem>> -> memref<1x128xi32, #tpu.memory_space<vmem>>
    %dma_wait3A_157 = tpu.memref_squeeze %dma_wait3A_156 : memref<1x128xi32, #tpu.memory_space<vmem>> -> memref<128xi32, #tpu.memory_space<vmem>>
    %dma_wait3A_158 = arith.constant 0 : i32
    %dma_wait3A_159 = arith.constant 0 : i32
    %dma_wait3A_160 = tpu.memref_slice %arg3[%dma_wait3A_158, %dma_wait3A_159] : memref<1000000x64xf32, #tpu.memory_space<hbm>> -> memref<1000000x64xf32, #tpu.memory_space<hbm>>
    tpu.wait_indirect_dma semaphore(%arg14 : memref<!tpu.dma_semaphore, #tpu.memory_space<semaphore_mem>>) src(%dma_wait3A_160 : memref<1000000x64xf32, #tpu.memory_space<hbm>>) dst(%dma_wait3A_154 : memref<128x64xf32, #tpu.memory_space<vmem>>)
    %dma_wait3A_161 = arith.constant 2 : i32
    %dma_wait3A_162 = arith.constant 2 : i32
    %dma_wait3A_163 = arith.constant 0 : i32
    %dma_wait3A_164 = tpu.memref_slice %arg12[%dma_wait3A_162, %dma_wait3A_163] : memref<4x128xf32, #tpu.memory_space<vmem>> -> memref<1x128xf32, #tpu.memory_space<vmem>>
    %dma_wait3A_165 = tpu.memref_squeeze %dma_wait3A_164 : memref<1x128xf32, #tpu.memory_space<vmem>> -> memref<128xf32, #tpu.memory_space<vmem>>
    %dma_wait3A_166 = arith.constant 0 : i32
    %dma_wait3A_167 = tpu.memref_slice %arg8[%dma_wait3A_161, %dma_wait3A_166] : memref<4x128xi32, #tpu.memory_space<vmem>> -> memref<1x128xi32, #tpu.memory_space<vmem>>
    %dma_wait3A_168 = tpu.memref_squeeze %dma_wait3A_167 : memref<1x128xi32, #tpu.memory_space<vmem>> -> memref<128xi32, #tpu.memory_space<vmem>>
    %dma_wait3A_169 = arith.constant 0 : i32
    %dma_wait3A_170 = tpu.memref_slice %arg4[%dma_wait3A_169] : memref<1000000xf32, #tpu.memory_space<hbm>> -> memref<1000000xf32, #tpu.memory_space<hbm>>
    tpu.wait_indirect_dma semaphore(%arg14 : memref<!tpu.dma_semaphore, #tpu.memory_space<semaphore_mem>>) src(%dma_wait3A_170 : memref<1000000xf32, #tpu.memory_space<hbm>>) dst(%dma_wait3A_165 : memref<128xf32, #tpu.memory_space<vmem>>)
    %dma_wait3A_171 = arith.constant 3 : i32
    %dma_wait3A_172 = arith.constant 384 : i32
    %dma_wait3A_173 = arith.constant 0 : i32
    %dma_wait3A_174 = tpu.memref_slice %arg9[%dma_wait3A_172, %dma_wait3A_173] : memref<512x64xf32, #tpu.memory_space<vmem>> -> memref<128x64xf32, #tpu.memory_space<vmem>>
    %dma_wait3A_175 = arith.constant 0 : i32
    %dma_wait3A_176 = tpu.memref_slice %arg8[%dma_wait3A_171, %dma_wait3A_175] : memref<4x128xi32, #tpu.memory_space<vmem>> -> memref<1x128xi32, #tpu.memory_space<vmem>>
    %dma_wait3A_177 = tpu.memref_squeeze %dma_wait3A_176 : memref<1x128xi32, #tpu.memory_space<vmem>> -> memref<128xi32, #tpu.memory_space<vmem>>
    %dma_wait3A_178 = arith.constant 0 : i32
    %dma_wait3A_179 = arith.constant 0 : i32
    %dma_wait3A_180 = tpu.memref_slice %arg3[%dma_wait3A_178, %dma_wait3A_179] : memref<1000000x64xf32, #tpu.memory_space<hbm>> -> memref<1000000x64xf32, #tpu.memory_space<hbm>>
    tpu.wait_indirect_dma semaphore(%arg14 : memref<!tpu.dma_semaphore, #tpu.memory_space<semaphore_mem>>) src(%dma_wait3A_180 : memref<1000000x64xf32, #tpu.memory_space<hbm>>) dst(%dma_wait3A_174 : memref<128x64xf32, #tpu.memory_space<vmem>>)
    %dma_wait3A_181 = arith.constant 3 : i32
    %dma_wait3A_182 = arith.constant 3 : i32
    %dma_wait3A_183 = arith.constant 0 : i32
    %dma_wait3A_184 = tpu.memref_slice %arg12[%dma_wait3A_182, %dma_wait3A_183] : memref<4x128xf32, #tpu.memory_space<vmem>> -> memref<1x128xf32, #tpu.memory_space<vmem>>
    %dma_wait3A_185 = tpu.memref_squeeze %dma_wait3A_184 : memref<1x128xf32, #tpu.memory_space<vmem>> -> memref<128xf32, #tpu.memory_space<vmem>>
    %dma_wait3A_186 = arith.constant 0 : i32
    %dma_wait3A_187 = tpu.memref_slice %arg8[%dma_wait3A_181, %dma_wait3A_186] : memref<4x128xi32, #tpu.memory_space<vmem>> -> memref<1x128xi32, #tpu.memory_space<vmem>>
    %dma_wait3A_188 = tpu.memref_squeeze %dma_wait3A_187 : memref<1x128xi32, #tpu.memory_space<vmem>> -> memref<128xi32, #tpu.memory_space<vmem>>
    %dma_wait3A_189 = arith.constant 0 : i32
    %dma_wait3A_190 = tpu.memref_slice %arg4[%dma_wait3A_189] : memref<1000000xf32, #tpu.memory_space<hbm>> -> memref<1000000xf32, #tpu.memory_space<hbm>>
    tpu.wait_indirect_dma semaphore(%arg14 : memref<!tpu.dma_semaphore, #tpu.memory_space<semaphore_mem>>) src(%dma_wait3A_190 : memref<1000000xf32, #tpu.memory_space<hbm>>) dst(%dma_wait3A_185 : memref<128xf32, #tpu.memory_space<vmem>>)
    %iota3A = tpu.iota {dimensions = array<i32: 0>} : vector<16xi32>
    %scan3A = arith.constant 0 : i32
    %scan3A_191 = arith.constant 0 : i32
    %scan3A_192 = arith.constant 32 : i32
    %scan3A_193 = arith.addi %scan3A_191, %scan3A_192 : i32
    %scan3A_194 = arith.constant 1 : i32
    scf.for %scan3A_196 = %scan3A_191 to %scan3A_193 step %scan3A_194  : i32 {
      %broadcast_in_dim3A = arith.constant 0.000000e+00 : f32
      %broadcast_in_dim3A_197 = vector.broadcast %broadcast_in_dim3A : f32 to vector<16xf32>
      %mul3A_198 = arith.constant 16 : i32
      %mul3A_199 = arith.muli %scan3A_196, %mul3A_198 : i32
      %add3A_200 = arith.constant 0 : i32
      %add3A_201 = arith.addi %mul3A_199, %add3A_200 : i32
      %broadcast_in_dim3A_202 = arith.constant 0.000000e+00 : f32
      %broadcast_in_dim3A_203 = vector.broadcast %broadcast_in_dim3A_202 : f32 to vector<16xf32>
      %get3A = arith.index_cast %add3A_201 : i32 to index
      %get3A_204 = arith.constant 0 : index
      %get3A_205 = tpu.vector_load %arg10[%get3A, %get3A_204] {strides = array<i32>} : memref<512x64xf32, #tpu.memory_space<vmem>>, vector<1x16xf32>,
      %get3A_206 = vector.shape_cast %get3A_205 : vector<1x16xf32> to vector<16xf32>
      %get3A_207 = arith.index_cast %add3A_201 : i32 to index
      %get3A_208 = arith.constant 0 : index
      %get3A_209 = tpu.vector_load %arg9[%get3A_207, %get3A_208] {strides = array<i32>} : memref<512x64xf32, #tpu.memory_space<vmem>>, vector<1x16xf32>,
      %get3A_210 = vector.shape_cast %get3A_209 : vector<1x16xf32> to vector<16xf32>
      %mul3A_211 = arith.mulf %get3A_206, %get3A_210 : vector<16xf32>
      %add3A_212 = arith.addf %broadcast_in_dim3A_203, %mul3A_211 : vector<16xf32>
      %get3A_213 = arith.index_cast %add3A_201 : i32 to index
      %get3A_214 = arith.constant 16 : index
      %get3A_215 = tpu.vector_load %arg10[%get3A_213, %get3A_214] {strides = array<i32>} : memref<512x64xf32, #tpu.memory_space<vmem>>, vector<1x16xf32>,
      %get3A_216 = vector.shape_cast %get3A_215 : vector<1x16xf32> to vector<16xf32>
      %get3A_217 = arith.index_cast %add3A_201 : i32 to index
      %get3A_218 = arith.constant 16 : index
      %get3A_219 = tpu.vector_load %arg9[%get3A_217, %get3A_218] {strides = array<i32>} : memref<512x64xf32, #tpu.memory_space<vmem>>, vector<1x16xf32>,
      %get3A_220 = vector.shape_cast %get3A_219 : vector<1x16xf32> to vector<16xf32>
      %mul3A_221 = arith.mulf %get3A_216, %get3A_220 : vector<16xf32>
      %add3A_222 = arith.addf %add3A_212, %mul3A_221 : vector<16xf32>
      %get3A_223 = arith.index_cast %add3A_201 : i32 to index
      %get3A_224 = arith.constant 32 : index
      %get3A_225 = tpu.vector_load %arg10[%get3A_223, %get3A_224] {strides = array<i32>} : memref<512x64xf32, #tpu.memory_space<vmem>>, vector<1x16xf32>,
      %get3A_226 = vector.shape_cast %get3A_225 : vector<1x16xf32> to vector<16xf32>
      %get3A_227 = arith.index_cast %add3A_201 : i32 to index
      %get3A_228 = arith.constant 32 : index
      %get3A_229 = tpu.vector_load %arg9[%get3A_227, %get3A_228] {strides = array<i32>} : memref<512x64xf32, #tpu.memory_space<vmem>>, vector<1x16xf32>,
      %get3A_230 = vector.shape_cast %get3A_229 : vector<1x16xf32> to vector<16xf32>
      %mul3A_231 = arith.mulf %get3A_226, %get3A_230 : vector<16xf32>
      %add3A_232 = arith.addf %add3A_222, %mul3A_231 : vector<16xf32>
      %get3A_233 = arith.index_cast %add3A_201 : i32 to index
      %get3A_234 = arith.constant 48 : index
      %get3A_235 = tpu.vector_load %arg10[%get3A_233, %get3A_234] {strides = array<i32>} : memref<512x64xf32, #tpu.memory_space<vmem>>, vector<1x16xf32>,
      %get3A_236 = vector.shape_cast %get3A_235 : vector<1x16xf32> to vector<16xf32>
      %get3A_237 = arith.index_cast %add3A_201 : i32 to index
      %get3A_238 = arith.constant 48 : index
      %get3A_239 = tpu.vector_load %arg9[%get3A_237, %get3A_238] {strides = array<i32>} : memref<512x64xf32, #tpu.memory_space<vmem>>, vector<1x16xf32>,
      %get3A_240 = vector.shape_cast %get3A_239 : vector<1x16xf32> to vector<16xf32>
      %mul3A_241 = arith.mulf %get3A_236, %get3A_240 : vector<16xf32>
      %add3A_242 = arith.addf %add3A_232, %mul3A_241 : vector<16xf32>
      %xor3A = arith.constant 1 : i32
      %xor3A_243 = vector.broadcast %xor3A : i32 to vector<16xi32>
      %xor3A_244 = arith.xori %iota3A, %xor3A_243 : vector<16xi32>
      %broadcast_in_dim3A_245 = vector.shape_cast %xor3A_244 : vector<16xi32> to vector<16x1xi32>
      %gather3A = vector.shape_cast %broadcast_in_dim3A_245 : vector<16x1xi32> to vector<16xi32>
      %gather3A_246 = tpu.dynamic_gather %add3A_242[%gather3A] in [0] : vector<16xf32>, vector<16xi32> -> vector<16xf32>
      %add3A_247 = arith.addf %add3A_242, %gather3A_246 : vector<16xf32>
      %xor3A_248 = arith.constant 2 : i32
      %xor3A_249 = vector.broadcast %xor3A_248 : i32 to vector<16xi32>
      %xor3A_250 = arith.xori %iota3A, %xor3A_249 : vector<16xi32>
      %broadcast_in_dim3A_251 = vector.shape_cast %xor3A_250 : vector<16xi32> to vector<16x1xi32>
      %gather3A_252 = vector.shape_cast %broadcast_in_dim3A_251 : vector<16x1xi32> to vector<16xi32>
      %gather3A_253 = tpu.dynamic_gather %add3A_247[%gather3A_252] in [0] : vector<16xf32>, vector<16xi32> -> vector<16xf32>
      %add3A_254 = arith.addf %add3A_247, %gather3A_253 : vector<16xf32>
      %xor3A_255 = arith.constant 4 : i32
      %xor3A_256 = vector.broadcast %xor3A_255 : i32 to vector<16xi32>
      %xor3A_257 = arith.xori %iota3A, %xor3A_256 : vector<16xi32>
      %broadcast_in_dim3A_258 = vector.shape_cast %xor3A_257 : vector<16xi32> to vector<16x1xi32>
      %gather3A_259 = vector.shape_cast %broadcast_in_dim3A_258 : vector<16x1xi32> to vector<16xi32>
      %gather3A_260 = tpu.dynamic_gather %add3A_254[%gather3A_259] in [0] : vector<16xf32>, vector<16xi32> -> vector<16xf32>
      %add3A_261 = arith.addf %add3A_254, %gather3A_260 : vector<16xf32>
      %xor3A_262 = arith.constant 8 : i32
      %xor3A_263 = vector.broadcast %xor3A_262 : i32 to vector<16xi32>
      %xor3A_264 = arith.xori %iota3A, %xor3A_263 : vector<16xi32>
      %broadcast_in_dim3A_265 = vector.shape_cast %xor3A_264 : vector<16xi32> to vector<16x1xi32>
      %gather3A_266 = vector.shape_cast %broadcast_in_dim3A_265 : vector<16x1xi32> to vector<16xi32>
      %gather3A_267 = tpu.dynamic_gather %add3A_261[%gather3A_266] in [0] : vector<16xf32>, vector<16xi32> -> vector<16xf32>
      %add3A_268 = arith.addf %add3A_261, %gather3A_267 : vector<16xf32>
      %eq3A = arith.constant 0 : i32
      %eq3A_269 = vector.broadcast %eq3A : i32 to vector<16xi32>
      %eq3A_270 = arith.cmpi eq, %iota3A, %eq3A_269 : vector<16xi32>
      %select_n3A = arith.select %eq3A_270, %add3A_268, %broadcast_in_dim3A_197 : vector<16xi1>, vector<16xf32>
      %mul3A_271 = arith.constant 16 : i32
      %mul3A_272 = arith.muli %scan3A_196, %mul3A_271 : i32
      %add3A_273 = arith.constant 1 : i32
      %add3A_274 = arith.addi %mul3A_272, %add3A_273 : i32
      %broadcast_in_dim3A_275 = arith.constant 0.000000e+00 : f32
      %broadcast_in_dim3A_276 = vector.broadcast %broadcast_in_dim3A_275 : f32 to vector<16xf32>
      %get3A_277 = arith.index_cast %add3A_274 : i32 to index
      %get3A_278 = arith.constant 0 : index
      %get3A_279 = tpu.vector_load %arg10[%get3A_277, %get3A_278] {strides = array<i32>} : memref<512x64xf32, #tpu.memory_space<vmem>>, vector<1x16xf32>,
      %get3A_280 = vector.shape_cast %get3A_279 : vector<1x16xf32> to vector<16xf32>
      %get3A_281 = arith.index_cast %add3A_274 : i32 to index
      %get3A_282 = arith.constant 0 : index
      %get3A_283 = tpu.vector_load %arg9[%get3A_281, %get3A_282] {strides = array<i32>} : memref<512x64xf32, #tpu.memory_space<vmem>>, vector<1x16xf32>,
      %get3A_284 = vector.shape_cast %get3A_283 : vector<1x16xf32> to vector<16xf32>
      %mul3A_285 = arith.mulf %get3A_280, %get3A_284 : vector<16xf32>
      %add3A_286 = arith.addf %broadcast_in_dim3A_276, %mul3A_285 : vector<16xf32>
      %get3A_287 = arith.index_cast %add3A_274 : i32 to index
      %get3A_288 = arith.constant 16 : index
      %get3A_289 = tpu.vector_load %arg10[%get3A_287, %get3A_288] {strides = array<i32>} : memref<512x64xf32, #tpu.memory_space<vmem>>, vector<1x16xf32>,
      %get3A_290 = vector.shape_cast %get3A_289 : vector<1x16xf32> to vector<16xf32>
      %get3A_291 = arith.index_cast %add3A_274 : i32 to index
      %get3A_292 = arith.constant 16 : index
      %get3A_293 = tpu.vector_load %arg9[%get3A_291, %get3A_292] {strides = array<i32>} : memref<512x64xf32, #tpu.memory_space<vmem>>, vector<1x16xf32>,
      %get3A_294 = vector.shape_cast %get3A_293 : vector<1x16xf32> to vector<16xf32>
      %mul3A_295 = arith.mulf %get3A_290, %get3A_294 : vector<16xf32>
      %add3A_296 = arith.addf %add3A_286, %mul3A_295 : vector<16xf32>
      %get3A_297 = arith.index_cast %add3A_274 : i32 to index
      %get3A_298 = arith.constant 32 : index
      %get3A_299 = tpu.vector_load %arg10[%get3A_297, %get3A_298] {strides = array<i32>} : memref<512x64xf32, #tpu.memory_space<vmem>>, vector<1x16xf32>,
      %get3A_300 = vector.shape_cast %get3A_299 : vector<1x16xf32> to vector<16xf32>
      %get3A_301 = arith.index_cast %add3A_274 : i32 to index
      %get3A_302 = arith.constant 32 : index
      %get3A_303 = tpu.vector_load %arg9[%get3A_301, %get3A_302] {strides = array<i32>} : memref<512x64xf32, #tpu.memory_space<vmem>>, vector<1x16xf32>,
      %get3A_304 = vector.shape_cast %get3A_303 : vector<1x16xf32> to vector<16xf32>
      %mul3A_305 = arith.mulf %get3A_300, %get3A_304 : vector<16xf32>
      %add3A_306 = arith.addf %add3A_296, %mul3A_305 : vector<16xf32>
      %get3A_307 = arith.index_cast %add3A_274 : i32 to index
      %get3A_308 = arith.constant 48 : index
      %get3A_309 = tpu.vector_load %arg10[%get3A_307, %get3A_308] {strides = array<i32>} : memref<512x64xf32, #tpu.memory_space<vmem>>, vector<1x16xf32>,
      %get3A_310 = vector.shape_cast %get3A_309 : vector<1x16xf32> to vector<16xf32>
      %get3A_311 = arith.index_cast %add3A_274 : i32 to index
      %get3A_312 = arith.constant 48 : index
      %get3A_313 = tpu.vector_load %arg9[%get3A_311, %get3A_312] {strides = array<i32>} : memref<512x64xf32, #tpu.memory_space<vmem>>, vector<1x16xf32>,
      %get3A_314 = vector.shape_cast %get3A_313 : vector<1x16xf32> to vector<16xf32>
      %mul3A_315 = arith.mulf %get3A_310, %get3A_314 : vector<16xf32>
      %add3A_316 = arith.addf %add3A_306, %mul3A_315 : vector<16xf32>
      %xor3A_317 = arith.constant 1 : i32
      %xor3A_318 = vector.broadcast %xor3A_317 : i32 to vector<16xi32>
      %xor3A_319 = arith.xori %iota3A, %xor3A_318 : vector<16xi32>
      %broadcast_in_dim3A_320 = vector.shape_cast %xor3A_319 : vector<16xi32> to vector<16x1xi32>
      %gather3A_321 = vector.shape_cast %broadcast_in_dim3A_320 : vector<16x1xi32> to vector<16xi32>
      %gather3A_322 = tpu.dynamic_gather %add3A_316[%gather3A_321] in [0] : vector<16xf32>, vector<16xi32> -> vector<16xf32>
      %add3A_323 = arith.addf %add3A_316, %gather3A_322 : vector<16xf32>
      %xor3A_324 = arith.constant 2 : i32
      %xor3A_325 = vector.broadcast %xor3A_324 : i32 to vector<16xi32>
      %xor3A_326 = arith.xori %iota3A, %xor3A_325 : vector<16xi32>
      %broadcast_in_dim3A_327 = vector.shape_cast %xor3A_326 : vector<16xi32> to vector<16x1xi32>
      %gather3A_328 = vector.shape_cast %broadcast_in_dim3A_327 : vector<16x1xi32> to vector<16xi32>
      %gather3A_329 = tpu.dynamic_gather %add3A_323[%gather3A_328] in [0] : vector<16xf32>, vector<16xi32> -> vector<16xf32>
      %add3A_330 = arith.addf %add3A_323, %gather3A_329 : vector<16xf32>
      %xor3A_331 = arith.constant 4 : i32
      %xor3A_332 = vector.broadcast %xor3A_331 : i32 to vector<16xi32>
      %xor3A_333 = arith.xori %iota3A, %xor3A_332 : vector<16xi32>
      %broadcast_in_dim3A_334 = vector.shape_cast %xor3A_333 : vector<16xi32> to vector<16x1xi32>
      %gather3A_335 = vector.shape_cast %broadcast_in_dim3A_334 : vector<16x1xi32> to vector<16xi32>
      %gather3A_336 = tpu.dynamic_gather %add3A_330[%gather3A_335] in [0] : vector<16xf32>, vector<16xi32> -> vector<16xf32>
      %add3A_337 = arith.addf %add3A_330, %gather3A_336 : vector<16xf32>
      %xor3A_338 = arith.constant 8 : i32
      %xor3A_339 = vector.broadcast %xor3A_338 : i32 to vector<16xi32>
      %xor3A_340 = arith.xori %iota3A, %xor3A_339 : vector<16xi32>
      %broadcast_in_dim3A_341 = vector.shape_cast %xor3A_340 : vector<16xi32> to vector<16x1xi32>
      %gather3A_342 = vector.shape_cast %broadcast_in_dim3A_341 : vector<16x1xi32> to vector<16xi32>
      %gather3A_343 = tpu.dynamic_gather %add3A_337[%gather3A_342] in [0] : vector<16xf32>, vector<16xi32> -> vector<16xf32>
      %add3A_344 = arith.addf %add3A_337, %gather3A_343 : vector<16xf32>
      %eq3A_345 = arith.constant 1 : i32
      %eq3A_346 = vector.broadcast %eq3A_345 : i32 to vector<16xi32>
      %eq3A_347 = arith.cmpi eq, %iota3A, %eq3A_346 : vector<16xi32>
      %select_n3A_348 = arith.select %eq3A_347, %add3A_344, %select_n3A : vector<16xi1>, vector<16xf32>
      %mul3A_349 = arith.constant 16 : i32
      %mul3A_350 = arith.muli %scan3A_196, %mul3A_349 : i32
      %add3A_351 = arith.constant 2 : i32
      %add3A_352 = arith.addi %mul3A_350, %add3A_351 : i32
      %broadcast_in_dim3A_353 = arith.constant 0.000000e+00 : f32
      %broadcast_in_dim3A_354 = vector.broadcast %broadcast_in_dim3A_353 : f32 to vector<16xf32>
      %get3A_355 = arith.index_cast %add3A_352 : i32 to index
      %get3A_356 = arith.constant 0 : index
      %get3A_357 = tpu.vector_load %arg10[%get3A_355, %get3A_356] {strides = array<i32>} : memref<512x64xf32, #tpu.memory_space<vmem>>, vector<1x16xf32>,
      %get3A_358 = vector.shape_cast %get3A_357 : vector<1x16xf32> to vector<16xf32>
      %get3A_359 = arith.index_cast %add3A_352 : i32 to index
      %get3A_360 = arith.constant 0 : index
      %get3A_361 = tpu.vector_load %arg9[%get3A_359, %get3A_360] {strides = array<i32>} : memref<512x64xf32, #tpu.memory_space<vmem>>, vector<1x16xf32>,
      %get3A_362 = vector.shape_cast %get3A_361 : vector<1x16xf32> to vector<16xf32>
      %mul3A_363 = arith.mulf %get3A_358, %get3A_362 : vector<16xf32>
      %add3A_364 = arith.addf %broadcast_in_dim3A_354, %mul3A_363 : vector<16xf32>
      %get3A_365 = arith.index_cast %add3A_352 : i32 to index
      %get3A_366 = arith.constant 16 : index
      %get3A_367 = tpu.vector_load %arg10[%get3A_365, %get3A_366] {strides = array<i32>} : memref<512x64xf32, #tpu.memory_space<vmem>>, vector<1x16xf32>,
      %get3A_368 = vector.shape_cast %get3A_367 : vector<1x16xf32> to vector<16xf32>
      %get3A_369 = arith.index_cast %add3A_352 : i32 to index
      %get3A_370 = arith.constant 16 : index
      %get3A_371 = tpu.vector_load %arg9[%get3A_369, %get3A_370] {strides = array<i32>} : memref<512x64xf32, #tpu.memory_space<vmem>>, vector<1x16xf32>,
      %get3A_372 = vector.shape_cast %get3A_371 : vector<1x16xf32> to vector<16xf32>
      %mul3A_373 = arith.mulf %get3A_368, %get3A_372 : vector<16xf32>
      %add3A_374 = arith.addf %add3A_364, %mul3A_373 : vector<16xf32>
      %get3A_375 = arith.index_cast %add3A_352 : i32 to index
      %get3A_376 = arith.constant 32 : index
      %get3A_377 = tpu.vector_load %arg10[%get3A_375, %get3A_376] {strides = array<i32>} : memref<512x64xf32, #tpu.memory_space<vmem>>, vector<1x16xf32>,
      %get3A_378 = vector.shape_cast %get3A_377 : vector<1x16xf32> to vector<16xf32>
      %get3A_379 = arith.index_cast %add3A_352 : i32 to index
      %get3A_380 = arith.constant 32 : index
      %get3A_381 = tpu.vector_load %arg9[%get3A_379, %get3A_380] {strides = array<i32>} : memref<512x64xf32, #tpu.memory_space<vmem>>, vector<1x16xf32>,
      %get3A_382 = vector.shape_cast %get3A_381 : vector<1x16xf32> to vector<16xf32>
      %mul3A_383 = arith.mulf %get3A_378, %get3A_382 : vector<16xf32>
      %add3A_384 = arith.addf %add3A_374, %mul3A_383 : vector<16xf32>
      %get3A_385 = arith.index_cast %add3A_352 : i32 to index
      %get3A_386 = arith.constant 48 : index
      %get3A_387 = tpu.vector_load %arg10[%get3A_385, %get3A_386] {strides = array<i32>} : memref<512x64xf32, #tpu.memory_space<vmem>>, vector<1x16xf32>,
      %get3A_388 = vector.shape_cast %get3A_387 : vector<1x16xf32> to vector<16xf32>
      %get3A_389 = arith.index_cast %add3A_352 : i32 to index
      %get3A_390 = arith.constant 48 : index
      %get3A_391 = tpu.vector_load %arg9[%get3A_389, %get3A_390] {strides = array<i32>} : memref<512x64xf32, #tpu.memory_space<vmem>>, vector<1x16xf32>,
      %get3A_392 = vector.shape_cast %get3A_391 : vector<1x16xf32> to vector<16xf32>
      %mul3A_393 = arith.mulf %get3A_388, %get3A_392 : vector<16xf32>
      %add3A_394 = arith.addf %add3A_384, %mul3A_393 : vector<16xf32>
      %xor3A_395 = arith.constant 1 : i32
      %xor3A_396 = vector.broadcast %xor3A_395 : i32 to vector<16xi32>
      %xor3A_397 = arith.xori %iota3A, %xor3A_396 : vector<16xi32>
      %broadcast_in_dim3A_398 = vector.shape_cast %xor3A_397 : vector<16xi32> to vector<16x1xi32>
      %gather3A_399 = vector.shape_cast %broadcast_in_dim3A_398 : vector<16x1xi32> to vector<16xi32>
      %gather3A_400 = tpu.dynamic_gather %add3A_394[%gather3A_399] in [0] : vector<16xf32>, vector<16xi32> -> vector<16xf32>
      %add3A_401 = arith.addf %add3A_394, %gather3A_400 : vector<16xf32>
      %xor3A_402 = arith.constant 2 : i32
      %xor3A_403 = vector.broadcast %xor3A_402 : i32 to vector<16xi32>
      %xor3A_404 = arith.xori %iota3A, %xor3A_403 : vector<16xi32>
      %broadcast_in_dim3A_405 = vector.shape_cast %xor3A_404 : vector<16xi32> to vector<16x1xi32>
      %gather3A_406 = vector.shape_cast %broadcast_in_dim3A_405 : vector<16x1xi32> to vector<16xi32>
      %gather3A_407 = tpu.dynamic_gather %add3A_401[%gather3A_406] in [0] : vector<16xf32>, vector<16xi32> -> vector<16xf32>
      %add3A_408 = arith.addf %add3A_401, %gather3A_407 : vector<16xf32>
      %xor3A_409 = arith.constant 4 : i32
      %xor3A_410 = vector.broadcast %xor3A_409 : i32 to vector<16xi32>
      %xor3A_411 = arith.xori %iota3A, %xor3A_410 : vector<16xi32>
      %broadcast_in_dim3A_412 = vector.shape_cast %xor3A_411 : vector<16xi32> to vector<16x1xi32>
      %gather3A_413 = vector.shape_cast %broadcast_in_dim3A_412 : vector<16x1xi32> to vector<16xi32>
      %gather3A_414 = tpu.dynamic_gather %add3A_408[%gather3A_413] in [0] : vector<16xf32>, vector<16xi32> -> vector<16xf32>
      %add3A_415 = arith.addf %add3A_408, %gather3A_414 : vector<16xf32>
      %xor3A_416 = arith.constant 8 : i32
      %xor3A_417 = vector.broadcast %xor3A_416 : i32 to vector<16xi32>
      %xor3A_418 = arith.xori %iota3A, %xor3A_417 : vector<16xi32>
      %broadcast_in_dim3A_419 = vector.shape_cast %xor3A_418 : vector<16xi32> to vector<16x1xi32>
      %gather3A_420 = vector.shape_cast %broadcast_in_dim3A_419 : vector<16x1xi32> to vector<16xi32>
      %gather3A_421 = tpu.dynamic_gather %add3A_415[%gather3A_420] in [0] : vector<16xf32>, vector<16xi32> -> vector<16xf32>
      %add3A_422 = arith.addf %add3A_415, %gather3A_421 : vector<16xf32>
      %eq3A_423 = arith.constant 2 : i32
      %eq3A_424 = vector.broadcast %eq3A_423 : i32 to vector<16xi32>
      %eq3A_425 = arith.cmpi eq, %iota3A, %eq3A_424 : vector<16xi32>
      %select_n3A_426 = arith.select %eq3A_425, %add3A_422, %select_n3A_348 : vector<16xi1>, vector<16xf32>
      %mul3A_427 = arith.constant 16 : i32
      %mul3A_428 = arith.muli %scan3A_196, %mul3A_427 : i32
      %add3A_429 = arith.constant 3 : i32
      %add3A_430 = arith.addi %mul3A_428, %add3A_429 : i32
      %broadcast_in_dim3A_431 = arith.constant 0.000000e+00 : f32
      %broadcast_in_dim3A_432 = vector.broadcast %broadcast_in_dim3A_431 : f32 to vector<16xf32>
      %get3A_433 = arith.index_cast %add3A_430 : i32 to index
      %get3A_434 = arith.constant 0 : index
      %get3A_435 = tpu.vector_load %arg10[%get3A_433, %get3A_434] {strides = array<i32>} : memref<512x64xf32, #tpu.memory_space<vmem>>, vector<1x16xf32>,
      %get3A_436 = vector.shape_cast %get3A_435 : vector<1x16xf32> to vector<16xf32>
      %get3A_437 = arith.index_cast %add3A_430 : i32 to index
      %get3A_438 = arith.constant 0 : index
      %get3A_439 = tpu.vector_load %arg9[%get3A_437, %get3A_438] {strides = array<i32>} : memref<512x64xf32, #tpu.memory_space<vmem>>, vector<1x16xf32>,
      %get3A_440 = vector.shape_cast %get3A_439 : vector<1x16xf32> to vector<16xf32>
      %mul3A_441 = arith.mulf %get3A_436, %get3A_440 : vector<16xf32>
      %add3A_442 = arith.addf %broadcast_in_dim3A_432, %mul3A_441 : vector<16xf32>
      %get3A_443 = arith.index_cast %add3A_430 : i32 to index
      %get3A_444 = arith.constant 16 : index
      %get3A_445 = tpu.vector_load %arg10[%get3A_443, %get3A_444] {strides = array<i32>} : memref<512x64xf32, #tpu.memory_space<vmem>>, vector<1x16xf32>,
      %get3A_446 = vector.shape_cast %get3A_445 : vector<1x16xf32> to vector<16xf32>
      %get3A_447 = arith.index_cast %add3A_430 : i32 to index
      %get3A_448 = arith.constant 16 : index
      %get3A_449 = tpu.vector_load %arg9[%get3A_447, %get3A_448] {strides = array<i32>} : memref<512x64xf32, #tpu.memory_space<vmem>>, vector<1x16xf32>,
      %get3A_450 = vector.shape_cast %get3A_449 : vector<1x16xf32> to vector<16xf32>
      %mul3A_451 = arith.mulf %get3A_446, %get3A_450 : vector<16xf32>
      %add3A_452 = arith.addf %add3A_442, %mul3A_451 : vector<16xf32>
      %get3A_453 = arith.index_cast %add3A_430 : i32 to index
      %get3A_454 = arith.constant 32 : index
      %get3A_455 = tpu.vector_load %arg10[%get3A_453, %get3A_454] {strides = array<i32>} : memref<512x64xf32, #tpu.memory_space<vmem>>, vector<1x16xf32>,
      %get3A_456 = vector.shape_cast %get3A_455 : vector<1x16xf32> to vector<16xf32>
      %get3A_457 = arith.index_cast %add3A_430 : i32 to index
      %get3A_458 = arith.constant 32 : index
      %get3A_459 = tpu.vector_load %arg9[%get3A_457, %get3A_458] {strides = array<i32>} : memref<512x64xf32, #tpu.memory_space<vmem>>, vector<1x16xf32>,
      %get3A_460 = vector.shape_cast %get3A_459 : vector<1x16xf32> to vector<16xf32>
      %mul3A_461 = arith.mulf %get3A_456, %get3A_460 : vector<16xf32>
      %add3A_462 = arith.addf %add3A_452, %mul3A_461 : vector<16xf32>
      %get3A_463 = arith.index_cast %add3A_430 : i32 to index
      %get3A_464 = arith.constant 48 : index
      %get3A_465 = tpu.vector_load %arg10[%get3A_463, %get3A_464] {strides = array<i32>} : memref<512x64xf32, #tpu.memory_space<vmem>>, vector<1x16xf32>,
      %get3A_466 = vector.shape_cast %get3A_465 : vector<1x16xf32> to vector<16xf32>
      %get3A_467 = arith.index_cast %add3A_430 : i32 to index
      %get3A_468 = arith.constant 48 : index
      %get3A_469 = tpu.vector_load %arg9[%get3A_467, %get3A_468] {strides = array<i32>} : memref<512x64xf32, #tpu.memory_space<vmem>>, vector<1x16xf32>,
      %get3A_470 = vector.shape_cast %get3A_469 : vector<1x16xf32> to vector<16xf32>
      %mul3A_471 = arith.mulf %get3A_466, %get3A_470 : vector<16xf32>
      %add3A_472 = arith.addf %add3A_462, %mul3A_471 : vector<16xf32>
      %xor3A_473 = arith.constant 1 : i32
      %xor3A_474 = vector.broadcast %xor3A_473 : i32 to vector<16xi32>
      %xor3A_475 = arith.xori %iota3A, %xor3A_474 : vector<16xi32>
      %broadcast_in_dim3A_476 = vector.shape_cast %xor3A_475 : vector<16xi32> to vector<16x1xi32>
      %gather3A_477 = vector.shape_cast %broadcast_in_dim3A_476 : vector<16x1xi32> to vector<16xi32>
      %gather3A_478 = tpu.dynamic_gather %add3A_472[%gather3A_477] in [0] : vector<16xf32>, vector<16xi32> -> vector<16xf32>
      %add3A_479 = arith.addf %add3A_472, %gather3A_478 : vector<16xf32>
      %xor3A_480 = arith.constant 2 : i32
      %xor3A_481 = vector.broadcast %xor3A_480 : i32 to vector<16xi32>
      %xor3A_482 = arith.xori %iota3A, %xor3A_481 : vector<16xi32>
      %broadcast_in_dim3A_483 = vector.shape_cast %xor3A_482 : vector<16xi32> to vector<16x1xi32>
      %gather3A_484 = vector.shape_cast %broadcast_in_dim3A_483 : vector<16x1xi32> to vector<16xi32>
      %gather3A_485 = tpu.dynamic_gather %add3A_479[%gather3A_484] in [0] : vector<16xf32>, vector<16xi32> -> vector<16xf32>
      %add3A_486 = arith.addf %add3A_479, %gather3A_485 : vector<16xf32>
      %xor3A_487 = arith.constant 4 : i32
      %xor3A_488 = vector.broadcast %xor3A_487 : i32 to vector<16xi32>
      %xor3A_489 = arith.xori %iota3A, %xor3A_488 : vector<16xi32>
      %broadcast_in_dim3A_490 = vector.shape_cast %xor3A_489 : vector<16xi32> to vector<16x1xi32>
      %gather3A_491 = vector.shape_cast %broadcast_in_dim3A_490 : vector<16x1xi32> to vector<16xi32>
      %gather3A_492 = tpu.dynamic_gather %add3A_486[%gather3A_491] in [0] : vector<16xf32>, vector<16xi32> -> vector<16xf32>
      %add3A_493 = arith.addf %add3A_486, %gather3A_492 : vector<16xf32>
      %xor3A_494 = arith.constant 8 : i32
      %xor3A_495 = vector.broadcast %xor3A_494 : i32 to vector<16xi32>
      %xor3A_496 = arith.xori %iota3A, %xor3A_495 : vector<16xi32>
      %broadcast_in_dim3A_497 = vector.shape_cast %xor3A_496 : vector<16xi32> to vector<16x1xi32>
      %gather3A_498 = vector.shape_cast %broadcast_in_dim3A_497 : vector<16x1xi32> to vector<16xi32>
      %gather3A_499 = tpu.dynamic_gather %add3A_493[%gather3A_498] in [0] : vector<16xf32>, vector<16xi32> -> vector<16xf32>
      %add3A_500 = arith.addf %add3A_493, %gather3A_499 : vector<16xf32>
      %eq3A_501 = arith.constant 3 : i32
      %eq3A_502 = vector.broadcast %eq3A_501 : i32 to vector<16xi32>
      %eq3A_503 = arith.cmpi eq, %iota3A, %eq3A_502 : vector<16xi32>
      %select_n3A_504 = arith.select %eq3A_503, %add3A_500, %select_n3A_426 : vector<16xi1>, vector<16xf32>
      %mul3A_505 = arith.constant 16 : i32
      %mul3A_506 = arith.muli %scan3A_196, %mul3A_505 : i32
      %add3A_507 = arith.constant 4 : i32
      %add3A_508 = arith.addi %mul3A_506, %add3A_507 : i32
      %broadcast_in_dim3A_509 = arith.constant 0.000000e+00 : f32
      %broadcast_in_dim3A_510 = vector.broadcast %broadcast_in_dim3A_509 : f32 to vector<16xf32>
      %get3A_511 = arith.index_cast %add3A_508 : i32 to index
      %get3A_512 = arith.constant 0 : index
      %get3A_513 = tpu.vector_load %arg10[%get3A_511, %get3A_512] {strides = array<i32>} : memref<512x64xf32, #tpu.memory_space<vmem>>, vector<1x16xf32>,
      %get3A_514 = vector.shape_cast %get3A_513 : vector<1x16xf32> to vector<16xf32>
      %get3A_515 = arith.index_cast %add3A_508 : i32 to index
      %get3A_516 = arith.constant 0 : index
      %get3A_517 = tpu.vector_load %arg9[%get3A_515, %get3A_516] {strides = array<i32>} : memref<512x64xf32, #tpu.memory_space<vmem>>, vector<1x16xf32>,
      %get3A_518 = vector.shape_cast %get3A_517 : vector<1x16xf32> to vector<16xf32>
      %mul3A_519 = arith.mulf %get3A_514, %get3A_518 : vector<16xf32>
      %add3A_520 = arith.addf %broadcast_in_dim3A_510, %mul3A_519 : vector<16xf32>
      %get3A_521 = arith.index_cast %add3A_508 : i32 to index
      %get3A_522 = arith.constant 16 : index
      %get3A_523 = tpu.vector_load %arg10[%get3A_521, %get3A_522] {strides = array<i32>} : memref<512x64xf32, #tpu.memory_space<vmem>>, vector<1x16xf32>,
      %get3A_524 = vector.shape_cast %get3A_523 : vector<1x16xf32> to vector<16xf32>
      %get3A_525 = arith.index_cast %add3A_508 : i32 to index
      %get3A_526 = arith.constant 16 : index
      %get3A_527 = tpu.vector_load %arg9[%get3A_525, %get3A_526] {strides = array<i32>} : memref<512x64xf32, #tpu.memory_space<vmem>>, vector<1x16xf32>,
      %get3A_528 = vector.shape_cast %get3A_527 : vector<1x16xf32> to vector<16xf32>
      %mul3A_529 = arith.mulf %get3A_524, %get3A_528 : vector<16xf32>
      %add3A_530 = arith.addf %add3A_520, %mul3A_529 : vector<16xf32>
      %get3A_531 = arith.index_cast %add3A_508 : i32 to index
      %get3A_532 = arith.constant 32 : index
      %get3A_533 = tpu.vector_load %arg10[%get3A_531, %get3A_532] {strides = array<i32>} : memref<512x64xf32, #tpu.memory_space<vmem>>, vector<1x16xf32>,
      %get3A_534 = vector.shape_cast %get3A_533 : vector<1x16xf32> to vector<16xf32>
      %get3A_535 = arith.index_cast %add3A_508 : i32 to index
      %get3A_536 = arith.constant 32 : index
      %get3A_537 = tpu.vector_load %arg9[%get3A_535, %get3A_536] {strides = array<i32>} : memref<512x64xf32, #tpu.memory_space<vmem>>, vector<1x16xf32>,
      %get3A_538 = vector.shape_cast %get3A_537 : vector<1x16xf32> to vector<16xf32>
      %mul3A_539 = arith.mulf %get3A_534, %get3A_538 : vector<16xf32>
      %add3A_540 = arith.addf %add3A_530, %mul3A_539 : vector<16xf32>
      %get3A_541 = arith.index_cast %add3A_508 : i32 to index
      %get3A_542 = arith.constant 48 : index
      %get3A_543 = tpu.vector_load %arg10[%get3A_541, %get3A_542] {strides = array<i32>} : memref<512x64xf32, #tpu.memory_space<vmem>>, vector<1x16xf32>,
      %get3A_544 = vector.shape_cast %get3A_543 : vector<1x16xf32> to vector<16xf32>
      %get3A_545 = arith.index_cast %add3A_508 : i32 to index
      %get3A_546 = arith.constant 48 : index
      %get3A_547 = tpu.vector_load %arg9[%get3A_545, %get3A_546] {strides = array<i32>} : memref<512x64xf32, #tpu.memory_space<vmem>>, vector<1x16xf32>,
      %get3A_548 = vector.shape_cast %get3A_547 : vector<1x16xf32> to vector<16xf32>
      %mul3A_549 = arith.mulf %get3A_544, %get3A_548 : vector<16xf32>
      %add3A_550 = arith.addf %add3A_540, %mul3A_549 : vector<16xf32>
      %xor3A_551 = arith.constant 1 : i32
      %xor3A_552 = vector.broadcast %xor3A_551 : i32 to vector<16xi32>
      %xor3A_553 = arith.xori %iota3A, %xor3A_552 : vector<16xi32>
      %broadcast_in_dim3A_554 = vector.shape_cast %xor3A_553 : vector<16xi32> to vector<16x1xi32>
      %gather3A_555 = vector.shape_cast %broadcast_in_dim3A_554 : vector<16x1xi32> to vector<16xi32>
      %gather3A_556 = tpu.dynamic_gather %add3A_550[%gather3A_555] in [0] : vector<16xf32>, vector<16xi32> -> vector<16xf32>
      %add3A_557 = arith.addf %add3A_550, %gather3A_556 : vector<16xf32>
      %xor3A_558 = arith.constant 2 : i32
      %xor3A_559 = vector.broadcast %xor3A_558 : i32 to vector<16xi32>
      %xor3A_560 = arith.xori %iota3A, %xor3A_559 : vector<16xi32>
      %broadcast_in_dim3A_561 = vector.shape_cast %xor3A_560 : vector<16xi32> to vector<16x1xi32>
      %gather3A_562 = vector.shape_cast %broadcast_in_dim3A_561 : vector<16x1xi32> to vector<16xi32>
      %gather3A_563 = tpu.dynamic_gather %add3A_557[%gather3A_562] in [0] : vector<16xf32>, vector<16xi32> -> vector<16xf32>
      %add3A_564 = arith.addf %add3A_557, %gather3A_563 : vector<16xf32>
      %xor3A_565 = arith.constant 4 : i32
      %xor3A_566 = vector.broadcast %xor3A_565 : i32 to vector<16xi32>
      %xor3A_567 = arith.xori %iota3A, %xor3A_566 : vector<16xi32>
      %broadcast_in_dim3A_568 = vector.shape_cast %xor3A_567 : vector<16xi32> to vector<16x1xi32>
      %gather3A_569 = vector.shape_cast %broadcast_in_dim3A_568 : vector<16x1xi32> to vector<16xi32>
      %gather3A_570 = tpu.dynamic_gather %add3A_564[%gather3A_569] in [0] : vector<16xf32>, vector<16xi32> -> vector<16xf32>
      %add3A_571 = arith.addf %add3A_564, %gather3A_570 : vector<16xf32>
      %xor3A_572 = arith.constant 8 : i32
      %xor3A_573 = vector.broadcast %xor3A_572 : i32 to vector<16xi32>
      %xor3A_574 = arith.xori %iota3A, %xor3A_573 : vector<16xi32>
      %broadcast_in_dim3A_575 = vector.shape_cast %xor3A_574 : vector<16xi32> to vector<16x1xi32>
      %gather3A_576 = vector.shape_cast %broadcast_in_dim3A_575 : vector<16x1xi32> to vector<16xi32>
      %gather3A_577 = tpu.dynamic_gather %add3A_571[%gather3A_576] in [0] : vector<16xf32>, vector<16xi32> -> vector<16xf32>
      %add3A_578 = arith.addf %add3A_571, %gather3A_577 : vector<16xf32>
      %eq3A_579 = arith.constant 4 : i32
      %eq3A_580 = vector.broadcast %eq3A_579 : i32 to vector<16xi32>
      %eq3A_581 = arith.cmpi eq, %iota3A, %eq3A_580 : vector<16xi32>
      %select_n3A_582 = arith.select %eq3A_581, %add3A_578, %select_n3A_504 : vector<16xi1>, vector<16xf32>
      %mul3A_583 = arith.constant 16 : i32
      %mul3A_584 = arith.muli %scan3A_196, %mul3A_583 : i32
      %add3A_585 = arith.constant 5 : i32
      %add3A_586 = arith.addi %mul3A_584, %add3A_585 : i32
      %broadcast_in_dim3A_587 = arith.constant 0.000000e+00 : f32
      %broadcast_in_dim3A_588 = vector.broadcast %broadcast_in_dim3A_587 : f32 to vector<16xf32>
      %get3A_589 = arith.index_cast %add3A_586 : i32 to index
      %get3A_590 = arith.constant 0 : index
      %get3A_591 = tpu.vector_load %arg10[%get3A_589, %get3A_590] {strides = array<i32>} : memref<512x64xf32, #tpu.memory_space<vmem>>, vector<1x16xf32>,
      %get3A_592 = vector.shape_cast %get3A_591 : vector<1x16xf32> to vector<16xf32>
      %get3A_593 = arith.index_cast %add3A_586 : i32 to index
      %get3A_594 = arith.constant 0 : index
      %get3A_595 = tpu.vector_load %arg9[%get3A_593, %get3A_594] {strides = array<i32>} : memref<512x64xf32, #tpu.memory_space<vmem>>, vector<1x16xf32>,
      %get3A_596 = vector.shape_cast %get3A_595 : vector<1x16xf32> to vector<16xf32>
      %mul3A_597 = arith.mulf %get3A_592, %get3A_596 : vector<16xf32>
      %add3A_598 = arith.addf %broadcast_in_dim3A_588, %mul3A_597 : vector<16xf32>
      %get3A_599 = arith.index_cast %add3A_586 : i32 to index
      %get3A_600 = arith.constant 16 : index
      %get3A_601 = tpu.vector_load %arg10[%get3A_599, %get3A_600] {strides = array<i32>} : memref<512x64xf32, #tpu.memory_space<vmem>>, vector<1x16xf32>,
      %get3A_602 = vector.shape_cast %get3A_601 : vector<1x16xf32> to vector<16xf32>
      %get3A_603 = arith.index_cast %add3A_586 : i32 to index
      %get3A_604 = arith.constant 16 : index
      %get3A_605 = tpu.vector_load %arg9[%get3A_603, %get3A_604] {strides = array<i32>} : memref<512x64xf32, #tpu.memory_space<vmem>>, vector<1x16xf32>,
      %get3A_606 = vector.shape_cast %get3A_605 : vector<1x16xf32> to vector<16xf32>
      %mul3A_607 = arith.mulf %get3A_602, %get3A_606 : vector<16xf32>
      %add3A_608 = arith.addf %add3A_598, %mul3A_607 : vector<16xf32>
      %get3A_609 = arith.index_cast %add3A_586 : i32 to index
      %get3A_610 = arith.constant 32 : index
      %get3A_611 = tpu.vector_load %arg10[%get3A_609, %get3A_610] {strides = array<i32>} : memref<512x64xf32, #tpu.memory_space<vmem>>, vector<1x16xf32>,
      %get3A_612 = vector.shape_cast %get3A_611 : vector<1x16xf32> to vector<16xf32>
      %get3A_613 = arith.index_cast %add3A_586 : i32 to index
      %get3A_614 = arith.constant 32 : index
      %get3A_615 = tpu.vector_load %arg9[%get3A_613, %get3A_614] {strides = array<i32>} : memref<512x64xf32, #tpu.memory_space<vmem>>, vector<1x16xf32>,
      %get3A_616 = vector.shape_cast %get3A_615 : vector<1x16xf32> to vector<16xf32>
      %mul3A_617 = arith.mulf %get3A_612, %get3A_616 : vector<16xf32>
      %add3A_618 = arith.addf %add3A_608, %mul3A_617 : vector<16xf32>
      %get3A_619 = arith.index_cast %add3A_586 : i32 to index
      %get3A_620 = arith.constant 48 : index
      %get3A_621 = tpu.vector_load %arg10[%get3A_619, %get3A_620] {strides = array<i32>} : memref<512x64xf32, #tpu.memory_space<vmem>>, vector<1x16xf32>,
      %get3A_622 = vector.shape_cast %get3A_621 : vector<1x16xf32> to vector<16xf32>
      %get3A_623 = arith.index_cast %add3A_586 : i32 to index
      %get3A_624 = arith.constant 48 : index
      %get3A_625 = tpu.vector_load %arg9[%get3A_623, %get3A_624] {strides = array<i32>} : memref<512x64xf32, #tpu.memory_space<vmem>>, vector<1x16xf32>,
      %get3A_626 = vector.shape_cast %get3A_625 : vector<1x16xf32> to vector<16xf32>
      %mul3A_627 = arith.mulf %get3A_622, %get3A_626 : vector<16xf32>
      %add3A_628 = arith.addf %add3A_618, %mul3A_627 : vector<16xf32>
      %xor3A_629 = arith.constant 1 : i32
      %xor3A_630 = vector.broadcast %xor3A_629 : i32 to vector<16xi32>
      %xor3A_631 = arith.xori %iota3A, %xor3A_630 : vector<16xi32>
      %broadcast_in_dim3A_632 = vector.shape_cast %xor3A_631 : vector<16xi32> to vector<16x1xi32>
      %gather3A_633 = vector.shape_cast %broadcast_in_dim3A_632 : vector<16x1xi32> to vector<16xi32>
      %gather3A_634 = tpu.dynamic_gather %add3A_628[%gather3A_633] in [0] : vector<16xf32>, vector<16xi32> -> vector<16xf32>
      %add3A_635 = arith.addf %add3A_628, %gather3A_634 : vector<16xf32>
      %xor3A_636 = arith.constant 2 : i32
      %xor3A_637 = vector.broadcast %xor3A_636 : i32 to vector<16xi32>
      %xor3A_638 = arith.xori %iota3A, %xor3A_637 : vector<16xi32>
      %broadcast_in_dim3A_639 = vector.shape_cast %xor3A_638 : vector<16xi32> to vector<16x1xi32>
      %gather3A_640 = vector.shape_cast %broadcast_in_dim3A_639 : vector<16x1xi32> to vector<16xi32>
      %gather3A_641 = tpu.dynamic_gather %add3A_635[%gather3A_640] in [0] : vector<16xf32>, vector<16xi32> -> vector<16xf32>
      %add3A_642 = arith.addf %add3A_635, %gather3A_641 : vector<16xf32>
      %xor3A_643 = arith.constant 4 : i32
      %xor3A_644 = vector.broadcast %xor3A_643 : i32 to vector<16xi32>
      %xor3A_645 = arith.xori %iota3A, %xor3A_644 : vector<16xi32>
      %broadcast_in_dim3A_646 = vector.shape_cast %xor3A_645 : vector<16xi32> to vector<16x1xi32>
      %gather3A_647 = vector.shape_cast %broadcast_in_dim3A_646 : vector<16x1xi32> to vector<16xi32>
      %gather3A_648 = tpu.dynamic_gather %add3A_642[%gather3A_647] in [0] : vector<16xf32>, vector<16xi32> -> vector<16xf32>
      %add3A_649 = arith.addf %add3A_642, %gather3A_648 : vector<16xf32>
      %xor3A_650 = arith.constant 8 : i32
      %xor3A_651 = vector.broadcast %xor3A_650 : i32 to vector<16xi32>
      %xor3A_652 = arith.xori %iota3A, %xor3A_651 : vector<16xi32>
      %broadcast_in_dim3A_653 = vector.shape_cast %xor3A_652 : vector<16xi32> to vector<16x1xi32>
      %gather3A_654 = vector.shape_cast %broadcast_in_dim3A_653 : vector<16x1xi32> to vector<16xi32>
      %gather3A_655 = tpu.dynamic_gather %add3A_649[%gather3A_654] in [0] : vector<16xf32>, vector<16xi32> -> vector<16xf32>
      %add3A_656 = arith.addf %add3A_649, %gather3A_655 : vector<16xf32>
      %eq3A_657 = arith.constant 5 : i32
      %eq3A_658 = vector.broadcast %eq3A_657 : i32 to vector<16xi32>
      %eq3A_659 = arith.cmpi eq, %iota3A, %eq3A_658 : vector<16xi32>
      %select_n3A_660 = arith.select %eq3A_659, %add3A_656, %select_n3A_582 : vector<16xi1>, vector<16xf32>
      %mul3A_661 = arith.constant 16 : i32
      %mul3A_662 = arith.muli %scan3A_196, %mul3A_661 : i32
      %add3A_663 = arith.constant 6 : i32
      %add3A_664 = arith.addi %mul3A_662, %add3A_663 : i32
      %broadcast_in_dim3A_665 = arith.constant 0.000000e+00 : f32
      %broadcast_in_dim3A_666 = vector.broadcast %broadcast_in_dim3A_665 : f32 to vector<16xf32>
      %get3A_667 = arith.index_cast %add3A_664 : i32 to index
      %get3A_668 = arith.constant 0 : index
      %get3A_669 = tpu.vector_load %arg10[%get3A_667, %get3A_668] {strides = array<i32>} : memref<512x64xf32, #tpu.memory_space<vmem>>, vector<1x16xf32>,
      %get3A_670 = vector.shape_cast %get3A_669 : vector<1x16xf32> to vector<16xf32>
      %get3A_671 = arith.index_cast %add3A_664 : i32 to index
      %get3A_672 = arith.constant 0 : index
      %get3A_673 = tpu.vector_load %arg9[%get3A_671, %get3A_672] {strides = array<i32>} : memref<512x64xf32, #tpu.memory_space<vmem>>, vector<1x16xf32>,
      %get3A_674 = vector.shape_cast %get3A_673 : vector<1x16xf32> to vector<16xf32>
      %mul3A_675 = arith.mulf %get3A_670, %get3A_674 : vector<16xf32>
      %add3A_676 = arith.addf %broadcast_in_dim3A_666, %mul3A_675 : vector<16xf32>
      %get3A_677 = arith.index_cast %add3A_664 : i32 to index
      %get3A_678 = arith.constant 16 : index
      %get3A_679 = tpu.vector_load %arg10[%get3A_677, %get3A_678] {strides = array<i32>} : memref<512x64xf32, #tpu.memory_space<vmem>>, vector<1x16xf32>,
      %get3A_680 = vector.shape_cast %get3A_679 : vector<1x16xf32> to vector<16xf32>
      %get3A_681 = arith.index_cast %add3A_664 : i32 to index
      %get3A_682 = arith.constant 16 : index
      %get3A_683 = tpu.vector_load %arg9[%get3A_681, %get3A_682] {strides = array<i32>} : memref<512x64xf32, #tpu.memory_space<vmem>>, vector<1x16xf32>,
      %get3A_684 = vector.shape_cast %get3A_683 : vector<1x16xf32> to vector<16xf32>
      %mul3A_685 = arith.mulf %get3A_680, %get3A_684 : vector<16xf32>
      %add3A_686 = arith.addf %add3A_676, %mul3A_685 : vector<16xf32>
      %get3A_687 = arith.index_cast %add3A_664 : i32 to index
      %get3A_688 = arith.constant 32 : index
      %get3A_689 = tpu.vector_load %arg10[%get3A_687, %get3A_688] {strides = array<i32>} : memref<512x64xf32, #tpu.memory_space<vmem>>, vector<1x16xf32>,
      %get3A_690 = vector.shape_cast %get3A_689 : vector<1x16xf32> to vector<16xf32>
      %get3A_691 = arith.index_cast %add3A_664 : i32 to index
      %get3A_692 = arith.constant 32 : index
      %get3A_693 = tpu.vector_load %arg9[%get3A_691, %get3A_692] {strides = array<i32>} : memref<512x64xf32, #tpu.memory_space<vmem>>, vector<1x16xf32>,
      %get3A_694 = vector.shape_cast %get3A_693 : vector<1x16xf32> to vector<16xf32>
      %mul3A_695 = arith.mulf %get3A_690, %get3A_694 : vector<16xf32>
      %add3A_696 = arith.addf %add3A_686, %mul3A_695 : vector<16xf32>
      %get3A_697 = arith.index_cast %add3A_664 : i32 to index
      %get3A_698 = arith.constant 48 : index
      %get3A_699 = tpu.vector_load %arg10[%get3A_697, %get3A_698] {strides = array<i32>} : memref<512x64xf32, #tpu.memory_space<vmem>>, vector<1x16xf32>,
      %get3A_700 = vector.shape_cast %get3A_699 : vector<1x16xf32> to vector<16xf32>
      %get3A_701 = arith.index_cast %add3A_664 : i32 to index
      %get3A_702 = arith.constant 48 : index
      %get3A_703 = tpu.vector_load %arg9[%get3A_701, %get3A_702] {strides = array<i32>} : memref<512x64xf32, #tpu.memory_space<vmem>>, vector<1x16xf32>,
      %get3A_704 = vector.shape_cast %get3A_703 : vector<1x16xf32> to vector<16xf32>
      %mul3A_705 = arith.mulf %get3A_700, %get3A_704 : vector<16xf32>
      %add3A_706 = arith.addf %add3A_696, %mul3A_705 : vector<16xf32>
      %xor3A_707 = arith.constant 1 : i32
      %xor3A_708 = vector.broadcast %xor3A_707 : i32 to vector<16xi32>
      %xor3A_709 = arith.xori %iota3A, %xor3A_708 : vector<16xi32>
      %broadcast_in_dim3A_710 = vector.shape_cast %xor3A_709 : vector<16xi32> to vector<16x1xi32>
      %gather3A_711 = vector.shape_cast %broadcast_in_dim3A_710 : vector<16x1xi32> to vector<16xi32>
      %gather3A_712 = tpu.dynamic_gather %add3A_706[%gather3A_711] in [0] : vector<16xf32>, vector<16xi32> -> vector<16xf32>
      %add3A_713 = arith.addf %add3A_706, %gather3A_712 : vector<16xf32>
      %xor3A_714 = arith.constant 2 : i32
      %xor3A_715 = vector.broadcast %xor3A_714 : i32 to vector<16xi32>
      %xor3A_716 = arith.xori %iota3A, %xor3A_715 : vector<16xi32>
      %broadcast_in_dim3A_717 = vector.shape_cast %xor3A_716 : vector<16xi32> to vector<16x1xi32>
      %gather3A_718 = vector.shape_cast %broadcast_in_dim3A_717 : vector<16x1xi32> to vector<16xi32>
      %gather3A_719 = tpu.dynamic_gather %add3A_713[%gather3A_718] in [0] : vector<16xf32>, vector<16xi32> -> vector<16xf32>
      %add3A_720 = arith.addf %add3A_713, %gather3A_719 : vector<16xf32>
      %xor3A_721 = arith.constant 4 : i32
      %xor3A_722 = vector.broadcast %xor3A_721 : i32 to vector<16xi32>
      %xor3A_723 = arith.xori %iota3A, %xor3A_722 : vector<16xi32>
      %broadcast_in_dim3A_724 = vector.shape_cast %xor3A_723 : vector<16xi32> to vector<16x1xi32>
      %gather3A_725 = vector.shape_cast %broadcast_in_dim3A_724 : vector<16x1xi32> to vector<16xi32>
      %gather3A_726 = tpu.dynamic_gather %add3A_720[%gather3A_725] in [0] : vector<16xf32>, vector<16xi32> -> vector<16xf32>
      %add3A_727 = arith.addf %add3A_720, %gather3A_726 : vector<16xf32>
      %xor3A_728 = arith.constant 8 : i32
      %xor3A_729 = vector.broadcast %xor3A_728 : i32 to vector<16xi32>
      %xor3A_730 = arith.xori %iota3A, %xor3A_729 : vector<16xi32>
      %broadcast_in_dim3A_731 = vector.shape_cast %xor3A_730 : vector<16xi32> to vector<16x1xi32>
      %gather3A_732 = vector.shape_cast %broadcast_in_dim3A_731 : vector<16x1xi32> to vector<16xi32>
      %gather3A_733 = tpu.dynamic_gather %add3A_727[%gather3A_732] in [0] : vector<16xf32>, vector<16xi32> -> vector<16xf32>
      %add3A_734 = arith.addf %add3A_727, %gather3A_733 : vector<16xf32>
      %eq3A_735 = arith.constant 6 : i32
      %eq3A_736 = vector.broadcast %eq3A_735 : i32 to vector<16xi32>
      %eq3A_737 = arith.cmpi eq, %iota3A, %eq3A_736 : vector<16xi32>
      %select_n3A_738 = arith.select %eq3A_737, %add3A_734, %select_n3A_660 : vector<16xi1>, vector<16xf32>
      %mul3A_739 = arith.constant 16 : i32
      %mul3A_740 = arith.muli %scan3A_196, %mul3A_739 : i32
      %add3A_741 = arith.constant 7 : i32
      %add3A_742 = arith.addi %mul3A_740, %add3A_741 : i32
      %broadcast_in_dim3A_743 = arith.constant 0.000000e+00 : f32
      %broadcast_in_dim3A_744 = vector.broadcast %broadcast_in_dim3A_743 : f32 to vector<16xf32>
      %get3A_745 = arith.index_cast %add3A_742 : i32 to index
      %get3A_746 = arith.constant 0 : index
      %get3A_747 = tpu.vector_load %arg10[%get3A_745, %get3A_746] {strides = array<i32>} : memref<512x64xf32, #tpu.memory_space<vmem>>, vector<1x16xf32>,
      %get3A_748 = vector.shape_cast %get3A_747 : vector<1x16xf32> to vector<16xf32>
      %get3A_749 = arith.index_cast %add3A_742 : i32 to index
      %get3A_750 = arith.constant 0 : index
      %get3A_751 = tpu.vector_load %arg9[%get3A_749, %get3A_750] {strides = array<i32>} : memref<512x64xf32, #tpu.memory_space<vmem>>, vector<1x16xf32>,
      %get3A_752 = vector.shape_cast %get3A_751 : vector<1x16xf32> to vector<16xf32>
      %mul3A_753 = arith.mulf %get3A_748, %get3A_752 : vector<16xf32>
      %add3A_754 = arith.addf %broadcast_in_dim3A_744, %mul3A_753 : vector<16xf32>
      %get3A_755 = arith.index_cast %add3A_742 : i32 to index
      %get3A_756 = arith.constant 16 : index
      %get3A_757 = tpu.vector_load %arg10[%get3A_755, %get3A_756] {strides = array<i32>} : memref<512x64xf32, #tpu.memory_space<vmem>>, vector<1x16xf32>,
      %get3A_758 = vector.shape_cast %get3A_757 : vector<1x16xf32> to vector<16xf32>
      %get3A_759 = arith.index_cast %add3A_742 : i32 to index
      %get3A_760 = arith.constant 16 : index
      %get3A_761 = tpu.vector_load %arg9[%get3A_759, %get3A_760] {strides = array<i32>} : memref<512x64xf32, #tpu.memory_space<vmem>>, vector<1x16xf32>,
      %get3A_762 = vector.shape_cast %get3A_761 : vector<1x16xf32> to vector<16xf32>
      %mul3A_763 = arith.mulf %get3A_758, %get3A_762 : vector<16xf32>
      %add3A_764 = arith.addf %add3A_754, %mul3A_763 : vector<16xf32>
      %get3A_765 = arith.index_cast %add3A_742 : i32 to index
      %get3A_766 = arith.constant 32 : index
      %get3A_767 = tpu.vector_load %arg10[%get3A_765, %get3A_766] {strides = array<i32>} : memref<512x64xf32, #tpu.memory_space<vmem>>, vector<1x16xf32>,
      %get3A_768 = vector.shape_cast %get3A_767 : vector<1x16xf32> to vector<16xf32>
      %get3A_769 = arith.index_cast %add3A_742 : i32 to index
      %get3A_770 = arith.constant 32 : index
      %get3A_771 = tpu.vector_load %arg9[%get3A_769, %get3A_770] {strides = array<i32>} : memref<512x64xf32, #tpu.memory_space<vmem>>, vector<1x16xf32>,
      %get3A_772 = vector.shape_cast %get3A_771 : vector<1x16xf32> to vector<16xf32>
      %mul3A_773 = arith.mulf %get3A_768, %get3A_772 : vector<16xf32>
      %add3A_774 = arith.addf %add3A_764, %mul3A_773 : vector<16xf32>
      %get3A_775 = arith.index_cast %add3A_742 : i32 to index
      %get3A_776 = arith.constant 48 : index
      %get3A_777 = tpu.vector_load %arg10[%get3A_775, %get3A_776] {strides = array<i32>} : memref<512x64xf32, #tpu.memory_space<vmem>>, vector<1x16xf32>,
      %get3A_778 = vector.shape_cast %get3A_777 : vector<1x16xf32> to vector<16xf32>
      %get3A_779 = arith.index_cast %add3A_742 : i32 to index
      %get3A_780 = arith.constant 48 : index
      %get3A_781 = tpu.vector_load %arg9[%get3A_779, %get3A_780] {strides = array<i32>} : memref<512x64xf32, #tpu.memory_space<vmem>>, vector<1x16xf32>,
      %get3A_782 = vector.shape_cast %get3A_781 : vector<1x16xf32> to vector<16xf32>
      %mul3A_783 = arith.mulf %get3A_778, %get3A_782 : vector<16xf32>
      %add3A_784 = arith.addf %add3A_774, %mul3A_783 : vector<16xf32>
      %xor3A_785 = arith.constant 1 : i32
      %xor3A_786 = vector.broadcast %xor3A_785 : i32 to vector<16xi32>
      %xor3A_787 = arith.xori %iota3A, %xor3A_786 : vector<16xi32>
      %broadcast_in_dim3A_788 = vector.shape_cast %xor3A_787 : vector<16xi32> to vector<16x1xi32>
      %gather3A_789 = vector.shape_cast %broadcast_in_dim3A_788 : vector<16x1xi32> to vector<16xi32>
      %gather3A_790 = tpu.dynamic_gather %add3A_784[%gather3A_789] in [0] : vector<16xf32>, vector<16xi32> -> vector<16xf32>
      %add3A_791 = arith.addf %add3A_784, %gather3A_790 : vector<16xf32>
      %xor3A_792 = arith.constant 2 : i32
      %xor3A_793 = vector.broadcast %xor3A_792 : i32 to vector<16xi32>
      %xor3A_794 = arith.xori %iota3A, %xor3A_793 : vector<16xi32>
      %broadcast_in_dim3A_795 = vector.shape_cast %xor3A_794 : vector<16xi32> to vector<16x1xi32>
      %gather3A_796 = vector.shape_cast %broadcast_in_dim3A_795 : vector<16x1xi32> to vector<16xi32>
      %gather3A_797 = tpu.dynamic_gather %add3A_791[%gather3A_796] in [0] : vector<16xf32>, vector<16xi32> -> vector<16xf32>
      %add3A_798 = arith.addf %add3A_791, %gather3A_797 : vector<16xf32>
      %xor3A_799 = arith.constant 4 : i32
      %xor3A_800 = vector.broadcast %xor3A_799 : i32 to vector<16xi32>
      %xor3A_801 = arith.xori %iota3A, %xor3A_800 : vector<16xi32>
      %broadcast_in_dim3A_802 = vector.shape_cast %xor3A_801 : vector<16xi32> to vector<16x1xi32>
      %gather3A_803 = vector.shape_cast %broadcast_in_dim3A_802 : vector<16x1xi32> to vector<16xi32>
      %gather3A_804 = tpu.dynamic_gather %add3A_798[%gather3A_803] in [0] : vector<16xf32>, vector<16xi32> -> vector<16xf32>
      %add3A_805 = arith.addf %add3A_798, %gather3A_804 : vector<16xf32>
      %xor3A_806 = arith.constant 8 : i32
      %xor3A_807 = vector.broadcast %xor3A_806 : i32 to vector<16xi32>
      %xor3A_808 = arith.xori %iota3A, %xor3A_807 : vector<16xi32>
      %broadcast_in_dim3A_809 = vector.shape_cast %xor3A_808 : vector<16xi32> to vector<16x1xi32>
      %gather3A_810 = vector.shape_cast %broadcast_in_dim3A_809 : vector<16x1xi32> to vector<16xi32>
      %gather3A_811 = tpu.dynamic_gather %add3A_805[%gather3A_810] in [0] : vector<16xf32>, vector<16xi32> -> vector<16xf32>
      %add3A_812 = arith.addf %add3A_805, %gather3A_811 : vector<16xf32>
      %eq3A_813 = arith.constant 7 : i32
      %eq3A_814 = vector.broadcast %eq3A_813 : i32 to vector<16xi32>
      %eq3A_815 = arith.cmpi eq, %iota3A, %eq3A_814 : vector<16xi32>
      %select_n3A_816 = arith.select %eq3A_815, %add3A_812, %select_n3A_738 : vector<16xi1>, vector<16xf32>
      %mul3A_817 = arith.constant 16 : i32
      %mul3A_818 = arith.muli %scan3A_196, %mul3A_817 : i32
      %add3A_819 = arith.constant 8 : i32
      %add3A_820 = arith.addi %mul3A_818, %add3A_819 : i32
      %broadcast_in_dim3A_821 = arith.constant 0.000000e+00 : f32
      %broadcast_in_dim3A_822 = vector.broadcast %broadcast_in_dim3A_821 : f32 to vector<16xf32>
      %get3A_823 = arith.index_cast %add3A_820 : i32 to index
      %get3A_824 = arith.constant 0 : index
      %get3A_825 = tpu.vector_load %arg10[%get3A_823, %get3A_824] {strides = array<i32>} : memref<512x64xf32, #tpu.memory_space<vmem>>, vector<1x16xf32>,
      %get3A_826 = vector.shape_cast %get3A_825 : vector<1x16xf32> to vector<16xf32>
      %get3A_827 = arith.index_cast %add3A_820 : i32 to index
      %get3A_828 = arith.constant 0 : index
      %get3A_829 = tpu.vector_load %arg9[%get3A_827, %get3A_828] {strides = array<i32>} : memref<512x64xf32, #tpu.memory_space<vmem>>, vector<1x16xf32>,
      %get3A_830 = vector.shape_cast %get3A_829 : vector<1x16xf32> to vector<16xf32>
      %mul3A_831 = arith.mulf %get3A_826, %get3A_830 : vector<16xf32>
      %add3A_832 = arith.addf %broadcast_in_dim3A_822, %mul3A_831 : vector<16xf32>
      %get3A_833 = arith.index_cast %add3A_820 : i32 to index
      %get3A_834 = arith.constant 16 : index
      %get3A_835 = tpu.vector_load %arg10[%get3A_833, %get3A_834] {strides = array<i32>} : memref<512x64xf32, #tpu.memory_space<vmem>>, vector<1x16xf32>,
      %get3A_836 = vector.shape_cast %get3A_835 : vector<1x16xf32> to vector<16xf32>
      %get3A_837 = arith.index_cast %add3A_820 : i32 to index
      %get3A_838 = arith.constant 16 : index
      %get3A_839 = tpu.vector_load %arg9[%get3A_837, %get3A_838] {strides = array<i32>} : memref<512x64xf32, #tpu.memory_space<vmem>>, vector<1x16xf32>,
      %get3A_840 = vector.shape_cast %get3A_839 : vector<1x16xf32> to vector<16xf32>
      %mul3A_841 = arith.mulf %get3A_836, %get3A_840 : vector<16xf32>
      %add3A_842 = arith.addf %add3A_832, %mul3A_841 : vector<16xf32>
      %get3A_843 = arith.index_cast %add3A_820 : i32 to index
      %get3A_844 = arith.constant 32 : index
      %get3A_845 = tpu.vector_load %arg10[%get3A_843, %get3A_844] {strides = array<i32>} : memref<512x64xf32, #tpu.memory_space<vmem>>, vector<1x16xf32>,
      %get3A_846 = vector.shape_cast %get3A_845 : vector<1x16xf32> to vector<16xf32>
      %get3A_847 = arith.index_cast %add3A_820 : i32 to index
      %get3A_848 = arith.constant 32 : index
      %get3A_849 = tpu.vector_load %arg9[%get3A_847, %get3A_848] {strides = array<i32>} : memref<512x64xf32, #tpu.memory_space<vmem>>, vector<1x16xf32>,
      %get3A_850 = vector.shape_cast %get3A_849 : vector<1x16xf32> to vector<16xf32>
      %mul3A_851 = arith.mulf %get3A_846, %get3A_850 : vector<16xf32>
      %add3A_852 = arith.addf %add3A_842, %mul3A_851 : vector<16xf32>
      %get3A_853 = arith.index_cast %add3A_820 : i32 to index
      %get3A_854 = arith.constant 48 : index
      %get3A_855 = tpu.vector_load %arg10[%get3A_853, %get3A_854] {strides = array<i32>} : memref<512x64xf32, #tpu.memory_space<vmem>>, vector<1x16xf32>,
      %get3A_856 = vector.shape_cast %get3A_855 : vector<1x16xf32> to vector<16xf32>
      %get3A_857 = arith.index_cast %add3A_820 : i32 to index
      %get3A_858 = arith.constant 48 : index
      %get3A_859 = tpu.vector_load %arg9[%get3A_857, %get3A_858] {strides = array<i32>} : memref<512x64xf32, #tpu.memory_space<vmem>>, vector<1x16xf32>,
      %get3A_860 = vector.shape_cast %get3A_859 : vector<1x16xf32> to vector<16xf32>
      %mul3A_861 = arith.mulf %get3A_856, %get3A_860 : vector<16xf32>
      %add3A_862 = arith.addf %add3A_852, %mul3A_861 : vector<16xf32>
      %xor3A_863 = arith.constant 1 : i32
      %xor3A_864 = vector.broadcast %xor3A_863 : i32 to vector<16xi32>
      %xor3A_865 = arith.xori %iota3A, %xor3A_864 : vector<16xi32>
      %broadcast_in_dim3A_866 = vector.shape_cast %xor3A_865 : vector<16xi32> to vector<16x1xi32>
      %gather3A_867 = vector.shape_cast %broadcast_in_dim3A_866 : vector<16x1xi32> to vector<16xi32>
      %gather3A_868 = tpu.dynamic_gather %add3A_862[%gather3A_867] in [0] : vector<16xf32>, vector<16xi32> -> vector<16xf32>
      %add3A_869 = arith.addf %add3A_862, %gather3A_868 : vector<16xf32>
      %xor3A_870 = arith.constant 2 : i32
      %xor3A_871 = vector.broadcast %xor3A_870 : i32 to vector<16xi32>
      %xor3A_872 = arith.xori %iota3A, %xor3A_871 : vector<16xi32>
      %broadcast_in_dim3A_873 = vector.shape_cast %xor3A_872 : vector<16xi32> to vector<16x1xi32>
      %gather3A_874 = vector.shape_cast %broadcast_in_dim3A_873 : vector<16x1xi32> to vector<16xi32>
      %gather3A_875 = tpu.dynamic_gather %add3A_869[%gather3A_874] in [0] : vector<16xf32>, vector<16xi32> -> vector<16xf32>
      %add3A_876 = arith.addf %add3A_869, %gather3A_875 : vector<16xf32>
      %xor3A_877 = arith.constant 4 : i32
      %xor3A_878 = vector.broadcast %xor3A_877 : i32 to vector<16xi32>
      %xor3A_879 = arith.xori %iota3A, %xor3A_878 : vector<16xi32>
      %broadcast_in_dim3A_880 = vector.shape_cast %xor3A_879 : vector<16xi32> to vector<16x1xi32>
      %gather3A_881 = vector.shape_cast %broadcast_in_dim3A_880 : vector<16x1xi32> to vector<16xi32>
      %gather3A_882 = tpu.dynamic_gather %add3A_876[%gather3A_881] in [0] : vector<16xf32>, vector<16xi32> -> vector<16xf32>
      %add3A_883 = arith.addf %add3A_876, %gather3A_882 : vector<16xf32>
      %xor3A_884 = arith.constant 8 : i32
      %xor3A_885 = vector.broadcast %xor3A_884 : i32 to vector<16xi32>
      %xor3A_886 = arith.xori %iota3A, %xor3A_885 : vector<16xi32>
      %broadcast_in_dim3A_887 = vector.shape_cast %xor3A_886 : vector<16xi32> to vector<16x1xi32>
      %gather3A_888 = vector.shape_cast %broadcast_in_dim3A_887 : vector<16x1xi32> to vector<16xi32>
      %gather3A_889 = tpu.dynamic_gather %add3A_883[%gather3A_888] in [0] : vector<16xf32>, vector<16xi32> -> vector<16xf32>
      %add3A_890 = arith.addf %add3A_883, %gather3A_889 : vector<16xf32>
      %eq3A_891 = arith.constant 8 : i32
      %eq3A_892 = vector.broadcast %eq3A_891 : i32 to vector<16xi32>
      %eq3A_893 = arith.cmpi eq, %iota3A, %eq3A_892 : vector<16xi32>
      %select_n3A_894 = arith.select %eq3A_893, %add3A_890, %select_n3A_816 : vector<16xi1>, vector<16xf32>
      %mul3A_895 = arith.constant 16 : i32
      %mul3A_896 = arith.muli %scan3A_196, %mul3A_895 : i32
      %add3A_897 = arith.constant 9 : i32
      %add3A_898 = arith.addi %mul3A_896, %add3A_897 : i32
      %broadcast_in_dim3A_899 = arith.constant 0.000000e+00 : f32
      %broadcast_in_dim3A_900 = vector.broadcast %broadcast_in_dim3A_899 : f32 to vector<16xf32>
      %get3A_901 = arith.index_cast %add3A_898 : i32 to index
      %get3A_902 = arith.constant 0 : index
      %get3A_903 = tpu.vector_load %arg10[%get3A_901, %get3A_902] {strides = array<i32>} : memref<512x64xf32, #tpu.memory_space<vmem>>, vector<1x16xf32>,
      %get3A_904 = vector.shape_cast %get3A_903 : vector<1x16xf32> to vector<16xf32>
      %get3A_905 = arith.index_cast %add3A_898 : i32 to index
      %get3A_906 = arith.constant 0 : index
      %get3A_907 = tpu.vector_load %arg9[%get3A_905, %get3A_906] {strides = array<i32>} : memref<512x64xf32, #tpu.memory_space<vmem>>, vector<1x16xf32>,
      %get3A_908 = vector.shape_cast %get3A_907 : vector<1x16xf32> to vector<16xf32>
      %mul3A_909 = arith.mulf %get3A_904, %get3A_908 : vector<16xf32>
      %add3A_910 = arith.addf %broadcast_in_dim3A_900, %mul3A_909 : vector<16xf32>
      %get3A_911 = arith.index_cast %add3A_898 : i32 to index
      %get3A_912 = arith.constant 16 : index
      %get3A_913 = tpu.vector_load %arg10[%get3A_911, %get3A_912] {strides = array<i32>} : memref<512x64xf32, #tpu.memory_space<vmem>>, vector<1x16xf32>,
      %get3A_914 = vector.shape_cast %get3A_913 : vector<1x16xf32> to vector<16xf32>
      %get3A_915 = arith.index_cast %add3A_898 : i32 to index
      %get3A_916 = arith.constant 16 : index
      %get3A_917 = tpu.vector_load %arg9[%get3A_915, %get3A_916] {strides = array<i32>} : memref<512x64xf32, #tpu.memory_space<vmem>>, vector<1x16xf32>,
      %get3A_918 = vector.shape_cast %get3A_917 : vector<1x16xf32> to vector<16xf32>
      %mul3A_919 = arith.mulf %get3A_914, %get3A_918 : vector<16xf32>
      %add3A_920 = arith.addf %add3A_910, %mul3A_919 : vector<16xf32>
      %get3A_921 = arith.index_cast %add3A_898 : i32 to index
      %get3A_922 = arith.constant 32 : index
      %get3A_923 = tpu.vector_load %arg10[%get3A_921, %get3A_922] {strides = array<i32>} : memref<512x64xf32, #tpu.memory_space<vmem>>, vector<1x16xf32>,
      %get3A_924 = vector.shape_cast %get3A_923 : vector<1x16xf32> to vector<16xf32>
      %get3A_925 = arith.index_cast %add3A_898 : i32 to index
      %get3A_926 = arith.constant 32 : index
      %get3A_927 = tpu.vector_load %arg9[%get3A_925, %get3A_926] {strides = array<i32>} : memref<512x64xf32, #tpu.memory_space<vmem>>, vector<1x16xf32>,
      %get3A_928 = vector.shape_cast %get3A_927 : vector<1x16xf32> to vector<16xf32>
      %mul3A_929 = arith.mulf %get3A_924, %get3A_928 : vector<16xf32>
      %add3A_930 = arith.addf %add3A_920, %mul3A_929 : vector<16xf32>
      %get3A_931 = arith.index_cast %add3A_898 : i32 to index
      %get3A_932 = arith.constant 48 : index
      %get3A_933 = tpu.vector_load %arg10[%get3A_931, %get3A_932] {strides = array<i32>} : memref<512x64xf32, #tpu.memory_space<vmem>>, vector<1x16xf32>,
      %get3A_934 = vector.shape_cast %get3A_933 : vector<1x16xf32> to vector<16xf32>
      %get3A_935 = arith.index_cast %add3A_898 : i32 to index
      %get3A_936 = arith.constant 48 : index
      %get3A_937 = tpu.vector_load %arg9[%get3A_935, %get3A_936] {strides = array<i32>} : memref<512x64xf32, #tpu.memory_space<vmem>>, vector<1x16xf32>,
      %get3A_938 = vector.shape_cast %get3A_937 : vector<1x16xf32> to vector<16xf32>
      %mul3A_939 = arith.mulf %get3A_934, %get3A_938 : vector<16xf32>
      %add3A_940 = arith.addf %add3A_930, %mul3A_939 : vector<16xf32>
      %xor3A_941 = arith.constant 1 : i32
      %xor3A_942 = vector.broadcast %xor3A_941 : i32 to vector<16xi32>
      %xor3A_943 = arith.xori %iota3A, %xor3A_942 : vector<16xi32>
      %broadcast_in_dim3A_944 = vector.shape_cast %xor3A_943 : vector<16xi32> to vector<16x1xi32>
      %gather3A_945 = vector.shape_cast %broadcast_in_dim3A_944 : vector<16x1xi32> to vector<16xi32>
      %gather3A_946 = tpu.dynamic_gather %add3A_940[%gather3A_945] in [0] : vector<16xf32>, vector<16xi32> -> vector<16xf32>
      %add3A_947 = arith.addf %add3A_940, %gather3A_946 : vector<16xf32>
      %xor3A_948 = arith.constant 2 : i32
      %xor3A_949 = vector.broadcast %xor3A_948 : i32 to vector<16xi32>
      %xor3A_950 = arith.xori %iota3A, %xor3A_949 : vector<16xi32>
      %broadcast_in_dim3A_951 = vector.shape_cast %xor3A_950 : vector<16xi32> to vector<16x1xi32>
      %gather3A_952 = vector.shape_cast %broadcast_in_dim3A_951 : vector<16x1xi32> to vector<16xi32>
      %gather3A_953 = tpu.dynamic_gather %add3A_947[%gather3A_952] in [0] : vector<16xf32>, vector<16xi32> -> vector<16xf32>
      %add3A_954 = arith.addf %add3A_947, %gather3A_953 : vector<16xf32>
      %xor3A_955 = arith.constant 4 : i32
      %xor3A_956 = vector.broadcast %xor3A_955 : i32 to vector<16xi32>
      %xor3A_957 = arith.xori %iota3A, %xor3A_956 : vector<16xi32>
      %broadcast_in_dim3A_958 = vector.shape_cast %xor3A_957 : vector<16xi32> to vector<16x1xi32>
      %gather3A_959 = vector.shape_cast %broadcast_in_dim3A_958 : vector<16x1xi32> to vector<16xi32>
      %gather3A_960 = tpu.dynamic_gather %add3A_954[%gather3A_959] in [0] : vector<16xf32>, vector<16xi32> -> vector<16xf32>
      %add3A_961 = arith.addf %add3A_954, %gather3A_960 : vector<16xf32>
      %xor3A_962 = arith.constant 8 : i32
      %xor3A_963 = vector.broadcast %xor3A_962 : i32 to vector<16xi32>
      %xor3A_964 = arith.xori %iota3A, %xor3A_963 : vector<16xi32>
      %broadcast_in_dim3A_965 = vector.shape_cast %xor3A_964 : vector<16xi32> to vector<16x1xi32>
      %gather3A_966 = vector.shape_cast %broadcast_in_dim3A_965 : vector<16x1xi32> to vector<16xi32>
      %gather3A_967 = tpu.dynamic_gather %add3A_961[%gather3A_966] in [0] : vector<16xf32>, vector<16xi32> -> vector<16xf32>
      %add3A_968 = arith.addf %add3A_961, %gather3A_967 : vector<16xf32>
      %eq3A_969 = arith.constant 9 : i32
      %eq3A_970 = vector.broadcast %eq3A_969 : i32 to vector<16xi32>
      %eq3A_971 = arith.cmpi eq, %iota3A, %eq3A_970 : vector<16xi32>
      %select_n3A_972 = arith.select %eq3A_971, %add3A_968, %select_n3A_894 : vector<16xi1>, vector<16xf32>
      %mul3A_973 = arith.constant 16 : i32
      %mul3A_974 = arith.muli %scan3A_196, %mul3A_973 : i32
      %add3A_975 = arith.constant 10 : i32
      %add3A_976 = arith.addi %mul3A_974, %add3A_975 : i32
      %broadcast_in_dim3A_977 = arith.constant 0.000000e+00 : f32
      %broadcast_in_dim3A_978 = vector.broadcast %broadcast_in_dim3A_977 : f32 to vector<16xf32>
      %get3A_979 = arith.index_cast %add3A_976 : i32 to index
      %get3A_980 = arith.constant 0 : index
      %get3A_981 = tpu.vector_load %arg10[%get3A_979, %get3A_980] {strides = array<i32>} : memref<512x64xf32, #tpu.memory_space<vmem>>, vector<1x16xf32>,
      %get3A_982 = vector.shape_cast %get3A_981 : vector<1x16xf32> to vector<16xf32>
      %get3A_983 = arith.index_cast %add3A_976 : i32 to index
      %get3A_984 = arith.constant 0 : index
      %get3A_985 = tpu.vector_load %arg9[%get3A_983, %get3A_984] {strides = array<i32>} : memref<512x64xf32, #tpu.memory_space<vmem>>, vector<1x16xf32>,
      %get3A_986 = vector.shape_cast %get3A_985 : vector<1x16xf32> to vector<16xf32>
      %mul3A_987 = arith.mulf %get3A_982, %get3A_986 : vector<16xf32>
      %add3A_988 = arith.addf %broadcast_in_dim3A_978, %mul3A_987 : vector<16xf32>
      %get3A_989 = arith.index_cast %add3A_976 : i32 to index
      %get3A_990 = arith.constant 16 : index
      %get3A_991 = tpu.vector_load %arg10[%get3A_989, %get3A_990] {strides = array<i32>} : memref<512x64xf32, #tpu.memory_space<vmem>>, vector<1x16xf32>,
      %get3A_992 = vector.shape_cast %get3A_991 : vector<1x16xf32> to vector<16xf32>
      %get3A_993 = arith.index_cast %add3A_976 : i32 to index
      %get3A_994 = arith.constant 16 : index
      %get3A_995 = tpu.vector_load %arg9[%get3A_993, %get3A_994] {strides = array<i32>} : memref<512x64xf32, #tpu.memory_space<vmem>>, vector<1x16xf32>,
      %get3A_996 = vector.shape_cast %get3A_995 : vector<1x16xf32> to vector<16xf32>
      %mul3A_997 = arith.mulf %get3A_992, %get3A_996 : vector<16xf32>
      %add3A_998 = arith.addf %add3A_988, %mul3A_997 : vector<16xf32>
      %get3A_999 = arith.index_cast %add3A_976 : i32 to index
      %get3A_1000 = arith.constant 32 : index
      %get3A_1001 = tpu.vector_load %arg10[%get3A_999, %get3A_1000] {strides = array<i32>} : memref<512x64xf32, #tpu.memory_space<vmem>>, vector<1x16xf32>,
      %get3A_1002 = vector.shape_cast %get3A_1001 : vector<1x16xf32> to vector<16xf32>
      %get3A_1003 = arith.index_cast %add3A_976 : i32 to index
      %get3A_1004 = arith.constant 32 : index
      %get3A_1005 = tpu.vector_load %arg9[%get3A_1003, %get3A_1004] {strides = array<i32>} : memref<512x64xf32, #tpu.memory_space<vmem>>, vector<1x16xf32>,
      %get3A_1006 = vector.shape_cast %get3A_1005 : vector<1x16xf32> to vector<16xf32>
      %mul3A_1007 = arith.mulf %get3A_1002, %get3A_1006 : vector<16xf32>
      %add3A_1008 = arith.addf %add3A_998, %mul3A_1007 : vector<16xf32>
      %get3A_1009 = arith.index_cast %add3A_976 : i32 to index
      %get3A_1010 = arith.constant 48 : index
      %get3A_1011 = tpu.vector_load %arg10[%get3A_1009, %get3A_1010] {strides = array<i32>} : memref<512x64xf32, #tpu.memory_space<vmem>>, vector<1x16xf32>,
      %get3A_1012 = vector.shape_cast %get3A_1011 : vector<1x16xf32> to vector<16xf32>
      %get3A_1013 = arith.index_cast %add3A_976 : i32 to index
      %get3A_1014 = arith.constant 48 : index
      %get3A_1015 = tpu.vector_load %arg9[%get3A_1013, %get3A_1014] {strides = array<i32>} : memref<512x64xf32, #tpu.memory_space<vmem>>, vector<1x16xf32>,
      %get3A_1016 = vector.shape_cast %get3A_1015 : vector<1x16xf32> to vector<16xf32>
      %mul3A_1017 = arith.mulf %get3A_1012, %get3A_1016 : vector<16xf32>
      %add3A_1018 = arith.addf %add3A_1008, %mul3A_1017 : vector<16xf32>
      %xor3A_1019 = arith.constant 1 : i32
      %xor3A_1020 = vector.broadcast %xor3A_1019 : i32 to vector<16xi32>
      %xor3A_1021 = arith.xori %iota3A, %xor3A_1020 : vector<16xi32>
      %broadcast_in_dim3A_1022 = vector.shape_cast %xor3A_1021 : vector<16xi32> to vector<16x1xi32>
      %gather3A_1023 = vector.shape_cast %broadcast_in_dim3A_1022 : vector<16x1xi32> to vector<16xi32>
      %gather3A_1024 = tpu.dynamic_gather %add3A_1018[%gather3A_1023] in [0] : vector<16xf32>, vector<16xi32> -> vector<16xf32>
      %add3A_1025 = arith.addf %add3A_1018, %gather3A_1024 : vector<16xf32>
      %xor3A_1026 = arith.constant 2 : i32
      %xor3A_1027 = vector.broadcast %xor3A_1026 : i32 to vector<16xi32>
      %xor3A_1028 = arith.xori %iota3A, %xor3A_1027 : vector<16xi32>
      %broadcast_in_dim3A_1029 = vector.shape_cast %xor3A_1028 : vector<16xi32> to vector<16x1xi32>
      %gather3A_1030 = vector.shape_cast %broadcast_in_dim3A_1029 : vector<16x1xi32> to vector<16xi32>
      %gather3A_1031 = tpu.dynamic_gather %add3A_1025[%gather3A_1030] in [0] : vector<16xf32>, vector<16xi32> -> vector<16xf32>
      %add3A_1032 = arith.addf %add3A_1025, %gather3A_1031 : vector<16xf32>
      %xor3A_1033 = arith.constant 4 : i32
      %xor3A_1034 = vector.broadcast %xor3A_1033 : i32 to vector<16xi32>
      %xor3A_1035 = arith.xori %iota3A, %xor3A_1034 : vector<16xi32>
      %broadcast_in_dim3A_1036 = vector.shape_cast %xor3A_1035 : vector<16xi32> to vector<16x1xi32>
      %gather3A_1037 = vector.shape_cast %broadcast_in_dim3A_1036 : vector<16x1xi32> to vector<16xi32>
      %gather3A_1038 = tpu.dynamic_gather %add3A_1032[%gather3A_1037] in [0] : vector<16xf32>, vector<16xi32> -> vector<16xf32>
      %add3A_1039 = arith.addf %add3A_1032, %gather3A_1038 : vector<16xf32>
      %xor3A_1040 = arith.constant 8 : i32
      %xor3A_1041 = vector.broadcast %xor3A_1040 : i32 to vector<16xi32>
      %xor3A_1042 = arith.xori %iota3A, %xor3A_1041 : vector<16xi32>
      %broadcast_in_dim3A_1043 = vector.shape_cast %xor3A_1042 : vector<16xi32> to vector<16x1xi32>
      %gather3A_1044 = vector.shape_cast %broadcast_in_dim3A_1043 : vector<16x1xi32> to vector<16xi32>
      %gather3A_1045 = tpu.dynamic_gather %add3A_1039[%gather3A_1044] in [0] : vector<16xf32>, vector<16xi32> -> vector<16xf32>
      %add3A_1046 = arith.addf %add3A_1039, %gather3A_1045 : vector<16xf32>
      %eq3A_1047 = arith.constant 10 : i32
      %eq3A_1048 = vector.broadcast %eq3A_1047 : i32 to vector<16xi32>
      %eq3A_1049 = arith.cmpi eq, %iota3A, %eq3A_1048 : vector<16xi32>
      %select_n3A_1050 = arith.select %eq3A_1049, %add3A_1046, %select_n3A_972 : vector<16xi1>, vector<16xf32>
      %mul3A_1051 = arith.constant 16 : i32
      %mul3A_1052 = arith.muli %scan3A_196, %mul3A_1051 : i32
      %add3A_1053 = arith.constant 11 : i32
      %add3A_1054 = arith.addi %mul3A_1052, %add3A_1053 : i32
      %broadcast_in_dim3A_1055 = arith.constant 0.000000e+00 : f32
      %broadcast_in_dim3A_1056 = vector.broadcast %broadcast_in_dim3A_1055 : f32 to vector<16xf32>
      %get3A_1057 = arith.index_cast %add3A_1054 : i32 to index
      %get3A_1058 = arith.constant 0 : index
      %get3A_1059 = tpu.vector_load %arg10[%get3A_1057, %get3A_1058] {strides = array<i32>} : memref<512x64xf32, #tpu.memory_space<vmem>>, vector<1x16xf32>,
      %get3A_1060 = vector.shape_cast %get3A_1059 : vector<1x16xf32> to vector<16xf32>
      %get3A_1061 = arith.index_cast %add3A_1054 : i32 to index
      %get3A_1062 = arith.constant 0 : index
      %get3A_1063 = tpu.vector_load %arg9[%get3A_1061, %get3A_1062] {strides = array<i32>} : memref<512x64xf32, #tpu.memory_space<vmem>>, vector<1x16xf32>,
      %get3A_1064 = vector.shape_cast %get3A_1063 : vector<1x16xf32> to vector<16xf32>
      %mul3A_1065 = arith.mulf %get3A_1060, %get3A_1064 : vector<16xf32>
      %add3A_1066 = arith.addf %broadcast_in_dim3A_1056, %mul3A_1065 : vector<16xf32>
      %get3A_1067 = arith.index_cast %add3A_1054 : i32 to index
      %get3A_1068 = arith.constant 16 : index
      %get3A_1069 = tpu.vector_load %arg10[%get3A_1067, %get3A_1068] {strides = array<i32>} : memref<512x64xf32, #tpu.memory_space<vmem>>, vector<1x16xf32>,
      %get3A_1070 = vector.shape_cast %get3A_1069 : vector<1x16xf32> to vector<16xf32>
      %get3A_1071 = arith.index_cast %add3A_1054 : i32 to index
      %get3A_1072 = arith.constant 16 : index
      %get3A_1073 = tpu.vector_load %arg9[%get3A_1071, %get3A_1072] {strides = array<i32>} : memref<512x64xf32, #tpu.memory_space<vmem>>, vector<1x16xf32>,
      %get3A_1074 = vector.shape_cast %get3A_1073 : vector<1x16xf32> to vector<16xf32>
      %mul3A_1075 = arith.mulf %get3A_1070, %get3A_1074 : vector<16xf32>
      %add3A_1076 = arith.addf %add3A_1066, %mul3A_1075 : vector<16xf32>
      %get3A_1077 = arith.index_cast %add3A_1054 : i32 to index
      %get3A_1078 = arith.constant 32 : index
      %get3A_1079 = tpu.vector_load %arg10[%get3A_1077, %get3A_1078] {strides = array<i32>} : memref<512x64xf32, #tpu.memory_space<vmem>>, vector<1x16xf32>,
      %get3A_1080 = vector.shape_cast %get3A_1079 : vector<1x16xf32> to vector<16xf32>
      %get3A_1081 = arith.index_cast %add3A_1054 : i32 to index
      %get3A_1082 = arith.constant 32 : index
      %get3A_1083 = tpu.vector_load %arg9[%get3A_1081, %get3A_1082] {strides = array<i32>} : memref<512x64xf32, #tpu.memory_space<vmem>>, vector<1x16xf32>,
      %get3A_1084 = vector.shape_cast %get3A_1083 : vector<1x16xf32> to vector<16xf32>
      %mul3A_1085 = arith.mulf %get3A_1080, %get3A_1084 : vector<16xf32>
      %add3A_1086 = arith.addf %add3A_1076, %mul3A_1085 : vector<16xf32>
      %get3A_1087 = arith.index_cast %add3A_1054 : i32 to index
      %get3A_1088 = arith.constant 48 : index
      %get3A_1089 = tpu.vector_load %arg10[%get3A_1087, %get3A_1088] {strides = array<i32>} : memref<512x64xf32, #tpu.memory_space<vmem>>, vector<1x16xf32>,
      %get3A_1090 = vector.shape_cast %get3A_1089 : vector<1x16xf32> to vector<16xf32>
      %get3A_1091 = arith.index_cast %add3A_1054 : i32 to index
      %get3A_1092 = arith.constant 48 : index
      %get3A_1093 = tpu.vector_load %arg9[%get3A_1091, %get3A_1092] {strides = array<i32>} : memref<512x64xf32, #tpu.memory_space<vmem>>, vector<1x16xf32>,
      %get3A_1094 = vector.shape_cast %get3A_1093 : vector<1x16xf32> to vector<16xf32>
      %mul3A_1095 = arith.mulf %get3A_1090, %get3A_1094 : vector<16xf32>
      %add3A_1096 = arith.addf %add3A_1086, %mul3A_1095 : vector<16xf32>
      %xor3A_1097 = arith.constant 1 : i32
      %xor3A_1098 = vector.broadcast %xor3A_1097 : i32 to vector<16xi32>
      %xor3A_1099 = arith.xori %iota3A, %xor3A_1098 : vector<16xi32>
      %broadcast_in_dim3A_1100 = vector.shape_cast %xor3A_1099 : vector<16xi32> to vector<16x1xi32>
      %gather3A_1101 = vector.shape_cast %broadcast_in_dim3A_1100 : vector<16x1xi32> to vector<16xi32>
      %gather3A_1102 = tpu.dynamic_gather %add3A_1096[%gather3A_1101] in [0] : vector<16xf32>, vector<16xi32> -> vector<16xf32>
      %add3A_1103 = arith.addf %add3A_1096, %gather3A_1102 : vector<16xf32>
      %xor3A_1104 = arith.constant 2 : i32
      %xor3A_1105 = vector.broadcast %xor3A_1104 : i32 to vector<16xi32>
      %xor3A_1106 = arith.xori %iota3A, %xor3A_1105 : vector<16xi32>
      %broadcast_in_dim3A_1107 = vector.shape_cast %xor3A_1106 : vector<16xi32> to vector<16x1xi32>
      %gather3A_1108 = vector.shape_cast %broadcast_in_dim3A_1107 : vector<16x1xi32> to vector<16xi32>
      %gather3A_1109 = tpu.dynamic_gather %add3A_1103[%gather3A_1108] in [0] : vector<16xf32>, vector<16xi32> -> vector<16xf32>
      %add3A_1110 = arith.addf %add3A_1103, %gather3A_1109 : vector<16xf32>
      %xor3A_1111 = arith.constant 4 : i32
      %xor3A_1112 = vector.broadcast %xor3A_1111 : i32 to vector<16xi32>
      %xor3A_1113 = arith.xori %iota3A, %xor3A_1112 : vector<16xi32>
      %broadcast_in_dim3A_1114 = vector.shape_cast %xor3A_1113 : vector<16xi32> to vector<16x1xi32>
      %gather3A_1115 = vector.shape_cast %broadcast_in_dim3A_1114 : vector<16x1xi32> to vector<16xi32>
      %gather3A_1116 = tpu.dynamic_gather %add3A_1110[%gather3A_1115] in [0] : vector<16xf32>, vector<16xi32> -> vector<16xf32>
      %add3A_1117 = arith.addf %add3A_1110, %gather3A_1116 : vector<16xf32>
      %xor3A_1118 = arith.constant 8 : i32
      %xor3A_1119 = vector.broadcast %xor3A_1118 : i32 to vector<16xi32>
      %xor3A_1120 = arith.xori %iota3A, %xor3A_1119 : vector<16xi32>
      %broadcast_in_dim3A_1121 = vector.shape_cast %xor3A_1120 : vector<16xi32> to vector<16x1xi32>
      %gather3A_1122 = vector.shape_cast %broadcast_in_dim3A_1121 : vector<16x1xi32> to vector<16xi32>
      %gather3A_1123 = tpu.dynamic_gather %add3A_1117[%gather3A_1122] in [0] : vector<16xf32>, vector<16xi32> -> vector<16xf32>
      %add3A_1124 = arith.addf %add3A_1117, %gather3A_1123 : vector<16xf32>
      %eq3A_1125 = arith.constant 11 : i32
      %eq3A_1126 = vector.broadcast %eq3A_1125 : i32 to vector<16xi32>
      %eq3A_1127 = arith.cmpi eq, %iota3A, %eq3A_1126 : vector<16xi32>
      %select_n3A_1128 = arith.select %eq3A_1127, %add3A_1124, %select_n3A_1050 : vector<16xi1>, vector<16xf32>
      %mul3A_1129 = arith.constant 16 : i32
      %mul3A_1130 = arith.muli %scan3A_196, %mul3A_1129 : i32
      %add3A_1131 = arith.constant 12 : i32
      %add3A_1132 = arith.addi %mul3A_1130, %add3A_1131 : i32
      %broadcast_in_dim3A_1133 = arith.constant 0.000000e+00 : f32
      %broadcast_in_dim3A_1134 = vector.broadcast %broadcast_in_dim3A_1133 : f32 to vector<16xf32>
      %get3A_1135 = arith.index_cast %add3A_1132 : i32 to index
      %get3A_1136 = arith.constant 0 : index
      %get3A_1137 = tpu.vector_load %arg10[%get3A_1135, %get3A_1136] {strides = array<i32>} : memref<512x64xf32, #tpu.memory_space<vmem>>, vector<1x16xf32>,
      %get3A_1138 = vector.shape_cast %get3A_1137 : vector<1x16xf32> to vector<16xf32>
      %get3A_1139 = arith.index_cast %add3A_1132 : i32 to index
      %get3A_1140 = arith.constant 0 : index
      %get3A_1141 = tpu.vector_load %arg9[%get3A_1139, %get3A_1140] {strides = array<i32>} : memref<512x64xf32, #tpu.memory_space<vmem>>, vector<1x16xf32>,
      %get3A_1142 = vector.shape_cast %get3A_1141 : vector<1x16xf32> to vector<16xf32>
      %mul3A_1143 = arith.mulf %get3A_1138, %get3A_1142 : vector<16xf32>
      %add3A_1144 = arith.addf %broadcast_in_dim3A_1134, %mul3A_1143 : vector<16xf32>
      %get3A_1145 = arith.index_cast %add3A_1132 : i32 to index
      %get3A_1146 = arith.constant 16 : index
      %get3A_1147 = tpu.vector_load %arg10[%get3A_1145, %get3A_1146] {strides = array<i32>} : memref<512x64xf32, #tpu.memory_space<vmem>>, vector<1x16xf32>,
      %get3A_1148 = vector.shape_cast %get3A_1147 : vector<1x16xf32> to vector<16xf32>
      %get3A_1149 = arith.index_cast %add3A_1132 : i32 to index
      %get3A_1150 = arith.constant 16 : index
      %get3A_1151 = tpu.vector_load %arg9[%get3A_1149, %get3A_1150] {strides = array<i32>} : memref<512x64xf32, #tpu.memory_space<vmem>>, vector<1x16xf32>,
      %get3A_1152 = vector.shape_cast %get3A_1151 : vector<1x16xf32> to vector<16xf32>
      %mul3A_1153 = arith.mulf %get3A_1148, %get3A_1152 : vector<16xf32>
      %add3A_1154 = arith.addf %add3A_1144, %mul3A_1153 : vector<16xf32>
      %get3A_1155 = arith.index_cast %add3A_1132 : i32 to index
      %get3A_1156 = arith.constant 32 : index
      %get3A_1157 = tpu.vector_load %arg10[%get3A_1155, %get3A_1156] {strides = array<i32>} : memref<512x64xf32, #tpu.memory_space<vmem>>, vector<1x16xf32>,
      %get3A_1158 = vector.shape_cast %get3A_1157 : vector<1x16xf32> to vector<16xf32>
      %get3A_1159 = arith.index_cast %add3A_1132 : i32 to index
      %get3A_1160 = arith.constant 32 : index
      %get3A_1161 = tpu.vector_load %arg9[%get3A_1159, %get3A_1160] {strides = array<i32>} : memref<512x64xf32, #tpu.memory_space<vmem>>, vector<1x16xf32>,
      %get3A_1162 = vector.shape_cast %get3A_1161 : vector<1x16xf32> to vector<16xf32>
      %mul3A_1163 = arith.mulf %get3A_1158, %get3A_1162 : vector<16xf32>
      %add3A_1164 = arith.addf %add3A_1154, %mul3A_1163 : vector<16xf32>
      %get3A_1165 = arith.index_cast %add3A_1132 : i32 to index
      %get3A_1166 = arith.constant 48 : index
      %get3A_1167 = tpu.vector_load %arg10[%get3A_1165, %get3A_1166] {strides = array<i32>} : memref<512x64xf32, #tpu.memory_space<vmem>>, vector<1x16xf32>,
      %get3A_1168 = vector.shape_cast %get3A_1167 : vector<1x16xf32> to vector<16xf32>
      %get3A_1169 = arith.index_cast %add3A_1132 : i32 to index
      %get3A_1170 = arith.constant 48 : index
      %get3A_1171 = tpu.vector_load %arg9[%get3A_1169, %get3A_1170] {strides = array<i32>} : memref<512x64xf32, #tpu.memory_space<vmem>>, vector<1x16xf32>,
      %get3A_1172 = vector.shape_cast %get3A_1171 : vector<1x16xf32> to vector<16xf32>
      %mul3A_1173 = arith.mulf %get3A_1168, %get3A_1172 : vector<16xf32>
      %add3A_1174 = arith.addf %add3A_1164, %mul3A_1173 : vector<16xf32>
      %xor3A_1175 = arith.constant 1 : i32
      %xor3A_1176 = vector.broadcast %xor3A_1175 : i32 to vector<16xi32>
      %xor3A_1177 = arith.xori %iota3A, %xor3A_1176 : vector<16xi32>
      %broadcast_in_dim3A_1178 = vector.shape_cast %xor3A_1177 : vector<16xi32> to vector<16x1xi32>
      %gather3A_1179 = vector.shape_cast %broadcast_in_dim3A_1178 : vector<16x1xi32> to vector<16xi32>
      %gather3A_1180 = tpu.dynamic_gather %add3A_1174[%gather3A_1179] in [0] : vector<16xf32>, vector<16xi32> -> vector<16xf32>
      %add3A_1181 = arith.addf %add3A_1174, %gather3A_1180 : vector<16xf32>
      %xor3A_1182 = arith.constant 2 : i32
      %xor3A_1183 = vector.broadcast %xor3A_1182 : i32 to vector<16xi32>
      %xor3A_1184 = arith.xori %iota3A, %xor3A_1183 : vector<16xi32>
      %broadcast_in_dim3A_1185 = vector.shape_cast %xor3A_1184 : vector<16xi32> to vector<16x1xi32>
      %gather3A_1186 = vector.shape_cast %broadcast_in_dim3A_1185 : vector<16x1xi32> to vector<16xi32>
      %gather3A_1187 = tpu.dynamic_gather %add3A_1181[%gather3A_1186] in [0] : vector<16xf32>, vector<16xi32> -> vector<16xf32>
      %add3A_1188 = arith.addf %add3A_1181, %gather3A_1187 : vector<16xf32>
      %xor3A_1189 = arith.constant 4 : i32
      %xor3A_1190 = vector.broadcast %xor3A_1189 : i32 to vector<16xi32>
      %xor3A_1191 = arith.xori %iota3A, %xor3A_1190 : vector<16xi32>
      %broadcast_in_dim3A_1192 = vector.shape_cast %xor3A_1191 : vector<16xi32> to vector<16x1xi32>
      %gather3A_1193 = vector.shape_cast %broadcast_in_dim3A_1192 : vector<16x1xi32> to vector<16xi32>
      %gather3A_1194 = tpu.dynamic_gather %add3A_1188[%gather3A_1193] in [0] : vector<16xf32>, vector<16xi32> -> vector<16xf32>
      %add3A_1195 = arith.addf %add3A_1188, %gather3A_1194 : vector<16xf32>
      %xor3A_1196 = arith.constant 8 : i32
      %xor3A_1197 = vector.broadcast %xor3A_1196 : i32 to vector<16xi32>
      %xor3A_1198 = arith.xori %iota3A, %xor3A_1197 : vector<16xi32>
      %broadcast_in_dim3A_1199 = vector.shape_cast %xor3A_1198 : vector<16xi32> to vector<16x1xi32>
      %gather3A_1200 = vector.shape_cast %broadcast_in_dim3A_1199 : vector<16x1xi32> to vector<16xi32>
      %gather3A_1201 = tpu.dynamic_gather %add3A_1195[%gather3A_1200] in [0] : vector<16xf32>, vector<16xi32> -> vector<16xf32>
      %add3A_1202 = arith.addf %add3A_1195, %gather3A_1201 : vector<16xf32>
      %eq3A_1203 = arith.constant 12 : i32
      %eq3A_1204 = vector.broadcast %eq3A_1203 : i32 to vector<16xi32>
      %eq3A_1205 = arith.cmpi eq, %iota3A, %eq3A_1204 : vector<16xi32>
      %select_n3A_1206 = arith.select %eq3A_1205, %add3A_1202, %select_n3A_1128 : vector<16xi1>, vector<16xf32>
      %mul3A_1207 = arith.constant 16 : i32
      %mul3A_1208 = arith.muli %scan3A_196, %mul3A_1207 : i32
      %add3A_1209 = arith.constant 13 : i32
      %add3A_1210 = arith.addi %mul3A_1208, %add3A_1209 : i32
      %broadcast_in_dim3A_1211 = arith.constant 0.000000e+00 : f32
      %broadcast_in_dim3A_1212 = vector.broadcast %broadcast_in_dim3A_1211 : f32 to vector<16xf32>
      %get3A_1213 = arith.index_cast %add3A_1210 : i32 to index
      %get3A_1214 = arith.constant 0 : index
      %get3A_1215 = tpu.vector_load %arg10[%get3A_1213, %get3A_1214] {strides = array<i32>} : memref<512x64xf32, #tpu.memory_space<vmem>>, vector<1x16xf32>,
      %get3A_1216 = vector.shape_cast %get3A_1215 : vector<1x16xf32> to vector<16xf32>
      %get3A_1217 = arith.index_cast %add3A_1210 : i32 to index
      %get3A_1218 = arith.constant 0 : index
      %get3A_1219 = tpu.vector_load %arg9[%get3A_1217, %get3A_1218] {strides = array<i32>} : memref<512x64xf32, #tpu.memory_space<vmem>>, vector<1x16xf32>,
      %get3A_1220 = vector.shape_cast %get3A_1219 : vector<1x16xf32> to vector<16xf32>
      %mul3A_1221 = arith.mulf %get3A_1216, %get3A_1220 : vector<16xf32>
      %add3A_1222 = arith.addf %broadcast_in_dim3A_1212, %mul3A_1221 : vector<16xf32>
      %get3A_1223 = arith.index_cast %add3A_1210 : i32 to index
      %get3A_1224 = arith.constant 16 : index
      %get3A_1225 = tpu.vector_load %arg10[%get3A_1223, %get3A_1224] {strides = array<i32>} : memref<512x64xf32, #tpu.memory_space<vmem>>, vector<1x16xf32>,
      %get3A_1226 = vector.shape_cast %get3A_1225 : vector<1x16xf32> to vector<16xf32>
      %get3A_1227 = arith.index_cast %add3A_1210 : i32 to index
      %get3A_1228 = arith.constant 16 : index
      %get3A_1229 = tpu.vector_load %arg9[%get3A_1227, %get3A_1228] {strides = array<i32>} : memref<512x64xf32, #tpu.memory_space<vmem>>, vector<1x16xf32>,
      %get3A_1230 = vector.shape_cast %get3A_1229 : vector<1x16xf32> to vector<16xf32>
      %mul3A_1231 = arith.mulf %get3A_1226, %get3A_1230 : vector<16xf32>
      %add3A_1232 = arith.addf %add3A_1222, %mul3A_1231 : vector<16xf32>
      %get3A_1233 = arith.index_cast %add3A_1210 : i32 to index
      %get3A_1234 = arith.constant 32 : index
      %get3A_1235 = tpu.vector_load %arg10[%get3A_1233, %get3A_1234] {strides = array<i32>} : memref<512x64xf32, #tpu.memory_space<vmem>>, vector<1x16xf32>,
      %get3A_1236 = vector.shape_cast %get3A_1235 : vector<1x16xf32> to vector<16xf32>
      %get3A_1237 = arith.index_cast %add3A_1210 : i32 to index
      %get3A_1238 = arith.constant 32 : index
      %get3A_1239 = tpu.vector_load %arg9[%get3A_1237, %get3A_1238] {strides = array<i32>} : memref<512x64xf32, #tpu.memory_space<vmem>>, vector<1x16xf32>,
      %get3A_1240 = vector.shape_cast %get3A_1239 : vector<1x16xf32> to vector<16xf32>
      %mul3A_1241 = arith.mulf %get3A_1236, %get3A_1240 : vector<16xf32>
      %add3A_1242 = arith.addf %add3A_1232, %mul3A_1241 : vector<16xf32>
      %get3A_1243 = arith.index_cast %add3A_1210 : i32 to index
      %get3A_1244 = arith.constant 48 : index
      %get3A_1245 = tpu.vector_load %arg10[%get3A_1243, %get3A_1244] {strides = array<i32>} : memref<512x64xf32, #tpu.memory_space<vmem>>, vector<1x16xf32>,
      %get3A_1246 = vector.shape_cast %get3A_1245 : vector<1x16xf32> to vector<16xf32>
      %get3A_1247 = arith.index_cast %add3A_1210 : i32 to index
      %get3A_1248 = arith.constant 48 : index
      %get3A_1249 = tpu.vector_load %arg9[%get3A_1247, %get3A_1248] {strides = array<i32>} : memref<512x64xf32, #tpu.memory_space<vmem>>, vector<1x16xf32>,
      %get3A_1250 = vector.shape_cast %get3A_1249 : vector<1x16xf32> to vector<16xf32>
      %mul3A_1251 = arith.mulf %get3A_1246, %get3A_1250 : vector<16xf32>
      %add3A_1252 = arith.addf %add3A_1242, %mul3A_1251 : vector<16xf32>
      %xor3A_1253 = arith.constant 1 : i32
      %xor3A_1254 = vector.broadcast %xor3A_1253 : i32 to vector<16xi32>
      %xor3A_1255 = arith.xori %iota3A, %xor3A_1254 : vector<16xi32>
      %broadcast_in_dim3A_1256 = vector.shape_cast %xor3A_1255 : vector<16xi32> to vector<16x1xi32>
      %gather3A_1257 = vector.shape_cast %broadcast_in_dim3A_1256 : vector<16x1xi32> to vector<16xi32>
      %gather3A_1258 = tpu.dynamic_gather %add3A_1252[%gather3A_1257] in [0] : vector<16xf32>, vector<16xi32> -> vector<16xf32>
      %add3A_1259 = arith.addf %add3A_1252, %gather3A_1258 : vector<16xf32>
      %xor3A_1260 = arith.constant 2 : i32
      %xor3A_1261 = vector.broadcast %xor3A_1260 : i32 to vector<16xi32>
      %xor3A_1262 = arith.xori %iota3A, %xor3A_1261 : vector<16xi32>
      %broadcast_in_dim3A_1263 = vector.shape_cast %xor3A_1262 : vector<16xi32> to vector<16x1xi32>
      %gather3A_1264 = vector.shape_cast %broadcast_in_dim3A_1263 : vector<16x1xi32> to vector<16xi32>
      %gather3A_1265 = tpu.dynamic_gather %add3A_1259[%gather3A_1264] in [0] : vector<16xf32>, vector<16xi32> -> vector<16xf32>
      %add3A_1266 = arith.addf %add3A_1259, %gather3A_1265 : vector<16xf32>
      %xor3A_1267 = arith.constant 4 : i32
      %xor3A_1268 = vector.broadcast %xor3A_1267 : i32 to vector<16xi32>
      %xor3A_1269 = arith.xori %iota3A, %xor3A_1268 : vector<16xi32>
      %broadcast_in_dim3A_1270 = vector.shape_cast %xor3A_1269 : vector<16xi32> to vector<16x1xi32>
      %gather3A_1271 = vector.shape_cast %broadcast_in_dim3A_1270 : vector<16x1xi32> to vector<16xi32>
      %gather3A_1272 = tpu.dynamic_gather %add3A_1266[%gather3A_1271] in [0] : vector<16xf32>, vector<16xi32> -> vector<16xf32>
      %add3A_1273 = arith.addf %add3A_1266, %gather3A_1272 : vector<16xf32>
      %xor3A_1274 = arith.constant 8 : i32
      %xor3A_1275 = vector.broadcast %xor3A_1274 : i32 to vector<16xi32>
      %xor3A_1276 = arith.xori %iota3A, %xor3A_1275 : vector<16xi32>
      %broadcast_in_dim3A_1277 = vector.shape_cast %xor3A_1276 : vector<16xi32> to vector<16x1xi32>
      %gather3A_1278 = vector.shape_cast %broadcast_in_dim3A_1277 : vector<16x1xi32> to vector<16xi32>
      %gather3A_1279 = tpu.dynamic_gather %add3A_1273[%gather3A_1278] in [0] : vector<16xf32>, vector<16xi32> -> vector<16xf32>
      %add3A_1280 = arith.addf %add3A_1273, %gather3A_1279 : vector<16xf32>
      %eq3A_1281 = arith.constant 13 : i32
      %eq3A_1282 = vector.broadcast %eq3A_1281 : i32 to vector<16xi32>
      %eq3A_1283 = arith.cmpi eq, %iota3A, %eq3A_1282 : vector<16xi32>
      %select_n3A_1284 = arith.select %eq3A_1283, %add3A_1280, %select_n3A_1206 : vector<16xi1>, vector<16xf32>
      %mul3A_1285 = arith.constant 16 : i32
      %mul3A_1286 = arith.muli %scan3A_196, %mul3A_1285 : i32
      %add3A_1287 = arith.constant 14 : i32
      %add3A_1288 = arith.addi %mul3A_1286, %add3A_1287 : i32
      %broadcast_in_dim3A_1289 = arith.constant 0.000000e+00 : f32
      %broadcast_in_dim3A_1290 = vector.broadcast %broadcast_in_dim3A_1289 : f32 to vector<16xf32>
      %get3A_1291 = arith.index_cast %add3A_1288 : i32 to index
      %get3A_1292 = arith.constant 0 : index
      %get3A_1293 = tpu.vector_load %arg10[%get3A_1291, %get3A_1292] {strides = array<i32>} : memref<512x64xf32, #tpu.memory_space<vmem>>, vector<1x16xf32>,
      %get3A_1294 = vector.shape_cast %get3A_1293 : vector<1x16xf32> to vector<16xf32>
      %get3A_1295 = arith.index_cast %add3A_1288 : i32 to index
      %get3A_1296 = arith.constant 0 : index
      %get3A_1297 = tpu.vector_load %arg9[%get3A_1295, %get3A_1296] {strides = array<i32>} : memref<512x64xf32, #tpu.memory_space<vmem>>, vector<1x16xf32>,
      %get3A_1298 = vector.shape_cast %get3A_1297 : vector<1x16xf32> to vector<16xf32>
      %mul3A_1299 = arith.mulf %get3A_1294, %get3A_1298 : vector<16xf32>
      %add3A_1300 = arith.addf %broadcast_in_dim3A_1290, %mul3A_1299 : vector<16xf32>
      %get3A_1301 = arith.index_cast %add3A_1288 : i32 to index
      %get3A_1302 = arith.constant 16 : index
      %get3A_1303 = tpu.vector_load %arg10[%get3A_1301, %get3A_1302] {strides = array<i32>} : memref<512x64xf32, #tpu.memory_space<vmem>>, vector<1x16xf32>,
      %get3A_1304 = vector.shape_cast %get3A_1303 : vector<1x16xf32> to vector<16xf32>
      %get3A_1305 = arith.index_cast %add3A_1288 : i32 to index
      %get3A_1306 = arith.constant 16 : index
      %get3A_1307 = tpu.vector_load %arg9[%get3A_1305, %get3A_1306] {strides = array<i32>} : memref<512x64xf32, #tpu.memory_space<vmem>>, vector<1x16xf32>,
      %get3A_1308 = vector.shape_cast %get3A_1307 : vector<1x16xf32> to vector<16xf32>
      %mul3A_1309 = arith.mulf %get3A_1304, %get3A_1308 : vector<16xf32>
      %add3A_1310 = arith.addf %add3A_1300, %mul3A_1309 : vector<16xf32>
      %get3A_1311 = arith.index_cast %add3A_1288 : i32 to index
      %get3A_1312 = arith.constant 32 : index
      %get3A_1313 = tpu.vector_load %arg10[%get3A_1311, %get3A_1312] {strides = array<i32>} : memref<512x64xf32, #tpu.memory_space<vmem>>, vector<1x16xf32>,
      %get3A_1314 = vector.shape_cast %get3A_1313 : vector<1x16xf32> to vector<16xf32>
      %get3A_1315 = arith.index_cast %add3A_1288 : i32 to index
      %get3A_1316 = arith.constant 32 : index
      %get3A_1317 = tpu.vector_load %arg9[%get3A_1315, %get3A_1316] {strides = array<i32>} : memref<512x64xf32, #tpu.memory_space<vmem>>, vector<1x16xf32>,
      %get3A_1318 = vector.shape_cast %get3A_1317 : vector<1x16xf32> to vector<16xf32>
      %mul3A_1319 = arith.mulf %get3A_1314, %get3A_1318 : vector<16xf32>
      %add3A_1320 = arith.addf %add3A_1310, %mul3A_1319 : vector<16xf32>
      %get3A_1321 = arith.index_cast %add3A_1288 : i32 to index
      %get3A_1322 = arith.constant 48 : index
      %get3A_1323 = tpu.vector_load %arg10[%get3A_1321, %get3A_1322] {strides = array<i32>} : memref<512x64xf32, #tpu.memory_space<vmem>>, vector<1x16xf32>,
      %get3A_1324 = vector.shape_cast %get3A_1323 : vector<1x16xf32> to vector<16xf32>
      %get3A_1325 = arith.index_cast %add3A_1288 : i32 to index
      %get3A_1326 = arith.constant 48 : index
      %get3A_1327 = tpu.vector_load %arg9[%get3A_1325, %get3A_1326] {strides = array<i32>} : memref<512x64xf32, #tpu.memory_space<vmem>>, vector<1x16xf32>,
      %get3A_1328 = vector.shape_cast %get3A_1327 : vector<1x16xf32> to vector<16xf32>
      %mul3A_1329 = arith.mulf %get3A_1324, %get3A_1328 : vector<16xf32>
      %add3A_1330 = arith.addf %add3A_1320, %mul3A_1329 : vector<16xf32>
      %xor3A_1331 = arith.constant 1 : i32
      %xor3A_1332 = vector.broadcast %xor3A_1331 : i32 to vector<16xi32>
      %xor3A_1333 = arith.xori %iota3A, %xor3A_1332 : vector<16xi32>
      %broadcast_in_dim3A_1334 = vector.shape_cast %xor3A_1333 : vector<16xi32> to vector<16x1xi32>
      %gather3A_1335 = vector.shape_cast %broadcast_in_dim3A_1334 : vector<16x1xi32> to vector<16xi32>
      %gather3A_1336 = tpu.dynamic_gather %add3A_1330[%gather3A_1335] in [0] : vector<16xf32>, vector<16xi32> -> vector<16xf32>
      %add3A_1337 = arith.addf %add3A_1330, %gather3A_1336 : vector<16xf32>
      %xor3A_1338 = arith.constant 2 : i32
      %xor3A_1339 = vector.broadcast %xor3A_1338 : i32 to vector<16xi32>
      %xor3A_1340 = arith.xori %iota3A, %xor3A_1339 : vector<16xi32>
      %broadcast_in_dim3A_1341 = vector.shape_cast %xor3A_1340 : vector<16xi32> to vector<16x1xi32>
      %gather3A_1342 = vector.shape_cast %broadcast_in_dim3A_1341 : vector<16x1xi32> to vector<16xi32>
      %gather3A_1343 = tpu.dynamic_gather %add3A_1337[%gather3A_1342] in [0] : vector<16xf32>, vector<16xi32> -> vector<16xf32>
      %add3A_1344 = arith.addf %add3A_1337, %gather3A_1343 : vector<16xf32>
      %xor3A_1345 = arith.constant 4 : i32
      %xor3A_1346 = vector.broadcast %xor3A_1345 : i32 to vector<16xi32>
      %xor3A_1347 = arith.xori %iota3A, %xor3A_1346 : vector<16xi32>
      %broadcast_in_dim3A_1348 = vector.shape_cast %xor3A_1347 : vector<16xi32> to vector<16x1xi32>
      %gather3A_1349 = vector.shape_cast %broadcast_in_dim3A_1348 : vector<16x1xi32> to vector<16xi32>
      %gather3A_1350 = tpu.dynamic_gather %add3A_1344[%gather3A_1349] in [0] : vector<16xf32>, vector<16xi32> -> vector<16xf32>
      %add3A_1351 = arith.addf %add3A_1344, %gather3A_1350 : vector<16xf32>
      %xor3A_1352 = arith.constant 8 : i32
      %xor3A_1353 = vector.broadcast %xor3A_1352 : i32 to vector<16xi32>
      %xor3A_1354 = arith.xori %iota3A, %xor3A_1353 : vector<16xi32>
      %broadcast_in_dim3A_1355 = vector.shape_cast %xor3A_1354 : vector<16xi32> to vector<16x1xi32>
      %gather3A_1356 = vector.shape_cast %broadcast_in_dim3A_1355 : vector<16x1xi32> to vector<16xi32>
      %gather3A_1357 = tpu.dynamic_gather %add3A_1351[%gather3A_1356] in [0] : vector<16xf32>, vector<16xi32> -> vector<16xf32>
      %add3A_1358 = arith.addf %add3A_1351, %gather3A_1357 : vector<16xf32>
      %eq3A_1359 = arith.constant 14 : i32
      %eq3A_1360 = vector.broadcast %eq3A_1359 : i32 to vector<16xi32>
      %eq3A_1361 = arith.cmpi eq, %iota3A, %eq3A_1360 : vector<16xi32>
      %select_n3A_1362 = arith.select %eq3A_1361, %add3A_1358, %select_n3A_1284 : vector<16xi1>, vector<16xf32>
      %mul3A_1363 = arith.constant 16 : i32
      %mul3A_1364 = arith.muli %scan3A_196, %mul3A_1363 : i32
      %add3A_1365 = arith.constant 15 : i32
      %add3A_1366 = arith.addi %mul3A_1364, %add3A_1365 : i32
      %broadcast_in_dim3A_1367 = arith.constant 0.000000e+00 : f32
      %broadcast_in_dim3A_1368 = vector.broadcast %broadcast_in_dim3A_1367 : f32 to vector<16xf32>
      %get3A_1369 = arith.index_cast %add3A_1366 : i32 to index
      %get3A_1370 = arith.constant 0 : index
      %get3A_1371 = tpu.vector_load %arg10[%get3A_1369, %get3A_1370] {strides = array<i32>} : memref<512x64xf32, #tpu.memory_space<vmem>>, vector<1x16xf32>,
      %get3A_1372 = vector.shape_cast %get3A_1371 : vector<1x16xf32> to vector<16xf32>
      %get3A_1373 = arith.index_cast %add3A_1366 : i32 to index
      %get3A_1374 = arith.constant 0 : index
      %get3A_1375 = tpu.vector_load %arg9[%get3A_1373, %get3A_1374] {strides = array<i32>} : memref<512x64xf32, #tpu.memory_space<vmem>>, vector<1x16xf32>,
      %get3A_1376 = vector.shape_cast %get3A_1375 : vector<1x16xf32> to vector<16xf32>
      %mul3A_1377 = arith.mulf %get3A_1372, %get3A_1376 : vector<16xf32>
      %add3A_1378 = arith.addf %broadcast_in_dim3A_1368, %mul3A_1377 : vector<16xf32>
      %get3A_1379 = arith.index_cast %add3A_1366 : i32 to index
      %get3A_1380 = arith.constant 16 : index
      %get3A_1381 = tpu.vector_load %arg10[%get3A_1379, %get3A_1380] {strides = array<i32>} : memref<512x64xf32, #tpu.memory_space<vmem>>, vector<1x16xf32>,
      %get3A_1382 = vector.shape_cast %get3A_1381 : vector<1x16xf32> to vector<16xf32>
      %get3A_1383 = arith.index_cast %add3A_1366 : i32 to index
      %get3A_1384 = arith.constant 16 : index
      %get3A_1385 = tpu.vector_load %arg9[%get3A_1383, %get3A_1384] {strides = array<i32>} : memref<512x64xf32, #tpu.memory_space<vmem>>, vector<1x16xf32>,
      %get3A_1386 = vector.shape_cast %get3A_1385 : vector<1x16xf32> to vector<16xf32>
      %mul3A_1387 = arith.mulf %get3A_1382, %get3A_1386 : vector<16xf32>
      %add3A_1388 = arith.addf %add3A_1378, %mul3A_1387 : vector<16xf32>
      %get3A_1389 = arith.index_cast %add3A_1366 : i32 to index
      %get3A_1390 = arith.constant 32 : index
      %get3A_1391 = tpu.vector_load %arg10[%get3A_1389, %get3A_1390] {strides = array<i32>} : memref<512x64xf32, #tpu.memory_space<vmem>>, vector<1x16xf32>,
      %get3A_1392 = vector.shape_cast %get3A_1391 : vector<1x16xf32> to vector<16xf32>
      %get3A_1393 = arith.index_cast %add3A_1366 : i32 to index
      %get3A_1394 = arith.constant 32 : index
      %get3A_1395 = tpu.vector_load %arg9[%get3A_1393, %get3A_1394] {strides = array<i32>} : memref<512x64xf32, #tpu.memory_space<vmem>>, vector<1x16xf32>,
      %get3A_1396 = vector.shape_cast %get3A_1395 : vector<1x16xf32> to vector<16xf32>
      %mul3A_1397 = arith.mulf %get3A_1392, %get3A_1396 : vector<16xf32>
      %add3A_1398 = arith.addf %add3A_1388, %mul3A_1397 : vector<16xf32>
      %get3A_1399 = arith.index_cast %add3A_1366 : i32 to index
      %get3A_1400 = arith.constant 48 : index
      %get3A_1401 = tpu.vector_load %arg10[%get3A_1399, %get3A_1400] {strides = array<i32>} : memref<512x64xf32, #tpu.memory_space<vmem>>, vector<1x16xf32>,
      %get3A_1402 = vector.shape_cast %get3A_1401 : vector<1x16xf32> to vector<16xf32>
      %get3A_1403 = arith.index_cast %add3A_1366 : i32 to index
      %get3A_1404 = arith.constant 48 : index
      %get3A_1405 = tpu.vector_load %arg9[%get3A_1403, %get3A_1404] {strides = array<i32>} : memref<512x64xf32, #tpu.memory_space<vmem>>, vector<1x16xf32>,
      %get3A_1406 = vector.shape_cast %get3A_1405 : vector<1x16xf32> to vector<16xf32>
      %mul3A_1407 = arith.mulf %get3A_1402, %get3A_1406 : vector<16xf32>
      %add3A_1408 = arith.addf %add3A_1398, %mul3A_1407 : vector<16xf32>
      %xor3A_1409 = arith.constant 1 : i32
      %xor3A_1410 = vector.broadcast %xor3A_1409 : i32 to vector<16xi32>
      %xor3A_1411 = arith.xori %iota3A, %xor3A_1410 : vector<16xi32>
      %broadcast_in_dim3A_1412 = vector.shape_cast %xor3A_1411 : vector<16xi32> to vector<16x1xi32>
      %gather3A_1413 = vector.shape_cast %broadcast_in_dim3A_1412 : vector<16x1xi32> to vector<16xi32>
      %gather3A_1414 = tpu.dynamic_gather %add3A_1408[%gather3A_1413] in [0] : vector<16xf32>, vector<16xi32> -> vector<16xf32>
      %add3A_1415 = arith.addf %add3A_1408, %gather3A_1414 : vector<16xf32>
      %xor3A_1416 = arith.constant 2 : i32
      %xor3A_1417 = vector.broadcast %xor3A_1416 : i32 to vector<16xi32>
      %xor3A_1418 = arith.xori %iota3A, %xor3A_1417 : vector<16xi32>
      %broadcast_in_dim3A_1419 = vector.shape_cast %xor3A_1418 : vector<16xi32> to vector<16x1xi32>
      %gather3A_1420 = vector.shape_cast %broadcast_in_dim3A_1419 : vector<16x1xi32> to vector<16xi32>
      %gather3A_1421 = tpu.dynamic_gather %add3A_1415[%gather3A_1420] in [0] : vector<16xf32>, vector<16xi32> -> vector<16xf32>
      %add3A_1422 = arith.addf %add3A_1415, %gather3A_1421 : vector<16xf32>
      %xor3A_1423 = arith.constant 4 : i32
      %xor3A_1424 = vector.broadcast %xor3A_1423 : i32 to vector<16xi32>
      %xor3A_1425 = arith.xori %iota3A, %xor3A_1424 : vector<16xi32>
      %broadcast_in_dim3A_1426 = vector.shape_cast %xor3A_1425 : vector<16xi32> to vector<16x1xi32>
      %gather3A_1427 = vector.shape_cast %broadcast_in_dim3A_1426 : vector<16x1xi32> to vector<16xi32>
      %gather3A_1428 = tpu.dynamic_gather %add3A_1422[%gather3A_1427] in [0] : vector<16xf32>, vector<16xi32> -> vector<16xf32>
      %add3A_1429 = arith.addf %add3A_1422, %gather3A_1428 : vector<16xf32>
      %xor3A_1430 = arith.constant 8 : i32
      %xor3A_1431 = vector.broadcast %xor3A_1430 : i32 to vector<16xi32>
      %xor3A_1432 = arith.xori %iota3A, %xor3A_1431 : vector<16xi32>
      %broadcast_in_dim3A_1433 = vector.shape_cast %xor3A_1432 : vector<16xi32> to vector<16x1xi32>
      %gather3A_1434 = vector.shape_cast %broadcast_in_dim3A_1433 : vector<16x1xi32> to vector<16xi32>
      %gather3A_1435 = tpu.dynamic_gather %add3A_1429[%gather3A_1434] in [0] : vector<16xf32>, vector<16xi32> -> vector<16xf32>
      %add3A_1436 = arith.addf %add3A_1429, %gather3A_1435 : vector<16xf32>
      %eq3A_1437 = arith.constant 15 : i32
      %eq3A_1438 = vector.broadcast %eq3A_1437 : i32 to vector<16xi32>
      %eq3A_1439 = arith.cmpi eq, %iota3A, %eq3A_1438 : vector<16xi32>
      %select_n3A_1440 = arith.select %eq3A_1439, %add3A_1436, %select_n3A_1362 : vector<16xi1>, vector<16xf32>
      %jit3A = arith.constant 8 : i32
      %div3A = arith.divsi %scan3A_196, %jit3A : i32
      %sign3A = arith.constant 0 : i32
      %sign3A_1441 = arith.cmpi sgt, %scan3A_196, %sign3A : i32
      %sign3A_1442 = arith.extui %sign3A_1441 : i1 to i32
      %sign3A_1443 = arith.constant 0 : i32
      %sign3A_1444 = arith.cmpi slt, %scan3A_196, %sign3A_1443 : i32
      %sign3A_1445 = arith.extui %sign3A_1444 : i1 to i32
      %sign3A_1446 = arith.subi %sign3A_1442, %sign3A_1445 : i32
      %sign3A_1447 = arith.constant 0 : i32
      %sign3A_1448 = arith.cmpi sgt, %jit3A, %sign3A_1447 : i32
      %sign3A_1449 = arith.extui %sign3A_1448 : i1 to i32
      %sign3A_1450 = arith.constant 0 : i32
      %sign3A_1451 = arith.cmpi slt, %jit3A, %sign3A_1450 : i32
      %sign3A_1452 = arith.extui %sign3A_1451 : i1 to i32
      %sign3A_1453 = arith.subi %sign3A_1449, %sign3A_1452 : i32
      %ne3A = arith.cmpi ne, %sign3A_1446, %sign3A_1453 : i32
      %rem3A = arith.remsi %scan3A_196, %jit3A : i32
      %ne3A_1454 = arith.constant 0 : i32
      %ne3A_1455 = arith.cmpi ne, %rem3A, %ne3A_1454 : i32
      %and3A = arith.andi %ne3A, %ne3A_1455 : i1
      %sub3A = arith.constant 1 : i32
      %sub3A_1456 = arith.subi %div3A, %sub3A : i32
      %select_n3A_1457 = arith.select %and3A, %sub3A_1456, %div3A : i32
      %jit3A_1458 = arith.constant 8 : i32
      %eq3A_1459 = arith.constant 0 : i32
      %eq3A_1460 = arith.cmpi eq, %jit3A_1458, %eq3A_1459 : i32
      %jit3A_1461 = arith.constant 1 : i32
      %select_n3A_1462 = arith.select %eq3A_1460, %jit3A_1461, %jit3A_1458 : i32
      %rem3A_1463 = arith.remsi %scan3A_196, %select_n3A_1462 : i32
      %ne3A_1464 = arith.constant 0 : i32
      %ne3A_1465 = arith.cmpi ne, %rem3A_1463, %ne3A_1464 : i32
      %lt3A = arith.constant 0 : i32
      %lt3A_1466 = arith.cmpi slt, %rem3A_1463, %lt3A : i32
      %lt3A_1467 = arith.constant 0 : i32
      %lt3A_1468 = arith.cmpi slt, %select_n3A_1462, %lt3A_1467 : i32
      %ne3A_1469 = arith.xori %lt3A_1466, %lt3A_1468 : i1
      %and3A_1470 = arith.andi %ne3A_1469, %ne3A_1465 : i1
      %add3A_1471 = arith.addi %rem3A_1463, %select_n3A_1462 : i32
      %select_n3A_1472 = arith.select %and3A_1470, %add3A_1471, %rem3A_1463 : i32
      %mul3A_1473 = arith.constant 16 : i32
      %mul3A_1474 = arith.muli %select_n3A_1472, %mul3A_1473 : i32
      %get3A_1475 = arith.index_cast %select_n3A_1457 : i32 to index
      %get3A_1476 = arith.index_cast %mul3A_1474 : i32 to index
      %get3A_1477 = tpu.vector_load %arg11[%get3A_1475, %get3A_1476] {strides = array<i32>} : memref<4x128xf32, #tpu.memory_space<vmem>>, vector<1x16xf32>,
      %get3A_1478 = vector.shape_cast %get3A_1477 : vector<1x16xf32> to vector<16xf32>
      %add3A_1479 = arith.addf %select_n3A_1440, %get3A_1478 : vector<16xf32>
      %get3A_1480 = arith.index_cast %select_n3A_1457 : i32 to index
      %get3A_1481 = arith.index_cast %mul3A_1474 : i32 to index
      %get3A_1482 = tpu.vector_load %arg12[%get3A_1480, %get3A_1481] {strides = array<i32>} : memref<4x128xf32, #tpu.memory_space<vmem>>, vector<1x16xf32>,
      %get3A_1483 = vector.shape_cast %get3A_1482 : vector<1x16xf32> to vector<16xf32>
      %add3A_1484 = arith.addf %add3A_1479, %get3A_1483 : vector<16xf32>
      %swap3A = arith.index_cast %select_n3A_1457 : i32 to index
      %swap3A_1485 = arith.index_cast %mul3A_1474 : i32 to index
      %swap3A_1486 = tpu.vector_load %arg13[%swap3A, %swap3A_1485] {strides = array<i32>} : memref<4x128xf32, #tpu.memory_space<vmem>>, vector<1x16xf32>,
      %swap3A_1487 = vector.shape_cast %swap3A_1486 : vector<1x16xf32> to vector<16xf32>
      %swap3A_1488 = vector.shape_cast %add3A_1484 : vector<16xf32> to vector<1x16xf32>
      tpu.vector_store %arg13[%swap3A, %swap3A_1485], %swap3A_1488 {strides = array<i32>} : memref<4x128xf32, #tpu.memory_space<vmem>>, vector<1x16xf32>,
    }
    %scan3A_195 = arith.constant 32 : i32
    "tpu.region"() ({
      %run_scoped3A = tpu.sem_alloc : memref<!tpu.dma_semaphore, #tpu.memory_space<semaphore_mem>>
      %dma_start3A_196 = arith.constant 0 : i32
      %dma_start3A_197 = arith.constant 0 : i32
      %dma_start3A_198 = tpu.memref_slice %arg7[%add3A, %dma_start3A_196, %dma_start3A_197] : memref<32x4x128xf32, #tpu.memory_space<hbm>> -> memref<1x4x128xf32, #tpu.memory_space<hbm>>
      %dma_start3A_199 = tpu.memref_squeeze %dma_start3A_198 : memref<1x4x128xf32, #tpu.memory_space<hbm>> -> memref<4x128xf32, #tpu.memory_space<hbm>>
      %dma_start3A_200 = arith.constant 0 : i32
      %dma_start3A_201 = arith.constant 0 : i32
      %dma_start3A_202 = tpu.memref_slice %arg7[%add3A, %dma_start3A_200, %dma_start3A_201] : memref<32x4x128xf32, #tpu.memory_space<hbm>> -> memref<1x4x128xf32, #tpu.memory_space<hbm>>
      %dma_start3A_203 = tpu.memref_squeeze %dma_start3A_202 : memref<1x4x128xf32, #tpu.memory_space<hbm>> -> memref<4x128xf32, #tpu.memory_space<hbm>>
      tpu.enqueue_dma source(%arg13 : memref<4x128xf32, #tpu.memory_space<vmem>>) target(%dma_start3A_203 : memref<4x128xf32, #tpu.memory_space<hbm>>) target_semaphore(%run_scoped3A : memref<!tpu.dma_semaphore, #tpu.memory_space<semaphore_mem>>)
      %dma_wait3A_204 = arith.constant 0 : i32
      %dma_wait3A_205 = arith.constant 0 : i32
      %dma_wait3A_206 = tpu.memref_slice %arg7[%add3A, %dma_wait3A_204, %dma_wait3A_205] : memref<32x4x128xf32, #tpu.memory_space<hbm>> -> memref<1x4x128xf32, #tpu.memory_space<hbm>>
      %dma_wait3A_207 = tpu.memref_squeeze %dma_wait3A_206 : memref<1x4x128xf32, #tpu.memory_space<hbm>> -> memref<4x128xf32, #tpu.memory_space<hbm>>
      %dma_wait3A_208 = arith.constant 0 : i32
      %dma_wait3A_209 = arith.constant 0 : i32
      %dma_wait3A_210 = tpu.memref_slice %arg7[%add3A, %dma_wait3A_208, %dma_wait3A_209] : memref<32x4x128xf32, #tpu.memory_space<hbm>> -> memref<1x4x128xf32, #tpu.memory_space<hbm>>
      %dma_wait3A_211 = tpu.memref_squeeze %dma_wait3A_210 : memref<1x4x128xf32, #tpu.memory_space<hbm>> -> memref<4x128xf32, #tpu.memory_space<hbm>>
      tpu.wait_dma2 semaphore(%run_scoped3A : memref<!tpu.dma_semaphore, #tpu.memory_space<semaphore_mem>>) src(%arg13 : memref<4x128xf32, #tpu.memory_space<vmem>>) dst(%dma_wait3A_211 : memref<4x128xf32, #tpu.memory_space<hbm>>)
      tpu.yield
    }) : () -> ()
    return
  }
}

</mosaic_0001>

<sc_bundles>
// kernel: kernel.4.cloned.1.call-start
scs
__scs_entry_jumppad:
0x0: {  	(pc) =	sbr.rel $0x88, $3  }
0x1: {  	(tag) =	ssettag $0x0;
	lr =	simm.s32 $0x1  }
0x2: {  	[smem:$0x3F9B] =	sst lr;
	_ =	strace $0xD0000000  }
0x3: {  	_ = 	snop  }
0x4: {  	_ = 	snop  }
0x5: {  	_ = 	snop  }
0x6: {  	_ = 	snop  }
0x7: {  	_ = 	snop  }
__scs_overlays_trampoline_lowered:
0x8: {  	[smem:$0x3FAA] =	sst s0  }
0x9: {  	[smem:$0x3FAB] =	sst s1  }
0xa: {  	[smem:$0x3FAC] =	sst s2  }
0xb: {  	[smem:$0x3FAD] =	sst s3  }
0xc: {  	[smem:$0x3FAE] =	sst s4  }
0xd: {  	[smem:$0x3FAF] =	sst s5  }
0xe: {  	[smem:$0x3FB0] =	sst s6  }
0xf: {  	[smem:$0x3FB1] =	sst s7  }
0x10: {  	[smem:$0x3FB2] =	sst s8  }
0x11: {  	[smem:$0x3FB3] =	sst s9;
	s0 =	simm.s32 @!p0 $0x0  }
0x12: {  	s1 =	sld [smem:$0x3F99];
	s0 =	simm.s32 @p0 $0x1  }
0x13: {  	[smem:$0x3FB4] =	sst s0;
	s0 =	simm.s32 @!p1 $0x0  }
0x14: {  	s2 =	sld [smem:$0x3F98];
	s0 =	simm.s32 @p1 $0x1  }
0x15: {  	[smem:$0x3FB5] =	sst s0;
	s0 =	simm.s32 @!p2 $0x0  }
0x16: {  	s3 =	sld [smem:$0x3FDB];
	s0 =	simm.s32 @p2 $0x1  }
0x17: {  	s4 =	simm.s32 $0x1BF5;
	[smem:$0x3FB7] =	sst s0  }
0x18: {  	s0 =	sld [smem:$0x3F9A];
	_ =	swait.ge [sflag:s4], $0x0  }
0x19: {  	s7 =	sld [smem:$0x3F9B]  }
0x1a: {  	s8 =	sadd.s32 $0xFFFFE003, lr  }
0x1b: {  	s9 =	sadd.s32 $0xFFFFFEF7, lr;
	s5 =	simm.s32 $0xFFFFFFFF;
	p2 =	slt.u32 s8, $0xFFFFF086  }
0x1c: {  	p1 =	slt.u32 s9, $0xF7A;
	s5 =	simm.s32 @!p2 $0x0  }
0x1d: {  	s5 =	simm.s32 @p1 $0x1;
	p0 =	seq.s32 s7, s2  }
0x1e: {  	s7 =	smul.u32 @!p0 $0xF7A, s2;
	p2 =	seq.s32 @!p0 s5, $0x0  }
0x1f: {  	s9 =	smul.u32 $0xF7A, s1;
	s8 =	simm.s32 @!p0 $0x1BF5;
	p2 =	por !p2, p0  }
0x20: {  	[sflag:s8] =	ssyncset.s32 @!p0 $0xFFFFF086;
	s6 =	sadd.s32 @!p0 s3, s7;
	s7 =	simm.s32 @!p0 $0x108  }
0x21: {  	s3 =	sadd.s32 s3, s9;
	s6 =	sadd.s32 @!p0 $0x88, s6;
	s7 =	simm.s32 @p2 $0x1082  }
0x22: {  	[simem:s7], [sflag:s8] =	dma.local @!p0 [hbm:s6], $0xF7A  }
0x23: {  	s9 =	sor.u32 $0xD0000000, s2;
	s6 =	simm.s32 $0x108;
	_ =	swait.ge @!p0 [sflag:s8], $0x0  }
0x24: {  	s3 =	sadd.s32 $0x88, s3;
	s6 =	simm.s32 @!p1 $0x1082;
	[sflag:s4] =	ssyncset.s32 $0xFFFFF086  }
0x25: {  	[simem:s6], [sflag:s4] =	dma.local [hbm:s3], $0xF7A  }
0x26: {  	[smem:$0x3F9B] =	sst s1;
	(tag) =	ssettag s2;
	_ =	strace s9  }
0x27: {  	s1 =	sld [smem:$0x3FAB]  }
0x28: {  	s2 =	sld [smem:$0x3FAC]  }
0x29: {  	s4 =	sld [smem:$0x3FAE]  }
0x2a: {  	p0 =	seq.s32 s5, $0x0;
	s5 =	sld [smem:$0x3FAF]  }
0x2b: {  	s6 =	sld [smem:$0x3FB0]  }
0x2c: {  	s7 =	sld [smem:$0x3FB1]  }
0x2d: {  	s3 =	simm.s32 $0x108;
	s8 =	sld [smem:$0x3FB2]  }
0x2e: {  	s3 =	simm.s32 @!p0 $0x1082;
	s9 =	sld [smem:$0x3FB3]  }
0x2f: {  	lr =	sadd.s32 s0, s3;
	s0 =	sld [smem:$0x3FAA]  }
0x30: {  	s3 =	sld [smem:$0x3FAD]  }
0x31: {  	[smem:$0x3FB6] =	sst s10  }
0x32: {  	s10 =	sld [smem:$0x3FB4];
	_ =	sdelay $0x3  }
0x33: {  	p0 =	seq.s32 s10, $0x1;
	s10 =	sld [smem:$0x3FB6];
	_ =	sdelay $0x3  }
0x34: {  	[smem:$0x3FB6] =	sst s10  }
0x35: {  	s10 =	sld [smem:$0x3FB5];
	_ =	sdelay $0x3  }
0x36: {  	p1 =	seq.s32 s10, $0x1;
	s10 =	sld [smem:$0x3FB6];
	_ =	sdelay $0x3  }
0x37: {  	[smem:$0x3FB6] =	sst s10  }
0x38: {  	s10 =	sld [smem:$0x3FB7]  }
0x39: {  	_ = 	snop;
	(pc) =	sbr.ind lr, $3  }
0x3a: {  	_ = 	snop  }
0x3b: {  	_ = 	snop  }
0x3c: {  	p2 =	seq.s32 s10, $0x1;
	s10 =	sld [smem:$0x3FB6]  }
0x3d: {  	_ =	shalt  }
0x3e: {  	_ =	shalt  }
0x3f: {  	_ =	shalt  }
0x40: {  	_ =	shalt  }
0x41: {  	_ =	shalt  }
0x42: {  	_ =	shalt  }
0x43: {  	_ =	shalt  }
0x44: {  	_ =	shalt  }
0x45: {  	_ =	shalt  }
0x46: {  	_ =	shalt  }
0x47: {  	_ =	shalt  }
0x48: {  	_ =	shalt  }
0x49: {  	_ =	shalt  }
0x4a: {  	_ =	shalt  }
0x4b: {  	_ =	shalt  }
0x4c: {  	_ =	shalt  }
0x4d: {  	_ =	shalt  }
0x4e: {  	_ =	shalt  }
0x4f: {  	_ =	shalt  }
0x50: {  	_ =	shalt  }
0x51: {  	_ =	shalt  }
0x52: {  	_ =	shalt  }
0x53: {  	_ =	shalt  }
0x54: {  	_ =	shalt  }
0x55: {  	_ =	shalt  }
0x56: {  	_ =	shalt  }
0x57: {  	_ =	shalt  }
0x58: {  	_ =	shalt  }
0x59: {  	_ =	shalt  }
0x5a: {  	_ =	shalt  }
0x5b: {  	_ =	shalt  }
0x5c: {  	_ =	shalt  }
0x5d: {  	_ =	shalt  }
0x5e: {  	_ =	shalt  }
0x5f: {  	_ =	shalt  }
0x60: {  	_ =	shalt  }
0x61: {  	_ =	shalt  }
0x62: {  	_ =	shalt  }
0x63: {  	_ =	shalt  }
0x64: {  	_ =	shalt  }
0x65: {  	_ =	shalt  }
0x66: {  	_ =	shalt  }
0x67: {  	_ =	shalt  }
0x68: {  	_ =	shalt  }
0x69: {  	_ =	shalt  }
0x6a: {  	_ =	shalt  }
0x6b: {  	_ =	shalt  }
0x6c: {  	_ =	shalt  }
0x6d: {  	_ =	shalt  }
0x6e: {  	_ =	shalt  }
0x6f: {  	_ =	shalt  }
0x70: {  	_ =	shalt  }
0x71: {  	_ =	shalt  }
0x72: {  	_ =	shalt  }
0x73: {  	_ =	shalt  }
0x74: {  	_ =	shalt  }
0x75: {  	_ =	shalt  }
0x76: {  	_ =	shalt  }
0x77: {  	_ =	shalt  }
0x78: {  	_ =	shalt  }
0x79: {  	_ =	shalt  }
0x7a: {  	_ =	shalt  }
0x7b: {  	_ =	shalt  }
0x7c: {  	_ =	shalt  }
0x7d: {  	_ =	shalt  }
0x7e: {  	_ =	shalt  }
0x7f: {  	_ =	shalt  }
0x80: {  	_ =	shalt  }
0x81: {  	_ =	shalt  }
0x82: {  	_ =	shalt  }
0x83: {  	_ =	shalt  }
0x84: {  	_ =	shalt  }
0x85: {  	_ =	shalt  }
0x86: {  	_ =	shalt  }
0x87: {  	_ =	shalt  }
.Lfunc_end0:
.L_simem_size_0:
called_computation_lowered:
.L_overlay_start_0:
0x88: {  	s2 =	sld [smem:$0x3FD9]  }
0x89: {  	s3 =	sld [smem:$0x3FFE];
	_ =	sdelay $0x1  }
0x8a: {  	s1 =	srdreg.scid  }
0x8b: {  	s0 =	sand.u32 $0x1, s1  }
0x8c: {  	s17 =	sshll.u32 s0, $0xA;
	s2 =	sadd.s32 s3, s2  }
0x8d: {  	s2 =	sadd.s32 s2, s17  }
0x8e: {  	[smem:$0x3FC2] =	sst s2  }
0x8f: {  	_ = 	snop  }
0x90: {  	s2 =	sld [smem:$0x3FC9];
	(tm) =	ssettm $0x1  }
0x91: {  	s18 =	sld [smem:$0x3FFB];
	_ =	sdelay $0x3  }
0x92: {  	_ =	strace s18  }
0x93: {  	s3 =	sld [smem:$0x3FFC];
	_ =	sdelay $0x3  }
0x94: {  	_ =	strace s3  }
0x95: {  	s3 =	sld [smem:$0x3FFD];
	_ =	sdelay $0x3  }
0x96: {  	_ =	strace s3  }
0x97: {  	_ =	strace $0x8FFFFFFF  }
0x98: {  	s19 =	sld [smem:$0x3FDB];
	_ =	sdelay $0x1  }
0x99: {  	s4 =	simm.s32 $_scs_section_size  }
0x9a: {  	s5 =	simm.s32 $_size__tile_overlayer_lowered;
	s6 =	simm.s32 $_tile_overlayer_lowered  }
0x9b: {  	s22 =	simm.s32 $0x1BFF;
	s21 =	sshll.u32 s6, $0x1;
	s3 =	sadd.s32 s4, s19  }
0x9c: {  	s7 =	simm.s32 $0x0;
	s20 =	sshll.u32 s5, $0x1;
	s5 =	sadd.s32 s21, s3  }
0x9d: {  	[timem:s7], [sflag:s22] =	dma.local [hbm:s5], s20  }
0x9e: {  	_ =	swait.ge [sflag:s22], s20  }
0x9f: {  	s4 =	ssub.s32 $0x0, s20;
	[sflag:s22] =	ssyncset.done $0x0  }
0xa0: {  	[sflag:s22] =	ssyncadd.s32 s4;
	_ =	sdelay $0x1  }
0xa1: {  	s23 =	simm.s32 $0x1B8B  }
0xa2: {  	_ =	swait.ge [sflag:s23], $0x1  }
0xa3: {  	[sflag:s23] =	ssyncset.done $0x0  }
0xa4: {  	s25 =	simm.s32 $0x1B8E;
	s24 =	sld [smem:$0x3FFE];
	[sflag:s23] =	ssyncadd.s32 $0xFFFFFFFF  }
0xa5: {  	s26 =	simm.s32 $execute0_lowered;
	[smem:$0x3FD2] =	sst s25  }
0xa6: {  	s5 =	sshll.u32 s26, $0x1;
	_ =	strace $0x80000046;
	[dreg:$0x1] =	wrdreg $0xFFFFFFFF  }
0xa7: {  	s28 =	simm.s32 $_size_execute0_lowered;
	s3 =	sadd.s32 s3, s5;
	[dreg:$0x0] =	wrdreg $0x0  }
0xa8: {  	s5 =	sshll.u32 s28, $0x1;
	[dreg:$0x2] =	wrdreg s3  }
0xa9: {  	[dreg:$0x3] =	wrdreg s5  }
0xaa: {  	[dreg:$0x4] =	wrdreg $0xC0  }
0xab: {  	_ =	task [dreg:s7], $0x5FFFF  }
0xac: {  	[dreg:$0x1] =	wrdreg $0xFFFFFFFF  }
0xad: {  	[dreg:$0x0] =	wrdreg $0x60  }
0xae: {  	[dreg:$0x2] =	wrdreg s2  }
0xaf: {  	[dreg:$0x3] =	wrdreg s24  }
0xb0: {  	[dreg:$0x4] =	wrdreg $0x9  }
0xb1: {  	_ =	task.clear_ibuf [dreg:s7], $0x5FFFF;
	_ =	strace $0x90000046  }
0xb2: {  	s29 =	simm.s32 $0x9;
	_ =	strace $0x80000048  }
0xb3: {  	_ =	swait.ge [sflag:s29], $0x1  }
0xb4: {  	[sflag:s29] =	ssyncadd.s32 $0xFFFFFFFF  }
0xb5: {  	_ =	strace $0x90000048  }
0xb6: {  	_ =	sfence  }
0xb7: {  	s30 =	sld [smem:$0x0];
	_ =	sdelay $0x2  }
0xb8: {  	s31 =	sshll.u32 s1, $0xD;
	s1 =	sshrl.u32 s1, $0x2  }
0xb9: {  	s3 =	sand.u32 $0x4000, s31;
	s1 =	sadd.s32 s1, s30  }
0xba: {  	s0 =	sor.u32 s3, s0;
	s1 =	sshll.u32 s1, $0x11  }
0xbb: {  	s0 =	sor.u32 s1, s0  }
0xbc: {  	s0 =	sadd.s32 $0x8F2B, s0  }
0xbd: {  	[sflag:s0] =	ssyncadd.remote.s32 $0x1  }
0xbe: {  	_ =	sfence.sel $0xFFFF  }
0xbf: {  	[dreg:$0x0] =	wrdreg $0xFFFFFFFF;
	(pc) =	sbr.abs _section_cstart, $3  }
0xc0: {  	[dreg:$0x1] =	wrdreg $0xFFFFFFFF  }
0xc1: {  	_ =	task.clear_ibuf [dreg:s7], $0x2FFFF;
	_ =	strace $0x9FFFFFFF  }
0xc2: {  	(tm) =	ssettm $0x7FFFFFFF  }
0xc3: {  	_ =	shalt  }
tec
execute0_lowered:
.L_overlay_start_1:
0x0: {  	(tag) =	ssettag $0x1  }
0x1: {  	s3 =	rddreg [dreg:$0x0]  }
0x2: {  	s1 =	srdreg.scid;
	s0 =	stileid.u32  }
0x3: {  	s20 =	rddreg [dreg:$0x1];
	s19 =	sand.u32 $0x1, s1;
	s4 =	sshll.u32 s0, $0x1  }
0x4: {  	s2 =	simm.s32 $0x0;
	s1 =	rddreg [dreg:$0x2];
	s21 =	sor.u32 s19, s4  }
0x5: {  	[smem:$0x7FF] =	sst s2;
	s22 =	sshll.u32 s21, $0x6  }
0x6: {  	_ =	strace $0x80000047;
	s4 =	sadd.s32 s3, s22;
	s3 =	simm.s32 $0x2  }
0x7: {  	[tilespmem:s2], [sflag:$0x2] =	stream.linear.gather [hbm4b:s4+s2], $0x200, $0x38;
	[tilespmem:$0x8400] =	vst v63  }
0x8: {  	_ =	swait.ge [sflag:s3], $0x200  }
0x9: {  	s6 =	simm.s32 $0x80;
	[sflag:s3] =	ssyncset.done $0x0  }
0xa: {  	s7 =	simm.s32 $0x200;
	s5 =	sadd.s32 $0xF42A00, s20;
	[sflag:s3] =	ssyncadd.s32 $0xFFFFFE00  }
0xb: {  	[tilespmem:s7], [sflag:$0x1] =	stream.indirect.gather [hbm4b:s5+s6], $0x40, s2, s6, $0xb8;
	[tilespmem:$0x8400] =	vst v63  }
0xc: {  	s9 =	simm.s32 $0x8200;
	s8 =	sadd.s32 $0x600, s20  }
0xd: {  	[tilespmem:s9], [sflag:$0x1] =	stream.indirect.gather [hbm4b:s8+s6], $0x1, s2, s6, $0xb8;
	[tilespmem:$0x8400] =	vst v63  }
0xe: {  	s10 =	simm.s32 $0x2200  }
0xf: {  	[tilespmem:s10], [sflag:$0x1] =	stream.indirect.gather [hbm4b:s5+s6], $0x40, s6, s6, $0xb8;
	[tilespmem:$0x8400] =	vst v63  }
0x10: {  	s11 =	simm.s32 $0x8280  }
0x11: {  	[tilespmem:s11], [sflag:$0x1] =	stream.indirect.gather [hbm4b:s8+s6], $0x1, s6, s6, $0xb8;
	[tilespmem:$0x8400] =	vst v63  }
0x12: {  	s12 =	simm.s32 $0x100;
	s13 =	simm.s32 $0x4200  }
0x13: {  	[tilespmem:s13], [sflag:$0x1] =	stream.indirect.gather [hbm4b:s5+s6], $0x40, s12, s6, $0xb8;
	[tilespmem:$0x8400] =	vst v63  }
0x14: {  	s14 =	simm.s32 $0x8300  }
0x15: {  	[tilespmem:s14], [sflag:$0x1] =	stream.indirect.gather [hbm4b:s8+s6], $0x1, s12, s6, $0xb8;
	[tilespmem:$0x8400] =	vst v63  }
0x16: {  	s15 =	simm.s32 $0x180;
	s16 =	simm.s32 $0x6200  }
0x17: {  	[tilespmem:s16], [sflag:$0x1] =	stream.indirect.gather [hbm4b:s5+s6], $0x40, s15, s6, $0xb8;
	[tilespmem:$0x8400] =	vst v63  }
0x18: {  	s17 =	simm.s32 $0x8380;
	s18 =	simm.s32 $0x1  }
0x19: {  	[tilespmem:s17], [sflag:$0x1] =	stream.indirect.gather [hbm4b:s8+s6], $0x1, s15, s6, $0xb8;
	[tilespmem:$0x8400] =	vst v63  }
0x1a: {  	_ =	swait.ge [sflag:s18], $0x2000  }
0x1b: {  	[sflag:s18] =	ssyncset.done $0x0  }
0x1c: {  	[sflag:s18] =	ssyncadd.s32 $0xFFFFE000  }
0x1d: {  	_ =	swait.ge [sflag:s18], $0x80  }
0x1e: {  	[sflag:s18] =	ssyncset.done $0x0  }
0x1f: {  	[sflag:s18] =	ssyncadd.s32 $0xFFFFFF80  }
0x20: {  	_ =	swait.ge [sflag:s18], $0x2000  }
0x21: {  	[sflag:s18] =	ssyncset.done $0x0  }
0x22: {  	[sflag:s18] =	ssyncadd.s32 $0xFFFFE000  }
0x23: {  	_ =	swait.ge [sflag:s18], $0x80  }
0x24: {  	[sflag:s18] =	ssyncset.done $0x0  }
0x25: {  	[sflag:s18] =	ssyncadd.s32 $0xFFFFFF80  }
0x26: {  	_ =	swait.ge [sflag:s18], $0x2000  }
0x27: {  	[sflag:s18] =	ssyncset.done $0x0  }
0x28: {  	[sflag:s18] =	ssyncadd.s32 $0xFFFFE000  }
0x29: {  	_ =	swait.ge [sflag:s18], $0x80  }
0x2a: {  	[sflag:s18] =	ssyncset.done $0x0  }
0x2b: {  	[sflag:s18] =	ssyncadd.s32 $0xFFFFFF80  }
0x2c: {  	_ =	swait.ge [sflag:s18], $0x2000  }
0x2d: {  	[sflag:s18] =	ssyncset.done $0x0  }
0x2e: {  	s23 =	ssub.s32 $0x2, s19;
	s21 =	sshll.u32 s21, $0xC;
	[sflag:s18] =	ssyncadd.s32 $0xFFFFE000  }
0x2f: {  	s31 =	sshrl.u32 s23, $0x1;
	s21 =	sadd.s32 s21, s20;
	_ =	swait.ge [sflag:s18], $0x80  }
0x30: {  	s19 =	sadd.s32 $0x1F000, s21;
	s21 =	ssub.s32 s23, s31;
	[sflag:s18] =	ssyncset.done $0x0  }
0x31: {  	s21 =	smax.u32 s21, $0x1;
	[sflag:s18] =	ssyncadd.s32 $0xFFFFFF80  }
0x32: {  	[hbm4b:s19+s2] =	stream.linear.scatter [tilespmem:s7], [sflag:$0x2], $0x8000, $0x38;
	[tilespmem:$0x8400] =	vst v63  }
0x33: {  	p0 =	sne.s32 s21, $0x1;
	_ =	swait.ge [sflag:s3], $0x8000  }
.Ltmp0:
0x34: {  	s20 =	sadd.s32 s22, s20;
	[sflag:s3] =	ssyncset.done $0x0;
	(pc) =	sbr.rel @!p0 .LBB2_2-.Ltmp0, $4  }
0x35: {  	s20 =	sadd.s32 $0x3F000, s20;
	[sflag:s3] =	ssyncadd.s32 $0xFFFF8000  }
0x36: {  	[hbm4b:s20+s2] =	stream.linear.scatter [tilespmem:s9], [sflag:$0x2], $0x200, $0x38;
	[tilespmem:$0x8400] =	vst v63  }
0x37: {  	_ =	swait.ge [sflag:s3], $0x200  }
0x38: {  	s21 =	sadd.s32 $0xFFFFFFFF, s21;
	[sflag:s3] =	ssyncset.done $0x0  }
.LBB2_1:
0x39: {  	p0 =	sne.s32 s21, $0x1;
	s21 =	sadd.s32 $0xFFFFFFFF, s21;
	[sflag:s3] =	ssyncadd.s32 $0xFFFFFE00  }
0x3a: {  	[tilespmem:s2], [sflag:$0x2] =	stream.linear.gather [hbm4b:s4+s2], $0x200, $0x38;
	[tilespmem:$0x8400] =	vst v63  }
0x3b: {  	_ =	swait.ge [sflag:s3], $0x200  }
0x3c: {  	[sflag:s3] =	ssyncset.done $0x0  }
0x3d: {  	[sflag:s3] =	ssyncadd.s32 $0xFFFFFE00  }
0x3e: {  	[tilespmem:s7], [sflag:$0x1] =	stream.indirect.gather [hbm4b:s5+s6], $0x40, s2, s6, $0xb8;
	[tilespmem:$0x8400] =	vst v63  }
0x3f: {  	_ = 	snop  }
0x40: {  	[tilespmem:s9], [sflag:$0x1] =	stream.indirect.gather [hbm4b:s8+s6], $0x1, s2, s6, $0xb8;
	[tilespmem:$0x8400] =	vst v63  }
0x41: {  	_ = 	snop  }
0x42: {  	[tilespmem:s10], [sflag:$0x1] =	stream.indirect.gather [hbm4b:s5+s6], $0x40, s6, s6, $0xb8;
	[tilespmem:$0x8400] =	vst v63  }
0x43: {  	_ = 	snop  }
0x44: {  	[tilespmem:s11], [sflag:$0x1] =	stream.indirect.gather [hbm4b:s8+s6], $0x1, s6, s6, $0xb8;
	[tilespmem:$0x8400] =	vst v63  }
0x45: {  	_ = 	snop  }
0x46: {  	[tilespmem:s13], [sflag:$0x1] =	stream.indirect.gather [hbm4b:s5+s6], $0x40, s12, s6, $0xb8;
	[tilespmem:$0x8400] =	vst v63  }
0x47: {  	_ = 	snop  }
0x48: {  	[tilespmem:s14], [sflag:$0x1] =	stream.indirect.gather [hbm4b:s8+s6], $0x1, s12, s6, $0xb8;
	[tilespmem:$0x8400] =	vst v63  }
0x49: {  	_ = 	snop  }
0x4a: {  	[tilespmem:s16], [sflag:$0x1] =	stream.indirect.gather [hbm4b:s5+s6], $0x40, s15, s6, $0xb8;
	[tilespmem:$0x8400] =	vst v63  }
0x4b: {  	_ = 	snop  }
0x4c: {  	[tilespmem:s17], [sflag:$0x1] =	stream.indirect.gather [hbm4b:s8+s6], $0x1, s15, s6, $0xb8;
	[tilespmem:$0x8400] =	vst v63  }
0x4d: {  	_ =	swait.ge [sflag:s18], $0x2000  }
0x4e: {  	[sflag:s18] =	ssyncset.done $0x0  }
0x4f: {  	[sflag:s18] =	ssyncadd.s32 $0xFFFFE000  }
0x50: {  	_ =	swait.ge [sflag:s18], $0x80  }
0x51: {  	[sflag:s18] =	ssyncset.done $0x0  }
0x52: {  	[sflag:s18] =	ssyncadd.s32 $0xFFFFFF80  }
0x53: {  	_ =	swait.ge [sflag:s18], $0x2000  }
0x54: {  	[sflag:s18] =	ssyncset.done $0x0  }
0x55: {  	[sflag:s18] =	ssyncadd.s32 $0xFFFFE000  }
0x56: {  	_ =	swait.ge [sflag:s18], $0x80  }
0x57: {  	[sflag:s18] =	ssyncset.done $0x0  }
0x58: {  	[sflag:s18] =	ssyncadd.s32 $0xFFFFFF80  }
0x59: {  	_ =	swait.ge [sflag:s18], $0x2000  }
0x5a: {  	[sflag:s18] =	ssyncset.done $0x0  }
0x5b: {  	[sflag:s18] =	ssyncadd.s32 $0xFFFFE000  }
0x5c: {  	_ =	swait.ge [sflag:s18], $0x80  }
0x5d: {  	[sflag:s18] =	ssyncset.done $0x0  }
0x5e: {  	[sflag:s18] =	ssyncadd.s32 $0xFFFFFF80  }
0x5f: {  	_ =	swait.ge [sflag:s18], $0x2000  }
0x60: {  	[sflag:s18] =	ssyncset.done $0x0  }
0x61: {  	[sflag:s18] =	ssyncadd.s32 $0xFFFFE000  }
0x62: {  	_ =	swait.ge [sflag:s18], $0x80  }
0x63: {  	[sflag:s18] =	ssyncset.done $0x0  }
0x64: {  	[sflag:s18] =	ssyncadd.s32 $0xFFFFFF80  }
0x65: {  	[hbm4b:s19+s2] =	stream.linear.scatter [tilespmem:s7], [sflag:$0x2], $0x8000, $0x38;
	[tilespmem:$0x8400] =	vst v63  }
0x66: {  	_ =	swait.ge [sflag:s3], $0x8000  }
.Ltmp1:
0x67: {  	[sflag:s3] =	ssyncset.done $0x0;
	(pc) =	sbr.rel @p0 .LBB2_1-.Ltmp1, $4  }
0x68: {  	[sflag:s3] =	ssyncadd.s32 $0xFFFF8000  }
0x69: {  	[hbm4b:s20+s2] =	stream.linear.scatter [tilespmem:s9], [sflag:$0x2], $0x200, $0x38;
	[tilespmem:$0x8400] =	vst v63  }
0x6a: {  	_ =	swait.ge [sflag:s3], $0x200  }
0x6b: {  	[sflag:s3] =	ssyncset.done $0x0  }
.LBB2_2:
0x6c: {  	[sflag:s3] =	ssyncadd.s32 $0xFFFFFE00  }
0x6d: {  	_ =	sfence.sel $0x180000  }
0x6e: {  	[bflag:$0x0] =	sbarrier.arrive $0xFFFF  }
0x6f: {  	p0 =	sne.s32 s0, $0x0;
	_ =	strace $0x90000047  }
0x70: {  	s0 =	sadd.s32 @!p0 $0x100000, s1;
	[bflag:$0x2] =	sbarrier.arrive $0xFFFF  }
0x71: {  	[sflag:s0] =	ssyncadd.tile.s32 @!p0 $0x1;
	_ =	shalt  }
.Lfunc_end2:
_tile_overlayer_lowered:
.L_overlay_start_2:
0x72: {  	(tag) =	ssettag $0x2  }
0x73: {  	s0 =	rddreg [dreg:$0x0];
	s2 =	stileid.u32  }
0x74: {  	s1 =	rddreg [dreg:$0x1];
	p0 =	sne.s32 s2, $0x0  }
0x75: {  	s3 =	rddreg [dreg:$0x2];
	[bflag:$0x3] =	sbarrier.arrive $0xFFFF;
	s2 =	simm.s32 @!p0 $0x1C02  }
0x76: {  	[timem:s3], [sflag:s2] =	dma.local @!p0 [hbm:s0], s1  }
0x77: {  	s0 =	simm.s32 @!p0 $0x2  }
0x78: {  	_ =	swait.ge @!p0 [sflag:s0], s1  }
0x79: {  	s1 =	ssub.s32 @!p0 $0x0, s1;
	[sflag:s0] =	ssyncset.done @!p0 $0x0  }
0x7a: {  	[sflag:s0] =	ssyncadd.s32 @!p0 s1  }
0x7b: {  	[bflag:$0x3] =	sbarrier.arrive $0xFFFF  }
0x7c: {  	_ =	shalt  }

// kernel: kernel.7.cloned.1.call-start
scs
__scs_entry_jumppad:
0x0: {  	(pc) =	sbr.rel $0x88, $3  }
0x1: {  	(tag) =	ssettag $0x0;
	lr =	simm.s32 $0x1  }
0x2: {  	[smem:$0x3F9B] =	sst lr;
	_ =	strace $0xD0000000  }
0x3: {  	_ = 	snop  }
0x4: {  	_ = 	snop  }
0x5: {  	_ = 	snop  }
0x6: {  	_ = 	snop  }
0x7: {  	_ = 	snop  }
__scs_overlays_trampoline_lowered:
0x8: {  	[smem:$0x3FAA] =	sst s0  }
0x9: {  	[smem:$0x3FAB] =	sst s1  }
0xa: {  	[smem:$0x3FAC] =	sst s2  }
0xb: {  	[smem:$0x3FAD] =	sst s3  }
0xc: {  	[smem:$0x3FAE] =	sst s4  }
0xd: {  	[smem:$0x3FAF] =	sst s5  }
0xe: {  	[smem:$0x3FB0] =	sst s6  }
0xf: {  	[smem:$0x3FB1] =	sst s7  }
0x10: {  	[smem:$0x3FB2] =	sst s8  }
0x11: {  	[smem:$0x3FB3] =	sst s9;
	s0 =	simm.s32 @!p0 $0x0  }
0x12: {  	s1 =	sld [smem:$0x3F99];
	s0 =	simm.s32 @p0 $0x1  }
0x13: {  	[smem:$0x3FB4] =	sst s0;
	s0 =	simm.s32 @!p1 $0x0  }
0x14: {  	s2 =	sld [smem:$0x3F98];
	s0 =	simm.s32 @p1 $0x1  }
0x15: {  	[smem:$0x3FB5] =	sst s0;
	s0 =	simm.s32 @!p2 $0x0  }
0x16: {  	s3 =	sld [smem:$0x3FDB];
	s0 =	simm.s32 @p2 $0x1  }
0x17: {  	s4 =	simm.s32 $0x1BF5;
	[smem:$0x3FB7] =	sst s0  }
0x18: {  	s0 =	sld [smem:$0x3F9A];
	_ =	swait.ge [sflag:s4], $0x0  }
0x19: {  	s7 =	sld [smem:$0x3F9B]  }
0x1a: {  	s8 =	sadd.s32 $0xFFFFE003, lr  }
0x1b: {  	s9 =	sadd.s32 $0xFFFFFEF7, lr;
	s5 =	simm.s32 $0xFFFFFFFF;
	p2 =	slt.u32 s8, $0xFFFFF086  }
0x1c: {  	p1 =	slt.u32 s9, $0xF7A;
	s5 =	simm.s32 @!p2 $0x0  }
0x1d: {  	s5 =	simm.s32 @p1 $0x1;
	p0 =	seq.s32 s7, s2  }
0x1e: {  	s7 =	smul.u32 @!p0 $0xF7A, s2;
	p2 =	seq.s32 @!p0 s5, $0x0  }
0x1f: {  	s9 =	smul.u32 $0xF7A, s1;
	s8 =	simm.s32 @!p0 $0x1BF5;
	p2 =	por !p2, p0  }
0x20: {  	[sflag:s8] =	ssyncset.s32 @!p0 $0xFFFFF086;
	s6 =	sadd.s32 @!p0 s3, s7;
	s7 =	simm.s32 @!p0 $0x108  }
0x21: {  	s3 =	sadd.s32 s3, s9;
	s6 =	sadd.s32 @!p0 $0x88, s6;
	s7 =	simm.s32 @p2 $0x1082  }
0x22: {  	[simem:s7], [sflag:s8] =	dma.local @!p0 [hbm:s6], $0xF7A  }
0x23: {  	s9 =	sor.u32 $0xD0000000, s2;
	s6 =	simm.s32 $0x108;
	_ =	swait.ge @!p0 [sflag:s8], $0x0  }
0x24: {  	s3 =	sadd.s32 $0x88, s3;
	s6 =	simm.s32 @!p1 $0x1082;
	[sflag:s4] =	ssyncset.s32 $0xFFFFF086  }
0x25: {  	[simem:s6], [sflag:s4] =	dma.local [hbm:s3], $0xF7A  }
0x26: {  	[smem:$0x3F9B] =	sst s1;
	(tag) =	ssettag s2;
	_ =	strace s9  }
0x27: {  	s1 =	sld [smem:$0x3FAB]  }
0x28: {  	s2 =	sld [smem:$0x3FAC]  }
0x29: {  	s4 =	sld [smem:$0x3FAE]  }
0x2a: {  	p0 =	seq.s32 s5, $0x0;
	s5 =	sld [smem:$0x3FAF]  }
0x2b: {  	s6 =	sld [smem:$0x3FB0]  }
0x2c: {  	s7 =	sld [smem:$0x3FB1]  }
0x2d: {  	s3 =	simm.s32 $0x108;
	s8 =	sld [smem:$0x3FB2]  }
0x2e: {  	s3 =	simm.s32 @!p0 $0x1082;
	s9 =	sld [smem:$0x3FB3]  }
0x2f: {  	lr =	sadd.s32 s0, s3;
	s0 =	sld [smem:$0x3FAA]  }
0x30: {  	s3 =	sld [smem:$0x3FAD]  }
0x31: {  	[smem:$0x3FB6] =	sst s10  }
0x32: {  	s10 =	sld [smem:$0x3FB4];
	_ =	sdelay $0x3  }
0x33: {  	p0 =	seq.s32 s10, $0x1;
	s10 =	sld [smem:$0x3FB6];
	_ =	sdelay $0x3  }
0x34: {  	[smem:$0x3FB6] =	sst s10  }
0x35: {  	s10 =	sld [smem:$0x3FB5];
	_ =	sdelay $0x3  }
0x36: {  	p1 =	seq.s32 s10, $0x1;
	s10 =	sld [smem:$0x3FB6];
	_ =	sdelay $0x3  }
0x37: {  	[smem:$0x3FB6] =	sst s10  }
0x38: {  	s10 =	sld [smem:$0x3FB7]  }
0x39: {  	_ = 	snop;
	(pc) =	sbr.ind lr, $3  }
0x3a: {  	_ = 	snop  }
0x3b: {  	_ = 	snop  }
0x3c: {  	p2 =	seq.s32 s10, $0x1;
	s10 =	sld [smem:$0x3FB6]  }
0x3d: {  	_ =	shalt  }
0x3e: {  	_ =	shalt  }
0x3f: {  	_ =	shalt  }
0x40: {  	_ =	shalt  }
0x41: {  	_ =	shalt  }
0x42: {  	_ =	shalt  }
0x43: {  	_ =	shalt  }
0x44: {  	_ =	shalt  }
0x45: {  	_ =	shalt  }
0x46: {  	_ =	shalt  }
0x47: {  	_ =	shalt  }
0x48: {  	_ =	shalt  }
0x49: {  	_ =	shalt  }
0x4a: {  	_ =	shalt  }
0x4b: {  	_ =	shalt  }
0x4c: {  	_ =	shalt  }
0x4d: {  	_ =	shalt  }
0x4e: {  	_ =	shalt  }
0x4f: {  	_ =	shalt  }
0x50: {  	_ =	shalt  }
0x51: {  	_ =	shalt  }
0x52: {  	_ =	shalt  }
0x53: {  	_ =	shalt  }
0x54: {  	_ =	shalt  }
0x55: {  	_ =	shalt  }
0x56: {  	_ =	shalt  }
0x57: {  	_ =	shalt  }
0x58: {  	_ =	shalt  }
0x59: {  	_ =	shalt  }
0x5a: {  	_ =	shalt  }
0x5b: {  	_ =	shalt  }
0x5c: {  	_ =	shalt  }
0x5d: {  	_ =	shalt  }
0x5e: {  	_ =	shalt  }
0x5f: {  	_ =	shalt  }
0x60: {  	_ =	shalt  }
0x61: {  	_ =	shalt  }
0x62: {  	_ =	shalt  }
0x63: {  	_ =	shalt  }
0x64: {  	_ =	shalt  }
0x65: {  	_ =	shalt  }
0x66: {  	_ =	shalt  }
0x67: {  	_ =	shalt  }
0x68: {  	_ =	shalt  }
0x69: {  	_ =	shalt  }
0x6a: {  	_ =	shalt  }
0x6b: {  	_ =	shalt  }
0x6c: {  	_ =	shalt  }
0x6d: {  	_ =	shalt  }
0x6e: {  	_ =	shalt  }
0x6f: {  	_ =	shalt  }
0x70: {  	_ =	shalt  }
0x71: {  	_ =	shalt  }
0x72: {  	_ =	shalt  }
0x73: {  	_ =	shalt  }
0x74: {  	_ =	shalt  }
0x75: {  	_ =	shalt  }
0x76: {  	_ =	shalt  }
0x77: {  	_ =	shalt  }
0x78: {  	_ =	shalt  }
0x79: {  	_ =	shalt  }
0x7a: {  	_ =	shalt  }
0x7b: {  	_ =	shalt  }
0x7c: {  	_ =	shalt  }
0x7d: {  	_ =	shalt  }
0x7e: {  	_ =	shalt  }
0x7f: {  	_ =	shalt  }
0x80: {  	_ =	shalt  }
0x81: {  	_ =	shalt  }
0x82: {  	_ =	shalt  }
0x83: {  	_ =	shalt  }
0x84: {  	_ =	shalt  }
0x85: {  	_ =	shalt  }
0x86: {  	_ =	shalt  }
0x87: {  	_ =	shalt  }
.Lfunc_end0:
.L_simem_size_0:
called_computation.1_lowered:
.L_overlay_start_0:
0x88: {  	s2 =	sld [smem:$0x3FD9]  }
0x89: {  	s3 =	sld [smem:$0x3FFE];
	_ =	sdelay $0x1  }
0x8a: {  	s1 =	srdreg.scid  }
0x8b: {  	s0 =	sand.u32 $0x1, s1  }
0x8c: {  	s17 =	sshll.u32 s0, $0xA;
	s2 =	sadd.s32 s3, s2  }
0x8d: {  	s2 =	sadd.s32 s2, s17  }
0x8e: {  	[smem:$0x3FC2] =	sst s2  }
0x8f: {  	_ = 	snop  }
0x90: {  	s2 =	sld [smem:$0x3FC8]  }
0x91: {  	s18 =	sld [smem:$0x3FD0];
	(tm) =	ssettm $0x1  }
0x92: {  	s4 =	sld [smem:$0x3FFB];
	_ =	sdelay $0x3  }
0x93: {  	_ =	strace s4  }
0x94: {  	s4 =	sld [smem:$0x3FFC];
	_ =	sdelay $0x3  }
0x95: {  	_ =	strace s4  }
0x96: {  	s4 =	sld [smem:$0x3FFD];
	_ =	sdelay $0x3  }
0x97: {  	_ =	strace s4  }
0x98: {  	_ =	strace $0x8FFFFFFF  }
0x99: {  	s19 =	sld [smem:$0x3FDB];
	_ =	sdelay $0x1  }
0x9a: {  	s5 =	simm.s32 $_scs_section_size  }
0x9b: {  	s6 =	simm.s32 $_size__tile_overlayer_lowered;
	s7 =	simm.s32 $_tile_overlayer_lowered  }
0x9c: {  	s22 =	simm.s32 $0x1BFF;
	s21 =	sshll.u32 s7, $0x1;
	s4 =	sadd.s32 s5, s19  }
0x9d: {  	s8 =	simm.s32 $0x0;
	s20 =	sshll.u32 s6, $0x1;
	s6 =	sadd.s32 s21, s4  }
0x9e: {  	[timem:s8], [sflag:s22] =	dma.local [hbm:s6], s20  }
0x9f: {  	_ =	swait.ge [sflag:s22], s20  }
0xa0: {  	s5 =	ssub.s32 $0x0, s20;
	[sflag:s22] =	ssyncset.done $0x0  }
0xa1: {  	[sflag:s22] =	ssyncadd.s32 s5;
	_ =	sdelay $0x1  }
0xa2: {  	s23 =	simm.s32 $0x1B8B  }
0xa3: {  	_ =	swait.ge [sflag:s23], $0x1  }
0xa4: {  	[sflag:s23] =	ssyncset.done $0x0  }
0xa5: {  	s25 =	simm.s32 $0x1B8E;
	s24 =	sld [smem:$0x3FFE];
	[sflag:s23] =	ssyncadd.s32 $0xFFFFFFFF  }
0xa6: {  	s26 =	simm.s32 $execute0_lowered;
	[smem:$0x3FD2] =	sst s25  }
0xa7: {  	s6 =	sshll.u32 s26, $0x1;
	_ =	strace $0x80000049;
	[dreg:$0x1] =	wrdreg $0xFFFFFFFF  }
0xa8: {  	s28 =	simm.s32 $_size_execute0_lowered;
	s4 =	sadd.s32 s4, s6;
	[dreg:$0x0] =	wrdreg $0x0  }
0xa9: {  	s6 =	sshll.u32 s28, $0x1;
	[dreg:$0x2] =	wrdreg s4  }
0xaa: {  	[dreg:$0x3] =	wrdreg s6  }
0xab: {  	[dreg:$0x4] =	wrdreg $0xC0  }
0xac: {  	_ =	task [dreg:s8], $0x5FFFF  }
0xad: {  	[dreg:$0x1] =	wrdreg $0xFFFFFFFF  }
0xae: {  	[dreg:$0x0] =	wrdreg $0x60  }
0xaf: {  	[dreg:$0x2] =	wrdreg s2  }
0xb0: {  	[dreg:$0x3] =	wrdreg s24  }
0xb1: {  	[dreg:$0x4] =	wrdreg s18  }
0xb2: {  	[dreg:$0x5] =	wrdreg $0x9  }
0xb3: {  	_ =	task.clear_ibuf [dreg:s8], $0x6FFFF;
	_ =	strace $0x90000049  }
0xb4: {  	s29 =	simm.s32 $0x9;
	_ =	strace $0x8000004B  }
0xb5: {  	_ =	swait.ge [sflag:s29], $0x1  }
0xb6: {  	[sflag:s29] =	ssyncadd.s32 $0xFFFFFFFF  }
0xb7: {  	_ =	strace $0x9000004B  }
0xb8: {  	_ =	sfence  }
0xb9: {  	s30 =	sld [smem:$0x0];
	_ =	sdelay $0x2  }
0xba: {  	s31 =	sshll.u32 s1, $0xD;
	s1 =	sshrl.u32 s1, $0x2  }
0xbb: {  	s3 =	sand.u32 $0x4000, s31;
	s1 =	sadd.s32 s1, s30  }
0xbc: {  	s0 =	sor.u32 s3, s0;
	s1 =	sshll.u32 s1, $0x11  }
0xbd: {  	s0 =	sor.u32 s1, s0  }
0xbe: {  	s0 =	sadd.s32 $0x8F2B, s0  }
0xbf: {  	[sflag:s0] =	ssyncadd.remote.s32 $0x1  }
0xc0: {  	_ =	sfence.sel $0xFFFF  }
0xc1: {  	[dreg:$0x0] =	wrdreg $0xFFFFFFFF;
	(pc) =	sbr.abs _section_cstart, $3  }
0xc2: {  	[dreg:$0x1] =	wrdreg $0xFFFFFFFF  }
0xc3: {  	_ =	task.clear_ibuf [dreg:s8], $0x2FFFF;
	_ =	strace $0x9FFFFFFF  }
0xc4: {  	(tm) =	ssettm $0x7FFFFFFF  }
0xc5: {  	_ =	shalt  }
tec
execute0_lowered:
.L_overlay_start_1:
0x0: {  	(tag) =	ssettag $0x1  }
0x1: {  	v0 =	vimm.s32 $0xEFCDAB89;
	s5 =	rddreg [dreg:$0x0];
	v1 =	vimm.s32 $0x67452301  }
0x2: {  	v2 =	vimm.s32 $0xDCFE98BA;
	s6 =	rddreg [dreg:$0x1];
	v3 =	vimm.s32 $0x54761032;
	v4 =	vimm.s32 $0xBA98FEDC  }
0x3: {  	s8 =	rddreg [dreg:$0x2];
	v5 =	vimm.s32 $0x32107654;
	v6 =	vimm.s32 $0xFEDCBA98;
	v7 =	vimm.s32 $0x76543210  }
0x4: {  	s2 =	simm.s32 $0x0;
	s3 =	srdreg.scid;
	s0 =	stileid.u32;
	vm0 =	vmmov $0x1;
	vm1 =	vmmov $0x3;
	vm2 =	vmmov $0x7  }
0x5: {  	s13 =	simm.s32 $0x80;
	s14 =	simm.s32 $0x200;
	s15 =	simm.s32 $0x10400;
	vm3 =	vmmov $0xf;
	vm4 =	vmmov $0x1f;
	vm5 =	vmmov $0x3f  }
0x6: {  	s16 =	simm.s32 $0x2200;
	s17 =	simm.s32 $0x10480;
	s18 =	simm.s32 $0x100;
	vm6 =	vmmov $0x7f;
	vm7 =	vmmov $0xff;
	vm8 =	vmmov $0x1ff  }
0x7: {  	s19 =	simm.s32 $0x4200;
	s20 =	simm.s32 $0x10500;
	s21 =	simm.s32 $0x180;
	vm9 =	vmmov $0x3ff;
	vm10 =	vmmov $0x7ff;
	vm11 =	vmmov $0xfff  }
0x8: {  	s22 =	simm.s32 $0x6200;
	s23 =	simm.s32 $0x10580;
	s24 =	simm.s32 $0x1;
	vm12 =	vmmov $0x1fff;
	v0 =	vunpack.c.l.s4.s8 v0;
	v1 =	vunpack.c.l.s4.s8 v1  }
0x9: {  	s25 =	simm.s32 $0x10600;
	s26 =	simm.s32 $0x0;
	v2 =	vunpack.c.l.s4.s8 v2;
	v3 =	vunpack.c.l.s4.s8 v3;
	[smem:$0x7FF] =	sst s2;
	v4 =	vunpack.c.l.s4.s8 v4  }
0xa: {  	s7 =	sand.u32 $0x1, s3;
	s4 =	sshll.u32 s0, $0x1;
	v5 =	vunpack.c.l.s4.s8 v5;
	s3 =	sadd.s32 $0x3F800, s6;
	v6 =	vunpack.c.l.s4.s8 v6;
	v7 =	vunpack.c.l.s4.s8 v7  }
0xb: {  	_ =	strace $0x8000004A;
	s9 =	sor.u32 s7, s4;
	s4 =	sadd.s32 $0x7E0A00, s6;
	v0 =	vunpack.c.0.s8.s32 v0;
	v1 =	vunpack.c.0.s8.s32 v1;
	v2 =	vunpack.c.0.s8.s32 v2  }
0xc: {  	s7 =	ssub.s32 $0x2, s7;
	v3 =	vunpack.c.0.s8.s32 v3;
	s10 =	sshll.u32 s9, $0xC;
	v4 =	vunpack.c.0.s8.s32 v4;
	v5 =	vunpack.c.0.s8.s32 v5;
	s9 =	sshll.u32 s9, $0x6  }
0xd: {  	vm13 =	vmmov $0x3fff;
	s11 =	sshrl.u32 s7, $0x1;
	s10 =	sadd.s32 s10, s6;
	s12 =	sadd.s32 s9, s6;
	v0 =	vcombine.low v1, v0;
	v1 =	vunpack.c.0.s8.s32 v6  }
0xe: {  	s11 =	ssub.s32 s7, s11;
	s5 =	sadd.s32 s5, s9;
	s8 =	sadd.s32 s8, s9;
	v2 =	vcombine.low v3, v2;
	v3 =	vcombine.low v5, v4;
	v4 =	vunpack.c.0.s8.s32 v7  }
0xf: {  	vm14 =	vmmov $0x7fff;
	s6 =	sadd.s32 $0x1F000, s10;
	s7 =	sadd.s32 $0x3F000, s12;
	s9 =	smax.u32 s11, $0x1;
	v0 =	vand.u32 $0xF, v0;
	v5 =	vand.u32 $0xF, v1  }
0x10: {  	s10 =	simm.s32 $0x2;
	s11 =	simm.s32 $0x8200;
	s12 =	simm.s32 $0x10200;
	v1 =	vand.u32 $0xF, v2;
	v2 =	vand.u32 $0xF, v3;
	v3 =	vcombine.low v5, v4  }
.LBB2_1:
0x11: {  	[tilespmem:s2], [sflag:$0x2] =	stream.linear.gather [hbm4b:s5+s2], $0x200, $0x38;
	[tilespmem:$0x10800] =	vst v63  }
0x12: {  	_ =	swait.ge [sflag:s10], $0x200  }
0x13: {  	[sflag:s10] =	ssyncset.done $0x0  }
0x14: {  	[sflag:s10] =	ssyncadd.s32 $0xFFFFFE00  }
0x15: {  	[tilespmem:s11], [sflag:$0x1] =	stream.linear.gather [hbm4b:s6+s2], $0x8000, $0x38;
	[tilespmem:$0x10800] =	vst v63  }
0x16: {  	_ = 	snop  }
0x17: {  	[tilespmem:s12], [sflag:$0x1] =	stream.linear.gather [hbm4b:s7+s2], $0x200, $0x38;
	[tilespmem:$0x10800] =	vst v63  }
0x18: {  	_ = 	snop  }
0x19: {  	[tilespmem:s14], [sflag:$0x1] =	stream.indirect.gather [hbm4b:s3+s13], $0x40, s2, s13, $0xb8;
	[tilespmem:$0x10800] =	vst v63  }
0x1a: {  	_ = 	snop  }
0x1b: {  	[tilespmem:s15], [sflag:$0x1] =	stream.indirect.gather [hbm4b:s4+s13], $0x1, s2, s13, $0xb8;
	[tilespmem:$0x10800] =	vst v63  }
0x1c: {  	_ = 	snop  }
0x1d: {  	[tilespmem:s16], [sflag:$0x1] =	stream.indirect.gather [hbm4b:s3+s13], $0x40, s13, s13, $0xb8;
	[tilespmem:$0x10800] =	vst v63  }
0x1e: {  	_ = 	snop  }
0x1f: {  	[tilespmem:s17], [sflag:$0x1] =	stream.indirect.gather [hbm4b:s4+s13], $0x1, s13, s13, $0xb8;
	[tilespmem:$0x10800] =	vst v63  }
0x20: {  	_ = 	snop  }
0x21: {  	[tilespmem:s19], [sflag:$0x1] =	stream.indirect.gather [hbm4b:s3+s13], $0x40, s18, s13, $0xb8;
	[tilespmem:$0x10800] =	vst v63  }
0x22: {  	_ = 	snop  }
0x23: {  	[tilespmem:s20], [sflag:$0x1] =	stream.indirect.gather [hbm4b:s4+s13], $0x1, s18, s13, $0xb8;
	[tilespmem:$0x10800] =	vst v63  }
0x24: {  	_ = 	snop  }
0x25: {  	[tilespmem:s22], [sflag:$0x1] =	stream.indirect.gather [hbm4b:s3+s13], $0x40, s21, s13, $0xb8;
	[tilespmem:$0x10800] =	vst v63  }
0x26: {  	_ = 	snop  }
0x27: {  	[tilespmem:s23], [sflag:$0x1] =	stream.indirect.gather [hbm4b:s4+s13], $0x1, s21, s13, $0xb8;
	[tilespmem:$0x10800] =	vst v63  }
0x28: {  	_ =	swait.ge [sflag:s24], $0x8000  }
0x29: {  	[sflag:s24] =	ssyncset.done $0x0  }
0x2a: {  	[sflag:s24] =	ssyncadd.s32 $0xFFFF8000  }
0x2b: {  	_ =	swait.ge [sflag:s24], $0x200  }
0x2c: {  	[sflag:s24] =	ssyncset.done $0x0  }
0x2d: {  	[sflag:s24] =	ssyncadd.s32 $0xFFFFFE00  }
0x2e: {  	_ =	swait.ge [sflag:s24], $0x2000  }
0x2f: {  	[sflag:s24] =	ssyncset.done $0x0  }
0x30: {  	[sflag:s24] =	ssyncadd.s32 $0xFFFFE000  }
0x31: {  	_ =	swait.ge [sflag:s24], $0x80  }
0x32: {  	[sflag:s24] =	ssyncset.done $0x0  }
0x33: {  	[sflag:s24] =	ssyncadd.s32 $0xFFFFFF80  }
0x34: {  	_ =	swait.ge [sflag:s24], $0x2000  }
0x35: {  	[sflag:s24] =	ssyncset.done $0x0  }
0x36: {  	[sflag:s24] =	ssyncadd.s32 $0xFFFFE000  }
0x37: {  	_ =	swait.ge [sflag:s24], $0x80  }
0x38: {  	[sflag:s24] =	ssyncset.done $0x0  }
0x39: {  	[sflag:s24] =	ssyncadd.s32 $0xFFFFFF80  }
0x3a: {  	_ =	swait.ge [sflag:s24], $0x2000  }
0x3b: {  	[sflag:s24] =	ssyncset.done $0x0  }
0x3c: {  	[sflag:s24] =	ssyncadd.s32 $0xFFFFE000  }
0x3d: {  	_ =	swait.ge [sflag:s24], $0x80  }
0x3e: {  	[sflag:s24] =	ssyncset.done $0x0  }
0x3f: {  	[sflag:s24] =	ssyncadd.s32 $0xFFFFFF80  }
0x40: {  	_ =	swait.ge [sflag:s24], $0x2000  }
0x41: {  	[sflag:s24] =	ssyncset.done $0x0  }
0x42: {  	[sflag:s24] =	ssyncadd.s32 $0xFFFFE000  }
0x43: {  	_ =	swait.ge [sflag:s24], $0x80  }
0x44: {  	[sflag:s24] =	ssyncset.done $0x0  }
0x45: {  	s28 =	simm.s32 $0x400;
	[sflag:s24] =	ssyncadd.s32 $0xFFFFFF80  }
0x46: {  	v7 =	vld [tilespmem:s28+$0x1E0]  }
0x47: {  	s29 =	simm.s32 $0x8400;
	v4 =	vld [tilespmem:s28+$0x1B0]  }
0x48: {  	v5 =	vld [tilespmem:s29+$0x1B0]  }
0x49: {  	v8 =	vld [tilespmem:s28+$0x130]  }
0x4a: {  	v9 =	vld [tilespmem:s28+$0x1D0]  }
0x4b: {  	v19 =	vld [tilespmem:s28+$0x120]  }
0x4c: {  	v21 =	vld [tilespmem:s29+$0x120]  }
0x4d: {  	v6 =	vld [tilespmem:s29+$0x160]  }
0x4e: {  	v11 =	vld [tilespmem:s28+$0x150]  }
0x4f: {  	v10 =	vld [tilespmem:s28+$0x180]  }
0x50: {  	v12 =	vld [tilespmem:s28+$0x170]  }
0x51: {  	v18 =	vld [tilespmem:s29+$0x170]  }
0x52: {  	v23 =	vld [tilespmem:s28+$0x160]  }
0x53: {  	v15 =	vld [tilespmem:s28+$0x110]  }
0x54: {  	v16 =	vld [tilespmem:s29+$0x110]  }
0x55: {  	v24 =	vld [tilespmem:s29+$0x150]  }
0x56: {  	v22 =	vld [tilespmem:s28+$0x140]  }
0x57: {  	v25 =	vld [tilespmem:s29+$0x140]  }
0x58: {  	v13 =	vld [tilespmem:s28+$0x100]  }
0x59: {  	v26 =	vld [tilespmem:s28+$0xFFFFFE70]  }
0x5a: {  	v27 =	vld [tilespmem:s29+$0xFFFFFE70]  }
0x5b: {  	v28 =	vld [tilespmem:s28+$0xFFFFFE60]  }
0x5c: {  	v17 =	vld [tilespmem:s28+$0x90]  }
0x5d: {  	v29 =	vld [tilespmem:s28+$0xF0]  }
0x5e: {  	v30 =	vld [tilespmem:s29+$0xF0]  }
0x5f: {  	v31 =	vld [tilespmem:s28+$0xE0]  }
0x60: {  	v32 =	vld [tilespmem:s29+$0xE0]  }
0x61: {  	v33 =	vld [tilespmem:s28+$0xD0]  }
0x62: {  	v34 =	vld [tilespmem:s29+$0xD0]  }
0x63: {  	v35 =	vld [tilespmem:s28+$0xC0]  }
0x64: {  	v36 =	vld [tilespmem:s29+$0xC0]  }
0x65: {  	v20 =	vld [tilespmem:s28+$0x80]  }
0x66: {  	v37 =	vld [tilespmem:s29+$0xFFFFFE60]  }
0x67: {  	v38 =	vld [tilespmem:s28+$0xFFFFFE50]  }
0x68: {  	v39 =	vld [tilespmem:s29+$0xFFFFFE50]  }
0x69: {  	v40 =	vld [tilespmem:s28+$0xFFFFFFF0]  }
0x6a: {  	v41 =	vld [tilespmem:s29+$0xFFFFFFF0]  }
0x6b: {  	v42 =	vld [tilespmem:s28+$0xFFFFFFE0]  }
0x6c: {  	v43 =	vld [tilespmem:s29+$0xFFFFFFE0]  }
0x6d: {  	v44 =	vld [tilespmem:s28+$0x30]  }
0x6e: {  	v45 =	vld [tilespmem:s29+$0x30]  }
0x6f: {  	v46 =	vld [tilespmem:s28+$0x20]  }
0x70: {  	v47 =	vld [tilespmem:s29+$0x20]  }
0x71: {  	v48 =	vld [tilespmem:s28+$0x10]  }
0x72: {  	v49 =	vld [tilespmem:s29+$0x10]  }
0x73: {  	v50 =	vld [tilespmem:s28+$0x0]  }
0x74: {  	v51 =	vld [tilespmem:s29+$0x0]  }
0x75: {  	v52 =	vld [tilespmem:s28+$0xFFFFFFB0]  }
0x76: {  	v53 =	vld [tilespmem:s29+$0xFFFFFFB0]  }
0x77: {  	v54 =	vld [tilespmem:s29+$0xFFFFFFA0]  }
0x78: {  	v55 =	vld [tilespmem:s29+$0xFFFFFF90]  }
0x79: {  	v56 =	vld [tilespmem:s28+$0xFFFFFFC0]  }
0x7a: {  	v57 =	vld [tilespmem:s29+$0xFFFFFEF0]  }
0x7b: {  	v60 =	vld [tilespmem:s29+$0xFFFFFE40]  }
0x7c: {  	v58 =	vld [tilespmem:s28+$0xFFFFFEE0]  }
0x7d: {  	v25 =	vmul.f32 v22, v25;
	v22 =	vld [tilespmem:s28+$0xFFFFFEB0]  }
0x7e: {  	v11 =	vmul.f32 v11, v24;
	v24 =	vld [tilespmem:s28+$0xFFFFFFD0]  }
0x7f: {  	v35 =	vmul.f32 v35, v36;
	v36 =	vld [tilespmem:s29+$0xFFFFFFC0]  }
0x80: {  	v6 =	vmul.f32 v23, v6;
	v23 =	vld [tilespmem:s28+$0xFFFFFE30];
	v25 =	vadd.f32 $0.0e+00, v25  }
0x81: {  	v33 =	vmul.f32 v33, v34;
	v34 =	vld [tilespmem:s28+$0xFFFFFF80]  }
0x82: {  	v29 =	vmul.f32 v29, v30;
	v30 =	vld [tilespmem:s28+$0xFFFFFE40];
	v11 =	vadd.f32 v11, v25  }
0x83: {  	v62 =	vmul.f32 v48, v49;
	v48 =	vld [tilespmem:s29+$0xFFFFFF30]  }
0x84: {  	v12 =	vmul.f32 v12, v18;
	v49 =	vld [tilespmem:s29+$0xFFFFFF70];
	v6 =	vadd.f32 v6, v11  }
0x85: {  	v46 =	vmul.f32 v46, v47;
	v47 =	vmul.f32 v52, v53;
	v52 =	vld [tilespmem:s29+$0xFFFFFF40]  }
0x86: {  	v26 =	vmul.f32 v26, v27;
	v27 =	vld [tilespmem:s28+$0xFFFFFF20];
	v6 =	vadd.f32 v12, v6  }
0x87: {  	v28 =	vmul.f32 v28, v37;
	v37 =	vld [tilespmem:s28+$0xFFFFFF10];
	v30 =	vmul.f32 v30, v60  }
0x88: {  	v25 =	vld [tilespmem:s28+$0xFFFFFFA0];
	v18 =	vperm.xlane v6, v0  }
0x89: {  	v38 =	vmul.f32 v38, v39;
	v30 =	vadd.f32 $0.0e+00, v30;
	v12 =	vld [tilespmem:s29+$0xFFFFFFD0]  }
0x8a: {  	v60 =	vld [tilespmem:s28+$0xFFFFFF00];
	v6 =	vadd.f32 v6, v18  }
0x8b: {  	v11 =	vld [tilespmem:s28+$0xFFFFFF90];
	v30 =	vadd.f32 v38, v30;
	v18 =	vadd.f32 $0.0e+00, v35  }
0x8c: {  	v36 =	vmul.f32 v56, v36;
	v38 =	vld [tilespmem:s29+$0xFFFFFF20];
	v63 =	vperm.xlane v6, v1  }
0x8d: {  	v31 =	vmul.f32 v31, v32;
	v28 =	vadd.f32 v28, v30;
	v35 =	vld [tilespmem:s29+$0xFFFFFF80];
	v18 =	vadd.f32 v33, v18  }
0x8e: {  	v36 =	vadd.f32 $0.0e+00, v36;
	v12 =	vmul.f32 v24, v12;
	v24 =	vld [tilespmem:s28+$0xFFFFFEA0];
	v6 =	vadd.f32 v6, v63  }
0x8f: {  	v45 =	vmul.f32 v44, v45;
	v26 =	vadd.f32 v26, v28;
	v28 =	vld [tilespmem:s29+$0xFFFFFF10];
	v18 =	vadd.f32 v31, v18  }
0x90: {  	v21 =	vmul.f32 v19, v21;
	v33 =	vld [tilespmem:s28+$0xFFFFFEF0];
	v12 =	vadd.f32 v12, v36;
	v32 =	vperm.xlane v6, v2  }
0x91: {  	v36 =	vld [tilespmem:s28+$0xFFFFFF60];
	v29 =	vadd.f32 v29, v18;
	v18 =	vmul.f32 v4, v5;
	v4 =	vmul.f32 v50, v51  }
0x92: {  	v15 =	vmul.f32 v15, v16;
	v25 =	vmul.f32 v25, v54;
	v31 =	vld [tilespmem:s28+$0xFFFFFE20]  }
0x93: {  	v11 =	vmul.f32 v11, v55;
	v50 =	vld [tilespmem:s29+$0xFFFFFEE0];
	v5 =	vadd.f32 v6, v32;
	v4 =	vadd.f32 $0.0e+00, v4  }
0x94: {  	v6 =	vmul.f32 v42, v43;
	v61 =	vperm.xlane v29, v0;
	v42 =	vld [tilespmem:s28+$0xFFFFFF30]  }
0x95: {  	v34 =	vmul.f32 v34, v35;
	v32 =	vld [tilespmem:s28+$0xFFFFFF70];
	v63 =	vperm.xlane v5, v3;
	v43 =	vadd.f32 v62, v4  }
0x96: {  	v29 =	vadd.f32 v29, v61;
	v6 =	vadd.f32 v6, v12;
	v12 =	vmul.f32 v40, v41;
	v40 =	vld [tilespmem:s28+$0xFFFFFF50]  }
0x97: {  	v27 =	vmul.f32 v27, v38;
	v43 =	vadd.f32 v46, v43;
	v46 =	vadd.f32 $0.0e+00, v34;
	v34 =	vld [tilespmem:s29+$0xFFFFFF60]  }
0x98: {  	v4 =	vadd.f32 v5, v63;
	v5 =	vperm.xlane v29, v1;
	v6 =	vadd.f32 v12, v6;
	v12 =	vld [tilespmem:s28+$0xFFFFFF40]  }
0x99: {  	v28 =	vmul.f32 v37, v28;
	v61 =	vperm.xlane v26, v0;
	v63 =	vld [tilespmem:s29+$0xFFFFFF00];
	v35 =	vadd.f32 v45, v43  }
0x9a: {  	v33 =	vmul.f32 v33, v57;
	v5 =	vadd.f32 v29, v5;
	v11 =	vadd.f32 v11, v46;
	v29 =	vld [tilespmem:s29+$0xFFFFFF50]  }
0x9b: {  	v26 =	vadd.f32 v26, v61;
	v61 =	vld [tilespmem:s28+$0xFFFFFE00];
	v54 =	vperm.xlane v6, v0;
	v51 =	vperm.xlane v35, v0  }
0x9c: {  	v32 =	vmul.f32 v32, v49;
	v49 =	vld [tilespmem:s28+$0xFFFFFE80];
	v11 =	vadd.f32 v25, v11;
	v53 =	vperm.xlane v5, v2  }
0x9d: {  	v43 =	vld [tilespmem:s28+$0xFFFFFED0];
	v6 =	vadd.f32 v6, v54;
	v12 =	vmul.f32 v12, v52;
	v35 =	vadd.f32 v35, v51  }
0x9e: {  	v52 =	vld [tilespmem:s28+$0xFFFFFEC0];
	v25 =	vmul.f32 v60, v63;
	v11 =	vadd.f32 v47, v11;
	v5 =	vadd.f32 v5, v53  }
0x9f: {  	v63 =	vld [tilespmem:s29+$0xFFFFFE80];
	v41 =	vperm.xlane v6, v1;
	v29 =	vmul.f32 v40, v29;
	v12 =	vadd.f32 $0.0e+00, v12  }
0xa0: {  	v47 =	vld [tilespmem:s29+$0xFFFFFE10];
	v25 =	vadd.f32 $0.0e+00, v25;
	v55 =	vperm.xlane v35, v1;
	v56 =	vperm.xlane v11, v0  }
0xa1: {  	v34 =	vmul.f32 v36, v34;
	v40 =	vld [tilespmem:s28+$0xFFFFFE90];
	v6 =	vadd.f32 v6, v41;
	v12 =	vadd.f32 v29, v12  }
0xa2: {  	v39 =	vperm.xlane v5, v3;
	v35 =	vadd.f32 v35, v55;
	v11 =	vadd.f32 v11, v56;
	v55 =	vld [tilespmem:s29+$0xFFFFFEC0]  }
0xa3: {  	v45 =	vmul.f32 v58, v50;
	v41 =	vld [tilespmem:s28+$0x70];
	v25 =	vadd.f32 v28, v25;
	v12 =	vadd.f32 v34, v12  }
0xa4: {  	v5 =	vadd.f32 v5, v39;
	v51 =	vperm.xlane v6, v2;
	v34 =	vld [tilespmem:s28+$0xFFFFFE10];
	v62 =	vperm.xlane v11, v1  }
0xa5: {  	v39 =	vld [tilespmem:s29+$0xFFFFFED0];
	v27 =	vadd.f32 v27, v25;
	v59 =	vperm.xlane v35, v2;
	v58 =	vadd.f32 v32, v12  }
0xa6: {  	v53 =	vadd.f32 v6, v51;
	v6 =	vperm.xlane v26, v1;
	v51 =	vld [tilespmem:s29+$0xFFFFFE90];
	v11 =	vadd.f32 v11, v62  }
0xa7: {  	v30 =	vadd.f32 v35, v59;
	v59 =	vld [tilespmem:s29+$0xFFFFFE00];
	v62 =	vperm.xlane v58, v0;
	v29 =	vmul.f32 v52, v55  }
0xa8: {  	v26 =	vadd.f32 v26, v6;
	v55 =	vmul.f32 v42, v48;
	v42 =	vld [tilespmem:s29+$0x70];
	v54 =	vperm.xlane v11, v2  }
0xa9: {  	v56 =	vperm.xlane v30, v3;
	v50 =	vadd.f32 v58, v62;
	v62 =	vmul.f32 v34, v47;
	v47 =	vld [tilespmem:s29+$0x80]  }
0xaa: {  	v57 =	vperm.xlane v53, v3;
	v29 =	vadd.f32 $0.0e+00, v29;
	v27 =	vadd.f32 v55, v27;
	v55 =	vld [tilespmem:s29+$0x90]  }
0xab: {  	v12 =	vperm.xlane v26, v2;
	v36 =	vadd.f32 v11, v54;
	v6 =	vadd.f32 v30, v56;
	v54 =	vld [tilespmem:s29+$0xFFFFFE20]  }
0xac: {  	v11 =	vadd.f32 v53, v57;
	v53 =	vmul.f32 v43, v39;
	v57 =	vld [tilespmem:s29+$0xFFFFFEA0];
	v30 =	vmul.f32 v40, v51  }
0xad: {  	v26 =	vadd.f32 v26, v12;
	v56 =	vperm.xlane v50, v1;
	v58 =	vmul.f32 v61, v59;
	v59 =	vld [tilespmem:s29+$0xFFFFFE30]  }
0xae: {  	v61 =	vld [tilespmem:s29+$0xFFFFFEB0];
	v44 =	vperm.xlane v27, v0;
	v60 =	vperm.xlane v36, v3;
	v29 =	vadd.f32 v53, v29  }
0xaf: {  	v52 =	vperm.xlane v26, v3;
	v53 =	vld [tilespmem:s28+$0x60];
	v28 =	vadd.f32 v50, v56;
	v19 =	vadd.f32 $0.0e+00, v58  }
0xb0: {  	v27 =	vadd.f32 v27, v44;
	v50 =	vld [tilespmem:s29+$0x50];
	v12 =	vadd.f32 v36, v60;
	v60 =	vmul.f32 v49, v63  }
0xb1: {  	v25 =	vadd.f32 v26, v52;
	v63 =	vld [tilespmem:s29+$0x40];
	v20 =	vmul.f32 v20, v47;
	v17 =	vmul.f32 v17, v55  }
0xb2: {  	v29 =	vadd.f32 v45, v29;
	v45 =	vld [tilespmem:s28+$0x40];
	v46 =	vmul.f32 v31, v54;
	v48 =	vperm.xlane v28, v2  }
0xb3: {  	v49 =	vld [tilespmem:s28+$0x50];
	v19 =	vadd.f32 v62, v19;
	v52 =	vperm.xlane v27, v1;
	v24 =	vmul.f32 v24, v57  }
0xb4: {  	v54 =	vld [tilespmem:s29+$0x60];
	v31 =	vmul.f32 v41, v42;
	v43 =	vadd.f32 $0.0e+00, v60;
	v29 =	vadd.f32 v33, v29  }
0xb5: {  	v57 =	vld [tilespmem:s29+$0x100];
	v23 =	vmul.f32 v23, v59;
	v20 =	vadd.f32 $0.0e+00, v20;
	v19 =	vadd.f32 v46, v19  }
0xb6: {  	v14 =	vld [tilespmem:s28+$0xA0];
	v22 =	vmul.f32 v22, v61;
	v28 =	vadd.f32 v28, v48;
	v27 =	vadd.f32 v27, v52  }
0xb7: {  	v60 =	vld [tilespmem:s29+$0xA0];
	v30 =	vadd.f32 v30, v43;
	v51 =	vperm.xlane v29, v0;
	v17 =	vadd.f32 v17, v20  }
0xb8: {  	v40 =	vld [tilespmem:s29+$0xB0];
	v23 =	vadd.f32 v23, v19;
	v19 =	vperm.xlane v28, v3;
	v34 =	vmul.f32 v45, v63  }
0xb9: {  	v62 =	vld [tilespmem:s28+$0xB0];
	v59 =	vperm.xlane v27, v2;
	v26 =	vmul.f32 v49, v50;
	v29 =	vadd.f32 v29, v51  }
0xba: {  	v20 =	vld [tilespmem:s28+$0x1C0];
	v24 =	vadd.f32 v24, v30;
	v33 =	vmul.f32 v53, v54;
	v13 =	vmul.f32 v13, v57  }
0xbb: {  	v45 =	vld [tilespmem:s29+$0x180];
	v56 =	vperm.xlane v23, v0;
	v19 =	vadd.f32 v28, v19;
	v61 =	vadd.f32 $0.0e+00, v34  }
0xbc: {  	v49 =	vld [tilespmem:s29+$0x1C0];
	v63 =	vadd.f32 v27, v59;
	v14 =	vmul.f32 v14, v60;
	v22 =	vadd.f32 v22, v24  }
0xbd: {  	v48 =	vld [tilespmem:s28+$0x190];
	v58 =	vperm.xlane v29, v1;
	v13 =	vadd.f32 $0.0e+00, v13;
	v23 =	vadd.f32 v23, v56  }
0xbe: {  	v51 =	vld [tilespmem:s29+$0x190];
	v26 =	vadd.f32 v26, v61;
	v43 =	vperm.xlane v63, v3;
	v14 =	vadd.f32 v14, v17  }
0xbf: {  	v57 =	vld [tilespmem:s29+$0x130];
	v17 =	vmul.f32 v62, v40;
	v29 =	vadd.f32 v29, v58;
	v47 =	vperm.xlane v22, v0  }
0xc0: {  	v54 =	vld [tilespmem:s29+$0x1A0];
	v10 =	vmul.f32 v10, v45;
	v13 =	vadd.f32 v15, v13;
	v24 =	vadd.f32 v63, v43  }
0xc1: {  	v56 =	vld [tilespmem:s29+$0x1D0];
	v20 =	vmul.f32 v20, v49;
	v26 =	vadd.f32 v33, v26;
	v14 =	vadd.f32 v17, v14  }
0xc2: {  	v58 =	vld [tilespmem:s29+$0x1E0];
	v16 =	vperm.xlane v23, v1;
	v22 =	vadd.f32 v22, v47;
	v10 =	vadd.f32 $0.0e+00, v10  }
0xc3: {  	v17 =	vld [tilespmem:s28+$0x1A0];
	v44 =	vperm.xlane v29, v2;
	v15 =	vadd.f32 $0.0e+00, v20;
	v13 =	vadd.f32 v21, v13  }
0xc4: {  	v8 =	vmul.f32 v8, v57;
	v16 =	vadd.f32 v23, v16;
	v26 =	vadd.f32 v31, v26  }
0xc5: {  	v55 =	vperm.xlane v14, v0;
	v23 =	vadd.f32 v29, v44;
	v53 =	vperm.xlane v22, v1  }
0xc6: {  	v60 =	vld [tilespmem:s28+$0x1F0];
	v29 =	vmul.f32 v48, v51;
	v9 =	vmul.f32 v9, v56;
	v8 =	vadd.f32 v8, v13  }
0xc7: {  	v62 =	vld [tilespmem:s29+$0x1F0];
	v46 =	vperm.xlane v16, v2;
	v14 =	vadd.f32 v14, v55;
	v59 =	vperm.xlane v26, v0  }
0xc8: {  	v7 =	vmul.f32 v7, v58;
	v10 =	vadd.f32 v29, v10;
	v17 =	vmul.f32 v17, v54  }
0xc9: {  	v50 =	vperm.xlane v23, v3;
	v22 =	vadd.f32 v22, v53;
	v9 =	vadd.f32 v9, v15  }
0xca: {  	v16 =	vadd.f32 v16, v46;
	v61 =	vperm.xlane v14, v1;
	v10 =	vadd.f32 v17, v10  }
0xcb: {  	v26 =	vadd.f32 v26, v59;
	v23 =	vadd.f32 v23, v50;
	v20 =	vperm.xlane v22, v2  }
0xcc: {  	v7 =	vadd.f32 v7, v9;
	v9 =	vmul.f32 v60, v62;
	v10 =	vadd.f32 v18, v10  }
0xcd: {  	v52 =	vperm.xlane v16, v3;
	v14 =	vadd.f32 v14, v61;
	v15 =	vperm.xlane v26, v1  }
0xce: {  	v7 =	vadd.f32 v9, v7;
	v9 =	vadd.f32 v22, v20;
	v13 =	vperm.xlane v10, v0  }
0xcf: {  	v18 =	vperm.xlane v8, v0;
	v17 =	vperm.xlane v14, v2;
	v15 =	vadd.f32 v26, v15  }
0xd0: {  	v16 =	vadd.f32 v16, v52;
	v20 =	vperm.xlane v9, v3;
	v10 =	vadd.f32 v10, v13  }
0xd1: {  	v13 =	vadd.f32 v14, v17;
	v14 =	vperm.xlane v15, v2;
	v17 =	vperm.xlane v7, v0  }
0xd2: {  	v8 =	vadd.f32 v8, v18;
	v9 =	vadd.f32 v9, v20;
	v18 =	vperm.xlane v10, v1  }
0xd3: {  	v16 =	vsel vm0, v16, v25;
	v14 =	vadd.f32 v15, v14;
	v15 =	vadd.f32 v7, v17  }
0xd4: {  	v63 =	vperm.xlane v13, v3;
	v17 =	vperm.xlane v8, v1;
	v18 =	vadd.f32 v10, v18  }
0xd5: {  	v9 =	vsel vm1, v16, v9;
	v10 =	vperm.xlane v14, v3;
	v20 =	vperm.xlane v15, v1  }
0xd6: {  	v7 =	vadd.f32 v13, v63;
	v13 =	vadd.f32 v8, v17;
	v16 =	vperm.xlane v18, v2  }
0xd7: {  	v9 =	vsel vm2, v9, v23;
	v8 =	vadd.f32 v14, v10;
	v10 =	vadd.f32 v15, v20  }
0xd8: {  	s31 =	simm.s32 $0x40;
	s30 =	simm.s32 $0x0;
	v15 =	vsel vm3, v9, v24;
	v14 =	vperm.xlane v13, v2;
	v9 =	vadd.f32 v18, v16  }
.LBB2_2:
0xd9: {  	p0 =	sne.s32 s31, $0x7C0;
	v15 =	vsel vm4, v15, v19;
	v16 =	vperm.xlane v10, v2;
	s29 =	sadd.s32 $0x400, s29;
	s28 =	sadd.s32 $0x400, s28  }
0xda: {  	s0 =	smov.u32 s31;
	s31 =	sadd.s32 $0x40, s31;
	v12 =	vsel vm5, v15, v12;
	v13 =	vadd.f32 v13, v14;
	v14 =	vperm.xlane v9, v3  }
0xdb: {  	v11 =	vsel vm6, v12, v11;
	v10 =	vadd.f32 v10, v16  }
0xdc: {  	v6 =	vsel vm7, v11, v6;
	v11 =	vperm.xlane v13, v3;
	v9 =	vadd.f32 v9, v14  }
0xdd: {  	v6 =	vsel vm8, v6, v8;
	v8 =	vperm.xlane v10, v3  }
0xde: {  	s1 =	sshra.s32 s30, $0x2;
	s30 =	smov.u32 s0;
	v6 =	vsel vm9, v6, v7;
	v7 =	vadd.f32 v13, v11  }
0xdf: {  	v5 =	vsel vm10, v6, v5;
	v6 =	vadd.f32 v10, v8;
	v8 =	vld [tilespmem:s1+$0x10200]  }
0xe0: {  	v5 =	vsel vm11, v5, v7  }
0xe1: {  	v4 =	vsel vm12, v5, v4;
	v5 =	vld [tilespmem:s1+$0x10400]  }
0xe2: {  	v4 =	vsel vm13, v4, v9  }
0xe3: {  	v4 =	vsel vm14, v4, v6  }
0xe4: {  	v4 =	vadd.f32 v4, v8;
	_ =	sdelay $0x1  }
0xe5: {  	v4 =	vadd.f32 v4, v5;
	_ =	sdelay $0x1  }
0xe6: {  	[tilespmem:s1+$0x10600] =	vst v4  }
0xe7: {  	v7 =	vld [tilespmem:s28+$0x1E0]  }
0xe8: {  	v4 =	vld [tilespmem:s28+$0x1B0]  }
0xe9: {  	v5 =	vld [tilespmem:s29+$0x1B0]  }
0xea: {  	v8 =	vld [tilespmem:s28+$0x130]  }
0xeb: {  	v10 =	vld [tilespmem:s28+$0x1D0]  }
0xec: {  	v19 =	vld [tilespmem:s28+$0x120]  }
0xed: {  	v20 =	vld [tilespmem:s29+$0x120]  }
0xee: {  	v21 =	vld [tilespmem:s29+$0x160];
	v9 =	vmul.f32 v4, v5  }
0xef: {  	v4 =	vld [tilespmem:s28+$0x150]  }
0xf0: {  	v13 =	vld [tilespmem:s28+$0x180]  }
0xf1: {  	v5 =	vld [tilespmem:s28+$0x170]  }
0xf2: {  	v6 =	vld [tilespmem:s29+$0x170]  }
0xf3: {  	v22 =	vld [tilespmem:s28+$0x160]  }
0xf4: {  	v16 =	vld [tilespmem:s28+$0x110]  }
0xf5: {  	v17 =	vld [tilespmem:s29+$0x110]  }
0xf6: {  	v23 =	vld [tilespmem:s29+$0x150]  }
0xf7: {  	v18 =	vld [tilespmem:s28+$0x140];
	v5 =	vmul.f32 v5, v6  }
0xf8: {  	v24 =	vld [tilespmem:s29+$0x140]  }
0xf9: {  	v14 =	vld [tilespmem:s28+$0x100]  }
0xfa: {  	v15 =	vld [tilespmem:s28+$0xA0]  }
0xfb: {  	v6 =	vld [tilespmem:s28+$0xFFFFFE70]  }
0xfc: {  	v11 =	vld [tilespmem:s29+$0xFFFFFE70]  }
0xfd: {  	v12 =	vld [tilespmem:s28+$0xFFFFFE60];
	v24 =	vmul.f32 v18, v24  }
0xfe: {  	v18 =	vld [tilespmem:s28+$0x90]  }
0xff: {  	v4 =	vmul.f32 v4, v23;
	v25 =	vld [tilespmem:s28+$0xF0];
	v24 =	vadd.f32 $0.0e+00, v24  }
0x100: {  	v23 =	vld [tilespmem:s29+$0xF0]  }
0x101: {  	v21 =	vmul.f32 v22, v21;
	v26 =	vld [tilespmem:s28+$0xE0];
	v4 =	vadd.f32 v4, v24  }
0x102: {  	v22 =	vld [tilespmem:s29+$0xE0]  }
0x103: {  	v27 =	vld [tilespmem:s28+$0xD0];
	v4 =	vadd.f32 v21, v4  }
0x104: {  	v28 =	vld [tilespmem:s29+$0xD0]  }
0x105: {  	v29 =	vld [tilespmem:s28+$0xC0];
	v23 =	vmul.f32 v25, v23;
	v4 =	vadd.f32 v5, v4  }
0x106: {  	v5 =	vld [tilespmem:s29+$0xC0]  }
0x107: {  	v21 =	vld [tilespmem:s28+$0x80];
	v22 =	vmul.f32 v26, v22;
	v25 =	vperm.xlane v4, v0  }
0x108: {  	v24 =	vld [tilespmem:s29+$0xFFFFFE60]  }
0x109: {  	v26 =	vld [tilespmem:s28+$0xFFFFFE50];
	v27 =	vmul.f32 v27, v28;
	v4 =	vadd.f32 v4, v25  }
0x10a: {  	v28 =	vld [tilespmem:s29+$0xFFFFFE50]  }
0x10b: {  	v30 =	vld [tilespmem:s28+$0xFFFFFFF0];
	v5 =	vmul.f32 v29, v5;
	v25 =	vperm.xlane v4, v1  }
0x10c: {  	v29 =	vld [tilespmem:s29+$0xFFFFFFF0]  }
0x10d: {  	v31 =	vld [tilespmem:s28+$0xFFFFFFE0];
	v5 =	vadd.f32 $0.0e+00, v5;
	v4 =	vadd.f32 v4, v25  }
0x10e: {  	v25 =	vld [tilespmem:s29+$0xFFFFFFE0]  }
0x10f: {  	v32 =	vld [tilespmem:s28+$0x30];
	v5 =	vadd.f32 v27, v5;
	v27 =	vperm.xlane v4, v2  }
0x110: {  	v33 =	vld [tilespmem:s29+$0x30]  }
0x111: {  	v34 =	vld [tilespmem:s28+$0x20];
	v5 =	vadd.f32 v22, v5;
	v4 =	vadd.f32 v4, v27  }
0x112: {  	v27 =	vld [tilespmem:s29+$0x20]  }
0x113: {  	v31 =	vmul.f32 v31, v25;
	v25 =	vld [tilespmem:s28+$0x10];
	v5 =	vadd.f32 v23, v5;
	v22 =	vperm.xlane v4, v3  }
0x114: {  	v23 =	vld [tilespmem:s29+$0x10]  }
0x115: {  	v35 =	vld [tilespmem:s28+$0x0];
	v32 =	vmul.f32 v32, v33;
	v33 =	vperm.xlane v5, v0;
	v4 =	vadd.f32 v4, v22  }
0x116: {  	v36 =	vld [tilespmem:s29+$0x0]  }
0x117: {  	v22 =	vld [tilespmem:s28+$0xFFFFFEB0];
	v27 =	vmul.f32 v34, v27;
	v5 =	vadd.f32 v5, v33  }
0x118: {  	v33 =	vld [tilespmem:s28+$0xFFFFFFB0]  }
0x119: {  	v34 =	vld [tilespmem:s29+$0xFFFFFFB0];
	v23 =	vmul.f32 v25, v23;
	v25 =	vperm.xlane v5, v1  }
0x11a: {  	v37 =	vld [tilespmem:s28+$0xFFFFFFD0]  }
0x11b: {  	v38 =	vld [tilespmem:s28+$0xFFFFFFA0];
	v35 =	vmul.f32 v35, v36;
	v5 =	vadd.f32 v5, v25  }
0x11c: {  	v25 =	vld [tilespmem:s29+$0xFFFFFFA0]  }
0x11d: {  	v36 =	vld [tilespmem:s28+$0xFFFFFF90];
	v35 =	vadd.f32 $0.0e+00, v35;
	v39 =	vperm.xlane v5, v2  }
0x11e: {  	v40 =	vld [tilespmem:s29+$0xFFFFFF90];
	v33 =	vmul.f32 v33, v34  }
0x11f: {  	v34 =	vld [tilespmem:s29+$0xFFFFFFD0];
	v23 =	vadd.f32 v23, v35;
	v5 =	vadd.f32 v5, v39  }
0x120: {  	v35 =	vld [tilespmem:s28+$0xFFFFFFC0]  }
0x121: {  	v38 =	vmul.f32 v38, v25;
	v25 =	vld [tilespmem:s29+$0xFFFFFFC0];
	v27 =	vadd.f32 v27, v23;
	v39 =	vperm.xlane v5, v3  }
0x122: {  	v23 =	vld [tilespmem:s28+$0xFFFFFE30]  }
0x123: {  	v41 =	vld [tilespmem:s28+$0xFFFFFF80];
	v36 =	vmul.f32 v36, v40;
	v27 =	vadd.f32 v32, v27;
	v5 =	vadd.f32 v5, v39  }
0x124: {  	v32 =	vld [tilespmem:s29+$0xFFFFFF80];
	v34 =	vmul.f32 v37, v34  }
0x125: {  	v37 =	vld [tilespmem:s28+$0xFFFFFEF0];
	v39 =	vperm.xlane v27, v0  }
0x126: {  	v40 =	vld [tilespmem:s29+$0xFFFFFEF0];
	v25 =	vmul.f32 v35, v25  }
0x127: {  	v35 =	vld [tilespmem:s28+$0xFFFFFE40];
	v27 =	vadd.f32 v27, v39  }
0x128: {  	v39 =	vld [tilespmem:s29+$0xFFFFFE40];
	v25 =	vadd.f32 $0.0e+00, v25  }
0x129: {  	v42 =	vld [tilespmem:s28+$0xFFFFFEE0];
	v32 =	vmul.f32 v41, v32;
	v41 =	vperm.xlane v27, v1  }
0x12a: {  	v43 =	vld [tilespmem:s29+$0xFFFFFEE0];
	v34 =	vadd.f32 v34, v25  }
0x12b: {  	v25 =	vmul.f32 v37, v40;
	v37 =	vld [tilespmem:s28+$0xFFFFFF30];
	v32 =	vadd.f32 $0.0e+00, v32;
	v27 =	vadd.f32 v27, v41  }
0x12c: {  	v29 =	vmul.f32 v30, v29;
	v40 =	vld [tilespmem:s29+$0xFFFFFF30];
	v31 =	vadd.f32 v31, v34  }
0x12d: {  	v30 =	vmul.f32 v35, v39;
	v34 =	vld [tilespmem:s28+$0xFFFFFF70];
	v32 =	vadd.f32 v36, v32;
	v35 =	vperm.xlane v27, v2  }
0x12e: {  	v28 =	vmul.f32 v26, v28;
	v36 =	vld [tilespmem:s29+$0xFFFFFF70];
	v29 =	vadd.f32 v29, v31  }
0x12f: {  	v30 =	vadd.f32 $0.0e+00, v30;
	v26 =	vld [tilespmem:s28+$0xFFFFFEA0];
	v31 =	vmul.f32 v42, v43;
	v32 =	vadd.f32 v38, v32  }
0x130: {  	v27 =	vadd.f32 v27, v35;
	v38 =	vld [tilespmem:s28+$0xFFFFFF60];
	v39 =	vperm.xlane v29, v0  }
0x131: {  	v12 =	vmul.f32 v12, v24;
	v28 =	vadd.f32 v28, v30;
	v24 =	vld [tilespmem:s29+$0xFFFFFF60];
	v30 =	vadd.f32 v33, v32  }
0x132: {  	v11 =	vmul.f32 v6, v11;
	v6 =	vperm.xlane v27, v3;
	v32 =	vld [tilespmem:s28+$0xFFFFFF50];
	v29 =	vadd.f32 v29, v39  }
0x133: {  	v12 =	vadd.f32 v12, v28;
	v28 =	vld [tilespmem:s29+$0xFFFFFF50];
	v33 =	vmul.f32 v34, v36;
	v34 =	vperm.xlane v30, v0  }
0x134: {  	v6 =	vadd.f32 v27, v6;
	v35 =	vld [tilespmem:s28+$0xFFFFFF40];
	v36 =	vperm.xlane v29, v1  }
0x135: {  	v11 =	vadd.f32 v11, v12;
	v12 =	vld [tilespmem:s29+$0xFFFFFF40];
	v27 =	vadd.f32 v30, v34  }
0x136: {  	v30 =	vld [tilespmem:s28+$0xFFFFFED0];
	v24 =	vmul.f32 v38, v24;
	v29 =	vadd.f32 v29, v36  }
0x137: {  	v34 =	vld [tilespmem:s28+$0xFFFFFE20];
	v36 =	vperm.xlane v11, v0;
	v38 =	vperm.xlane v27, v1  }
0x138: {  	v39 =	vld [tilespmem:s28+$0xFFFFFF20];
	v28 =	vmul.f32 v32, v28;
	v32 =	vperm.xlane v29, v2  }
0x139: {  	v11 =	vadd.f32 v11, v36;
	v36 =	vld [tilespmem:s29+$0xFFFFFF20];
	v27 =	vadd.f32 v27, v38  }
0x13a: {  	v38 =	vld [tilespmem:s28+$0xFFFFFF10];
	v12 =	vmul.f32 v35, v12;
	v29 =	vadd.f32 v29, v32  }
0x13b: {  	v32 =	vperm.xlane v11, v1;
	v35 =	vld [tilespmem:s29+$0xFFFFFF10];
	v41 =	vperm.xlane v27, v2  }
0x13c: {  	v42 =	vld [tilespmem:s28+$0xFFFFFF00];
	v12 =	vadd.f32 $0.0e+00, v12;
	v43 =	vperm.xlane v29, v3  }
0x13d: {  	v32 =	vadd.f32 v11, v32;
	v44 =	vld [tilespmem:s29+$0xFFFFFF00];
	v27 =	vadd.f32 v27, v41  }
0x13e: {  	v41 =	vld [tilespmem:s28+$0xFFFFFE90];
	v36 =	vmul.f32 v39, v36;
	v12 =	vadd.f32 v28, v12;
	v11 =	vadd.f32 v29, v43  }
0x13f: {  	v28 =	vperm.xlane v32, v2;
	v29 =	vld [tilespmem:s29+$0xFFFFFED0];
	v39 =	vperm.xlane v27, v3  }
0x140: {  	v43 =	vld [tilespmem:s28+$0xFFFFFEC0];
	v35 =	vmul.f32 v38, v35;
	v24 =	vadd.f32 v24, v12  }
0x141: {  	v28 =	vadd.f32 v32, v28;
	v32 =	vld [tilespmem:s29+$0xFFFFFEC0];
	v12 =	vadd.f32 v27, v39  }
0x142: {  	v27 =	vld [tilespmem:s28+$0xFFFFFE10];
	v38 =	vmul.f32 v42, v44;
	v33 =	vadd.f32 v33, v24  }
0x143: {  	v24 =	vperm.xlane v28, v3;
	v39 =	vld [tilespmem:s28+$0xFFFFFE80]  }
0x144: {  	v42 =	vld [tilespmem:s29+$0xFFFFFE00];
	v29 =	vmul.f32 v30, v29;
	v30 =	vadd.f32 $0.0e+00, v38;
	v38 =	vperm.xlane v33, v0  }
0x145: {  	v44 =	vld [tilespmem:s28+$0xFFFFFE00];
	v24 =	vadd.f32 v28, v24  }
0x146: {  	v28 =	vld [tilespmem:s29+$0xFFFFFE80];
	v32 =	vmul.f32 v43, v32;
	v30 =	vadd.f32 v35, v30;
	v33 =	vadd.f32 v33, v38  }
0x147: {  	v37 =	vmul.f32 v37, v40;
	v35 =	vld [tilespmem:s29+$0xFFFFFE10]  }
0x148: {  	v38 =	vld [tilespmem:s29+$0xFFFFFE90];
	v32 =	vadd.f32 $0.0e+00, v32;
	v30 =	vadd.f32 v36, v30;
	v36 =	vperm.xlane v33, v1  }
0x149: {  	v40 =	vld [tilespmem:s29+$0xFFFFFE20]  }
0x14a: {  	v42 =	vmul.f32 v44, v42;
	v43 =	vld [tilespmem:s29+$0xFFFFFEA0];
	v29 =	vadd.f32 v29, v32;
	v30 =	vadd.f32 v37, v30  }
0x14b: {  	v20 =	vmul.f32 v19, v20;
	v33 =	vadd.f32 v33, v36;
	v32 =	vld [tilespmem:s29+$0xFFFFFE30];
	v28 =	vmul.f32 v39, v28  }
0x14c: {  	v19 =	vadd.f32 $0.0e+00, v42;
	v27 =	vmul.f32 v27, v35;
	v35 =	vld [tilespmem:s29+$0xFFFFFEB0];
	v29 =	vadd.f32 v31, v29  }
0x14d: {  	v36 =	vperm.xlane v30, v0;
	v28 =	vadd.f32 $0.0e+00, v28;
	v31 =	vmul.f32 v41, v38;
	v37 =	vld [tilespmem:s29+$0x40]  }
0x14e: {  	v19 =	vadd.f32 v27, v19;
	v27 =	vmul.f32 v34, v40;
	v25 =	vadd.f32 v25, v29;
	v29 =	vld [tilespmem:s28+$0x40]  }
0x14f: {  	v30 =	vadd.f32 v30, v36;
	v28 =	vadd.f32 v31, v28;
	v31 =	vperm.xlane v33, v2;
	v34 =	vld [tilespmem:s29+$0x80]  }
0x150: {  	v19 =	vadd.f32 v27, v19;
	v23 =	vmul.f32 v23, v32;
	v27 =	vperm.xlane v25, v0;
	v32 =	vld [tilespmem:s28+$0x50]  }
0x151: {  	v26 =	vmul.f32 v26, v43;
	v36 =	vperm.xlane v30, v1;
	v31 =	vadd.f32 v33, v31;
	v33 =	vld [tilespmem:s29+$0x50]  }
0x152: {  	v22 =	vmul.f32 v22, v35;
	v23 =	vadd.f32 v23, v19;
	v25 =	vadd.f32 v25, v27;
	v27 =	vld [tilespmem:s28+$0x60]  }
0x153: {  	v30 =	vadd.f32 v30, v36;
	v19 =	vperm.xlane v31, v3;
	v29 =	vmul.f32 v29, v37;
	v35 =	vld [tilespmem:s29+$0x60]  }
0x154: {  	v26 =	vadd.f32 v26, v28;
	v36 =	vperm.xlane v23, v0;
	v28 =	vperm.xlane v25, v1;
	v37 =	vld [tilespmem:s29+$0x90]  }
0x155: {  	v38 =	vperm.xlane v30, v2;
	v21 =	vmul.f32 v21, v34;
	v19 =	vadd.f32 v31, v19;
	v31 =	vld [tilespmem:s29+$0x100]  }
0x156: {  	v29 =	vadd.f32 $0.0e+00, v29;
	v23 =	vadd.f32 v23, v36;
	v32 =	vmul.f32 v32, v33;
	v33 =	vld [tilespmem:s29+$0xA0]  }
0x157: {  	v16 =	vmul.f32 v16, v17;
	v22 =	vadd.f32 v22, v26;
	v26 =	vadd.f32 v30, v38;
	v30 =	vld [tilespmem:s28+$0xB0]  }
0x158: {  	v25 =	vadd.f32 v25, v28;
	v17 =	vperm.xlane v23, v1;
	v28 =	vadd.f32 v32, v29;
	v29 =	vld [tilespmem:s29+$0xB0]  }
0x159: {  	v21 =	vadd.f32 $0.0e+00, v21;
	v32 =	vperm.xlane v26, v3;
	v34 =	vld [tilespmem:s28+$0x70];
	v18 =	vmul.f32 v18, v37  }
0x15a: {  	v27 =	vmul.f32 v27, v35;
	v17 =	vadd.f32 v23, v17;
	v23 =	vperm.xlane v25, v2;
	v35 =	vld [tilespmem:s29+$0x70]  }
0x15b: {  	v26 =	vadd.f32 v26, v32;
	v18 =	vadd.f32 v18, v21;
	v15 =	vmul.f32 v15, v33;
	v21 =	vld [tilespmem:s29+$0x180]  }
0x15c: {  	v33 =	vperm.xlane v22, v0;
	v32 =	vperm.xlane v17, v2;
	v23 =	vadd.f32 v25, v23;
	v25 =	vld [tilespmem:s28+$0x1C0]  }
0x15d: {  	v14 =	vmul.f32 v14, v31;
	v15 =	vadd.f32 v15, v18;
	v18 =	vmul.f32 v30, v29;
	v29 =	vld [tilespmem:s28+$0x190]  }
0x15e: {  	v22 =	vadd.f32 v22, v33;
	v17 =	vadd.f32 v17, v32;
	v30 =	vperm.xlane v23, v3;
	v31 =	vld [tilespmem:s29+$0x1C0]  }
0x15f: {  	v27 =	vadd.f32 v27, v28;
	v28 =	vmul.f32 v34, v35;
	v15 =	vadd.f32 v18, v15;
	v18 =	vld [tilespmem:s29+$0x190]  }
0x160: {  	v33 =	vperm.xlane v22, v1;
	v32 =	vperm.xlane v17, v3;
	v23 =	vadd.f32 v23, v30;
	v30 =	vld [tilespmem:s28+$0x1A0]  }
0x161: {  	v13 =	vmul.f32 v13, v21;
	v27 =	vadd.f32 v28, v27;
	v28 =	vperm.xlane v15, v0;
	v21 =	vld [tilespmem:s29+$0x1A0]  }
0x162: {  	v22 =	vadd.f32 v22, v33;
	v17 =	vadd.f32 v17, v32;
	v32 =	vld [tilespmem:s29+$0x1D0]  }
0x163: {  	v14 =	vadd.f32 $0.0e+00, v14;
	v33 =	vperm.xlane v27, v0;
	v15 =	vadd.f32 v15, v28;
	v28 =	vld [tilespmem:s29+$0x130]  }
0x164: {  	v13 =	vadd.f32 $0.0e+00, v13;
	v25 =	vmul.f32 v25, v31;
	v18 =	vmul.f32 v29, v18;
	v29 =	vld [tilespmem:s29+$0x1E0]  }
0x165: {  	v14 =	vadd.f32 v16, v14;
	v31 =	vperm.xlane v22, v2;
	v34 =	vperm.xlane v15, v1;
	v16 =	vld [tilespmem:s28+$0x1F0]  }
0x166: {  	v27 =	vadd.f32 v27, v33;
	v13 =	vadd.f32 v18, v13;
	v18 =	vmul.f32 v30, v21;
	v21 =	vld [tilespmem:s29+$0x1F0]  }
0x167: {  	v25 =	vadd.f32 $0.0e+00, v25;
	v15 =	vadd.f32 v15, v34;
	v10 =	vmul.f32 v10, v32  }
0x168: {  	v14 =	vadd.f32 v20, v14;
	v30 =	vperm.xlane v27, v1;
	v13 =	vadd.f32 v18, v13  }
0x169: {  	v18 =	vperm.xlane v15, v2;
	v10 =	vadd.f32 v10, v25;
	v7 =	vmul.f32 v7, v29  }
0x16a: {  	v17 =	vsel vm0, v17, v24;
	v8 =	vmul.f32 v8, v28;
	v9 =	vadd.f32 v9, v13  }
0x16b: {  	v13 =	vadd.f32 v15, v18;
	v7 =	vadd.f32 v7, v10;
	v10 =	vmul.f32 v16, v21  }
0x16c: {  	v8 =	vadd.f32 v8, v14;
	v15 =	vadd.f32 v27, v30;
	v14 =	vperm.xlane v9, v0  }
0x16d: {  	v16 =	vadd.f32 v22, v31;
	v18 =	vperm.xlane v13, v3;
	v10 =	vadd.f32 v10, v7  }
0x16e: {  	v21 =	vperm.xlane v8, v0;
	v20 =	vperm.xlane v15, v2;
	v9 =	vadd.f32 v9, v14  }
0x16f: {  	v14 =	vperm.xlane v16, v3;
	v7 =	vadd.f32 v13, v18;
	v13 =	vperm.xlane v10, v0  }
0x170: {  	v8 =	vadd.f32 v8, v21;
	v18 =	vperm.xlane v9, v1  }
0x171: {  	v15 =	vadd.f32 v15, v20;
	v10 =	vadd.f32 v10, v13  }
.Ltmp0:
0x172: {  	v13 =	vadd.f32 v16, v14;
	v14 =	vperm.xlane v8, v1;
	v9 =	vadd.f32 v9, v18;
	(pc) =	sbr.rel @p0 .LBB2_2-.Ltmp0, $4  }
0x173: {  	v16 =	vperm.xlane v15, v3;
	v18 =	vperm.xlane v10, v1  }
0x174: {  	v17 =	vsel vm1, v17, v13;
	v13 =	vadd.f32 v8, v14;
	v20 =	vperm.xlane v9, v2  }
0x175: {  	v8 =	vadd.f32 v15, v16;
	v14 =	vsel vm2, v17, v23;
	v10 =	vadd.f32 v10, v18  }
0x176: {  	v15 =	vsel vm3, v14, v26;
	v14 =	vperm.xlane v13, v2;
	v9 =	vadd.f32 v9, v20  }
0x177: {  	v15 =	vsel vm4, v15, v19  }
0x178: {  	v12 =	vsel vm5, v15, v12;
	v13 =	vadd.f32 v13, v14  }
0x179: {  	v57 =	vperm.xlane v10, v2;
	v11 =	vsel vm6, v12, v11  }
0x17a: {  	v6 =	vsel vm7, v11, v6;
	v58 =	vperm.xlane v13, v3  }
0x17b: {  	v10 =	vadd.f32 v10, v57;
	v6 =	vsel vm8, v6, v8  }
0x17c: {  	s0 =	sshra.s32 s30, $0x2;
	v59 =	vperm.xlane v9, v3;
	v6 =	vsel vm9, v6, v7;
	v60 =	vadd.f32 v13, v58  }
0x17d: {  	v62 =	vld [tilespmem:s0+$0x10200];
	v61 =	vperm.xlane v10, v3;
	v5 =	vsel vm10, v6, v5  }
0x17e: {  	v8 =	vadd.f32 v9, v59;
	v5 =	vsel vm11, v5, v60  }
0x17f: {  	v63 =	vadd.f32 v10, v61;
	v4 =	vsel vm12, v5, v4;
	v5 =	vld [tilespmem:s0+$0x10400]  }
0x180: {  	v4 =	vsel vm13, v4, v8  }
0x181: {  	v4 =	vsel vm14, v4, v63  }
0x182: {  	v4 =	vadd.f32 v4, v62;
	_ =	sdelay $0x1  }
0x183: {  	s26 =	sadd.s32 $0x1, s26;
	v4 =	vadd.f32 v4, v5  }
0x184: {  	p0 =	sne.s32 s26, s9  }
.Ltmp1:
0x185: {  	[tilespmem:s0+$0x10600] =	vst v4;
	(pc) =	sbr.rel @p0 .LBB2_1-.Ltmp1, $4  }
0x186: {  	[hbm4b:s8+s2] =	stream.linear.scatter [tilespmem:s25], [sflag:$0x2], $0x200, $0x38;
	[tilespmem:$0x10800] =	vst v63  }
0x187: {  	_ =	swait.ge [sflag:s10], $0x200  }
0x188: {  	[sflag:s10] =	ssyncset.done $0x0  }
0x189: {  	[sflag:s10] =	ssyncadd.s32 $0xFFFFFE00  }
0x18a: {  	_ =	sfence.sel $0x180000  }
0x18b: {  	[bflag:$0x0] =	sbarrier.arrive $0xFFFF  }
0x18c: {  	_ =	strace $0x9000004A  }
0x18d: {  	s0 =	stileid.u32;
	[bflag:$0x2] =	sbarrier.arrive $0xFFFF  }
0x18e: {  	p0 =	sne.s32 s0, $0x0;
	s0 =	rddreg [dreg:$0x3]  }
0x18f: {  	s0 =	sadd.s32 @!p0 $0x100000, s0  }
0x190: {  	[sflag:s0] =	ssyncadd.tile.s32 @!p0 $0x1;
	_ =	shalt  }
.Lfunc_end2:
_tile_overlayer_lowered:
.L_overlay_start_2:
0x191: {  	(tag) =	ssettag $0x2  }
0x192: {  	s0 =	rddreg [dreg:$0x0];
	s2 =	stileid.u32  }
0x193: {  	s1 =	rddreg [dreg:$0x1];
	p0 =	sne.s32 s2, $0x0  }
0x194: {  	s3 =	rddreg [dreg:$0x2];
	[bflag:$0x3] =	sbarrier.arrive $0xFFFF;
	s2 =	simm.s32 @!p0 $0x1C02  }
0x195: {  	[timem:s3], [sflag:s2] =	dma.local @!p0 [hbm:s0], s1  }
0x196: {  	s0 =	simm.s32 @!p0 $0x2  }
0x197: {  	_ =	swait.ge @!p0 [sflag:s0], s1  }
0x198: {  	s1 =	ssub.s32 @!p0 $0x0, s1;
	[sflag:s0] =	ssyncset.done @!p0 $0x0  }
0x199: {  	[sflag:s0] =	ssyncadd.s32 @!p0 s1  }
0x19a: {  	[bflag:$0x3] =	sbarrier.arrive $0xFFFF  }
0x19b: {  	_ =	shalt  }

</sc_bundles>
